<compile_context>
chip_gen: v7x
topology: tpu7x:2x2x1
jax: 0.10.2.dev20260603
libtpu: 0.0.44.dev20260713+nightly
codegen_flags: <defaults>
</compile_context>

<pallas_src>
import functools

import jax
import jax.numpy as jnp
from jax import lax
from jax.experimental import pallas as pl
from jax.experimental.pallas import tpu as pltpu
from jax.experimental.pallas import tpu_sc as plsc

NUM_TOKENS = 1000000
E_DIM = 64
BATCH = 4096
HIST = 200

NC = 2
NS = 16
NW = NC * NS
BBLK = BATCH // NW
NBUF = 4
CTILE = BATCH // 128

_MESH = plsc.VectorSubcoreMesh(core_axis_name="c", subcore_axis_name="s")


@functools.partial(
    pl.kernel,
    mesh=_MESH,
    out_type=jax.ShapeDtypeStruct((HIST, E_DIM // 8, CTILE, 1024), jnp.float32),
    scratch_types=[
        pltpu.VMEM((HIST, BBLK), jnp.int32),
        pltpu.VMEM((NBUF, BBLK, E_DIM), jnp.float32),
        pltpu.VMEM((NBUF, E_DIM // 8, 8 * BBLK), jnp.float32),
        pltpu.SemaphoreType.DMA((NBUF,)),
        pltpu.SemaphoreType.DMA((NBUF,)),
    ],
    compiler_params=pltpu.CompilerParams(
        use_tc_tiling_on_sc=False, needs_layout_passes=False
    ),
)
def _emb_gather(xt2_hbm, table_hbm, out_hbm, idx_v, rows_v, tr_v, gsem, wsem):
    wid = lax.axis_index("s") * NC + lax.axis_index("c")
    b0 = wid * BBLK

    pltpu.sync_copy(xt2_hbm.at[:, pl.ds(b0, BBLK)], idx_v)

    def start_gather(l, s):
        pltpu.async_copy(table_hbm.at[idx_v.at[l]], rows_v.at[s], gsem.at[s])

    def wait_gather(l, s):
        pltpu.make_async_copy(
            table_hbm.at[idx_v.at[l]], rows_v.at[s], gsem.at[s]
        ).wait()

    def start_write(l, s):
        pltpu.async_copy(tr_v.at[s], out_hbm.at[l, :, wid], wsem.at[s])

    def wait_write(l, s):
        pltpu.make_async_copy(
            tr_v.at[s], out_hbm.at[l, :, wid], wsem.at[s]
        ).wait()

    ji = lax.iota(jnp.int32, 16)
    r16 = [(ee * 16 + ji) >> 3 for ee in range(E_DIM // 16)]
    f16 = [((ee * 16 + ji) & 7) * 128 for ee in range(E_DIM // 16)]

    def transpose_block(s):
        @plsc.parallel_loop(0, BBLK, unroll=16)
        def jrow(j):
            jf = jnp.full((16,), j, jnp.int32)
            for ee in range(E_DIM // 16):
                strip = rows_v[s, j, pl.ds(ee * 16, 16)]
                plsc.store_scatter(tr_v.at[s], [r16[ee], f16[ee] + jf], strip)

    start_gather(0, 0)
    start_gather(1, 1)
    start_gather(2, 2)

    def body(i, carry):
        l = i * NBUF
        for s in range(NBUF):
            cur = l + s
            la = cur + 3

            @pl.when(la < HIST)
            def _():
                start_gather(la, (s + 3) % NBUF)

            wait_gather(cur, s)

            @pl.when(cur >= NBUF)
            def _():
                wait_write(cur - NBUF, s)

            transpose_block(s)
            start_write(cur, s)
        return carry

    lax.fori_loop(0, HIST // NBUF, body, 0)

    for s in range(NBUF):
        wait_write(HIST - NBUF + s, s)


def kernel(x, table):
    xt2 = x.T.astype(jnp.int32) * 2
    tp = jnp.pad(table, ((0, 0), (0, 64))).reshape(2 * NUM_TOKENS, E_DIM)
    outp = _emb_gather(xt2, tp)
    out5 = outp.reshape(HIST, E_DIM // 8, CTILE, 8, 128)
    return out5.transpose(2, 4, 0, 1, 3).reshape(BATCH, HIST, E_DIM)

# --- scband reference (transcript-rebuilt; emitter-appended) ---
"""Pipeline reference for scband-base-model-82068235092050 (READ-ONLY COPY).

The authoritative reference and input builder live on the scoring server;
editing this copy changes nothing except your own understanding.
"""

import jax, jax.numpy as jnp
import numpy as np

NUM_TOKENS = 1000000
E_DIM = 64
BATCH = 4096
HIST = 200

def setup_inputs(seed: int = 0) -> dict:
    key = jax.random.key(seed)
    k_idx, k_tab = jax.random.split(key)
    x = jax.random.randint(k_idx, (BATCH, HIST), 0, NUM_TOKENS, dtype=jnp.int64) if jax.config.jax_enable_x64 else jax.random.randint(k_idx, (BATCH, HIST), 0, NUM_TOKENS, dtype=jnp.int32)
    table = jax.random.normal(k_tab, (NUM_TOKENS, E_DIM), dtype=jnp.float32)
    return {"x": x, "table": table}

def reference(x, table):
    # BaseModel forward (concrete subclass behavior): embedding lookup then dropout.
    # dropout=0.0 -> identity in eval/train.
    emb = jnp.take(table, x, axis=0)  # [B, L, e_dim]
    return emb

if __name__ == "__main__":
    import jax
    _d = setup_inputs()
    print(jax.jit(kernel)(*tuple(_d.values())))

</pallas_src>

<mosaic_0001>
#map = affine_map<(d0, d1) -> (0, 0)>
#map1 = affine_map<(d0, d1) -> (0, 0, 0, 0)>
module attributes {stable_mosaic.version = 14 : i64} {
  func.func @_emb_gather(%arg0: i32, %arg1: i32, %arg2: memref<200x4096xi32, #tpu.memory_space<hbm>>, %arg3: memref<2000000x64xf32, #tpu.memory_space<hbm>>, %arg4: memref<200x8x32x1024xf32, #tpu.memory_space<hbm>>, %arg5: memref<200x128xi32, #tpu.memory_space<vmem>>, %arg6: memref<4x128x64xf32, #tpu.memory_space<vmem>>, %arg7: memref<4x8x1024xf32, #tpu.memory_space<vmem>>, %arg8: memref<4x!tpu.dma_semaphore, #tpu.memory_space<semaphore_mem>>, %arg9: memref<4x!tpu.dma_semaphore, #tpu.memory_space<semaphore_mem>>) attributes {dimension_semantics = [#tpu.dimension_semantics<core_parallel>, #tpu.dimension_semantics<subcore_parallel>], iteration_bounds = array<i64: 2, 16>, scalar_prefetch = 0 : i64, scratch_operands = 5 : i64, tpu.core_type = #tpu.core_type<sc_vector_subcore>, window_params = [{transform_indices = #map}, {transform_indices = #map}, {transform_indices = #map1}]} {
    %mul3A = arith.constant 2 : i32
    %mul3A_0 = arith.muli %arg1, %mul3A : i32
    %add3A = arith.addi %mul3A_0, %arg0 : i32
    %mul3A_1 = arith.constant 128 : i32
    %mul3A_2 = arith.muli %add3A, %mul3A_1 : i32
    "tpu.region"() ({
      %run_scoped3A = tpu.sem_alloc : memref<!tpu.dma_semaphore, #tpu.memory_space<semaphore_mem>>
      %dma_start3A_193 = arith.constant 0 : i32
      %dma_start3A_194 = tpu.memref_slice %arg2[%dma_start3A_193, %mul3A_2] : memref<200x4096xi32, #tpu.memory_space<hbm>> -> memref<200x128xi32, #tpu.memory_space<hbm>>
      %dma_start3A_195 = arith.constant 0 : i32
      %dma_start3A_196 = tpu.memref_slice %arg2[%dma_start3A_195, %mul3A_2] : memref<200x4096xi32, #tpu.memory_space<hbm>> -> memref<200x128xi32, #tpu.memory_space<hbm>>
      tpu.enqueue_dma source(%dma_start3A_196 : memref<200x128xi32, #tpu.memory_space<hbm>>) target(%arg5 : memref<200x128xi32, #tpu.memory_space<vmem>>) target_semaphore(%run_scoped3A : memref<!tpu.dma_semaphore, #tpu.memory_space<semaphore_mem>>)
      %dma_wait3A_197 = arith.constant 0 : i32
      %dma_wait3A_198 = tpu.memref_slice %arg2[%dma_wait3A_197, %mul3A_2] : memref<200x4096xi32, #tpu.memory_space<hbm>> -> memref<200x128xi32, #tpu.memory_space<hbm>>
      %dma_wait3A_199 = arith.constant 0 : i32
      %dma_wait3A_200 = tpu.memref_slice %arg2[%dma_wait3A_199, %mul3A_2] : memref<200x4096xi32, #tpu.memory_space<hbm>> -> memref<200x128xi32, #tpu.memory_space<hbm>>
      tpu.wait_dma2 semaphore(%run_scoped3A : memref<!tpu.dma_semaphore, #tpu.memory_space<semaphore_mem>>) src(%dma_wait3A_200 : memref<200x128xi32, #tpu.memory_space<hbm>>) dst(%arg5 : memref<200x128xi32, #tpu.memory_space<vmem>>)
      tpu.yield
    }) : () -> ()
    %iota3A = tpu.iota {dimensions = array<i32: 0>} : vector<16xi32>
    %add3A_3 = arith.constant 0 : i32
    %add3A_4 = vector.broadcast %add3A_3 : i32 to vector<16xi32>
    %add3A_5 = arith.addi %add3A_4, %iota3A : vector<16xi32>
    %shift_right_arithmetic3A = arith.constant 3 : i32
    %shift_right_arithmetic3A_6 = vector.broadcast %shift_right_arithmetic3A : i32 to vector<16xi32>
    %shift_right_arithmetic3A_7 = arith.shrsi %add3A_5, %shift_right_arithmetic3A_6 : vector<16xi32>
    %add3A_8 = arith.constant 16 : i32
    %add3A_9 = vector.broadcast %add3A_8 : i32 to vector<16xi32>
    %add3A_10 = arith.addi %add3A_9, %iota3A : vector<16xi32>
    %shift_right_arithmetic3A_11 = arith.constant 3 : i32
    %shift_right_arithmetic3A_12 = vector.broadcast %shift_right_arithmetic3A_11 : i32 to vector<16xi32>
    %shift_right_arithmetic3A_13 = arith.shrsi %add3A_10, %shift_right_arithmetic3A_12 : vector<16xi32>
    %add3A_14 = arith.constant 32 : i32
    %add3A_15 = vector.broadcast %add3A_14 : i32 to vector<16xi32>
    %add3A_16 = arith.addi %add3A_15, %iota3A : vector<16xi32>
    %shift_right_arithmetic3A_17 = arith.constant 3 : i32
    %shift_right_arithmetic3A_18 = vector.broadcast %shift_right_arithmetic3A_17 : i32 to vector<16xi32>
    %shift_right_arithmetic3A_19 = arith.shrsi %add3A_16, %shift_right_arithmetic3A_18 : vector<16xi32>
    %add3A_20 = arith.constant 48 : i32
    %add3A_21 = vector.broadcast %add3A_20 : i32 to vector<16xi32>
    %add3A_22 = arith.addi %add3A_21, %iota3A : vector<16xi32>
    %shift_right_arithmetic3A_23 = arith.constant 3 : i32
    %shift_right_arithmetic3A_24 = vector.broadcast %shift_right_arithmetic3A_23 : i32 to vector<16xi32>
    %shift_right_arithmetic3A_25 = arith.shrsi %add3A_22, %shift_right_arithmetic3A_24 : vector<16xi32>
    %add3A_26 = arith.constant 0 : i32
    %add3A_27 = vector.broadcast %add3A_26 : i32 to vector<16xi32>
    %add3A_28 = arith.addi %add3A_27, %iota3A : vector<16xi32>
    %and3A = arith.constant 7 : i32
    %and3A_29 = vector.broadcast %and3A : i32 to vector<16xi32>
    %and3A_30 = arith.andi %add3A_28, %and3A_29 : vector<16xi32>
    %mul3A_31 = arith.constant 128 : i32
    %mul3A_32 = vector.broadcast %mul3A_31 : i32 to vector<16xi32>
    %mul3A_33 = arith.muli %and3A_30, %mul3A_32 : vector<16xi32>
    %add3A_34 = arith.constant 16 : i32
    %add3A_35 = vector.broadcast %add3A_34 : i32 to vector<16xi32>
    %add3A_36 = arith.addi %add3A_35, %iota3A : vector<16xi32>
    %and3A_37 = arith.constant 7 : i32
    %and3A_38 = vector.broadcast %and3A_37 : i32 to vector<16xi32>
    %and3A_39 = arith.andi %add3A_36, %and3A_38 : vector<16xi32>
    %mul3A_40 = arith.constant 128 : i32
    %mul3A_41 = vector.broadcast %mul3A_40 : i32 to vector<16xi32>
    %mul3A_42 = arith.muli %and3A_39, %mul3A_41 : vector<16xi32>
    %add3A_43 = arith.constant 32 : i32
    %add3A_44 = vector.broadcast %add3A_43 : i32 to vector<16xi32>
    %add3A_45 = arith.addi %add3A_44, %iota3A : vector<16xi32>
    %and3A_46 = arith.constant 7 : i32
    %and3A_47 = vector.broadcast %and3A_46 : i32 to vector<16xi32>
    %and3A_48 = arith.andi %add3A_45, %and3A_47 : vector<16xi32>
    %mul3A_49 = arith.constant 128 : i32
    %mul3A_50 = vector.broadcast %mul3A_49 : i32 to vector<16xi32>
    %mul3A_51 = arith.muli %and3A_48, %mul3A_50 : vector<16xi32>
    %add3A_52 = arith.constant 48 : i32
    %add3A_53 = vector.broadcast %add3A_52 : i32 to vector<16xi32>
    %add3A_54 = arith.addi %add3A_53, %iota3A : vector<16xi32>
    %and3A_55 = arith.constant 7 : i32
    %and3A_56 = vector.broadcast %and3A_55 : i32 to vector<16xi32>
    %and3A_57 = arith.andi %add3A_54, %and3A_56 : vector<16xi32>
    %mul3A_58 = arith.constant 128 : i32
    %mul3A_59 = vector.broadcast %mul3A_58 : i32 to vector<16xi32>
    %mul3A_60 = arith.muli %and3A_57, %mul3A_59 : vector<16xi32>
    %dma_start3A = arith.constant 0 : i32
    %dma_start3A_61 = arith.constant 0 : i32
    %dma_start3A_62 = arith.constant 0 : i32
    %dma_start3A_63 = arith.constant 0 : i32
    %dma_start3A_64 = arith.constant 0 : i32
    %dma_start3A_65 = tpu.memref_slice %arg6[%dma_start3A_61, %dma_start3A_63, %dma_start3A_64] : memref<4x128x64xf32, #tpu.memory_space<vmem>> -> memref<1x128x64xf32, #tpu.memory_space<vmem>>
    %dma_start3A_66 = tpu.memref_squeeze %dma_start3A_65 : memref<1x128x64xf32, #tpu.memory_space<vmem>> -> memref<128x64xf32, #tpu.memory_space<vmem>>
    %dma_start3A_67 = arith.constant 0 : i32
    %dma_start3A_68 = tpu.memref_slice %arg5[%dma_start3A, %dma_start3A_67] : memref<200x128xi32, #tpu.memory_space<vmem>> -> memref<1x128xi32, #tpu.memory_space<vmem>>
    %dma_start3A_69 = tpu.memref_squeeze %dma_start3A_68 : memref<1x128xi32, #tpu.memory_space<vmem>> -> memref<128xi32, #tpu.memory_space<vmem>>
    %dma_start3A_70 = arith.constant 0 : i32
    %dma_start3A_71 = arith.constant 0 : i32
    %dma_start3A_72 = tpu.memref_slice %arg3[%dma_start3A_70, %dma_start3A_71] : memref<2000000x64xf32, #tpu.memory_space<hbm>> -> memref<2000000x64xf32, #tpu.memory_space<hbm>>
    %dma_start3A_73 = tpu.memref_slice %arg8[%dma_start3A_62] : memref<4x!tpu.dma_semaphore, #tpu.memory_space<semaphore_mem>> -> memref<1x!tpu.dma_semaphore, #tpu.memory_space<semaphore_mem>>
    %dma_start3A_74 = tpu.memref_squeeze %dma_start3A_73 : memref<1x!tpu.dma_semaphore, #tpu.memory_space<semaphore_mem>> -> memref<!tpu.dma_semaphore, #tpu.memory_space<semaphore_mem>>
    tpu.enqueue_indirect_dma source(%dma_start3A_72 : memref<2000000x64xf32, #tpu.memory_space<hbm>>) target(%dma_start3A_66 : memref<128x64xf32, #tpu.memory_space<vmem>>) offsets(%dma_start3A_69 : memref<128xi32, #tpu.memory_space<vmem>>) semaphore(%dma_start3A_74 : memref<!tpu.dma_semaphore, #tpu.memory_space<semaphore_mem>>)
    %dma_start3A_75 = arith.constant 1 : i32
    %dma_start3A_76 = arith.constant 1 : i32
    %dma_start3A_77 = arith.constant 1 : i32
    %dma_start3A_78 = arith.constant 0 : i32
    %dma_start3A_79 = arith.constant 0 : i32
    %dma_start3A_80 = tpu.memref_slice %arg6[%dma_start3A_76, %dma_start3A_78, %dma_start3A_79] : memref<4x128x64xf32, #tpu.memory_space<vmem>> -> memref<1x128x64xf32, #tpu.memory_space<vmem>>
    %dma_start3A_81 = tpu.memref_squeeze %dma_start3A_80 : memref<1x128x64xf32, #tpu.memory_space<vmem>> -> memref<128x64xf32, #tpu.memory_space<vmem>>
    %dma_start3A_82 = arith.constant 0 : i32
    %dma_start3A_83 = tpu.memref_slice %arg5[%dma_start3A_75, %dma_start3A_82] : memref<200x128xi32, #tpu.memory_space<vmem>> -> memref<1x128xi32, #tpu.memory_space<vmem>>
    %dma_start3A_84 = tpu.memref_squeeze %dma_start3A_83 : memref<1x128xi32, #tpu.memory_space<vmem>> -> memref<128xi32, #tpu.memory_space<vmem>>
    %dma_start3A_85 = arith.constant 0 : i32
    %dma_start3A_86 = arith.constant 0 : i32
    %dma_start3A_87 = tpu.memref_slice %arg3[%dma_start3A_85, %dma_start3A_86] : memref<2000000x64xf32, #tpu.memory_space<hbm>> -> memref<2000000x64xf32, #tpu.memory_space<hbm>>
    %dma_start3A_88 = tpu.memref_slice %arg8[%dma_start3A_77] : memref<4x!tpu.dma_semaphore, #tpu.memory_space<semaphore_mem>> -> memref<1x!tpu.dma_semaphore, #tpu.memory_space<semaphore_mem>>
    %dma_start3A_89 = tpu.memref_squeeze %dma_start3A_88 : memref<1x!tpu.dma_semaphore, #tpu.memory_space<semaphore_mem>> -> memref<!tpu.dma_semaphore, #tpu.memory_space<semaphore_mem>>
    tpu.enqueue_indirect_dma source(%dma_start3A_87 : memref<2000000x64xf32, #tpu.memory_space<hbm>>) target(%dma_start3A_81 : memref<128x64xf32, #tpu.memory_space<vmem>>) offsets(%dma_start3A_84 : memref<128xi32, #tpu.memory_space<vmem>>) semaphore(%dma_start3A_89 : memref<!tpu.dma_semaphore, #tpu.memory_space<semaphore_mem>>)
    %dma_start3A_90 = arith.constant 2 : i32
    %dma_start3A_91 = arith.constant 2 : i32
    %dma_start3A_92 = arith.constant 2 : i32
    %dma_start3A_93 = arith.constant 0 : i32
    %dma_start3A_94 = arith.constant 0 : i32
    %dma_start3A_95 = tpu.memref_slice %arg6[%dma_start3A_91, %dma_start3A_93, %dma_start3A_94] : memref<4x128x64xf32, #tpu.memory_space<vmem>> -> memref<1x128x64xf32, #tpu.memory_space<vmem>>
    %dma_start3A_96 = tpu.memref_squeeze %dma_start3A_95 : memref<1x128x64xf32, #tpu.memory_space<vmem>> -> memref<128x64xf32, #tpu.memory_space<vmem>>
    %dma_start3A_97 = arith.constant 0 : i32
    %dma_start3A_98 = tpu.memref_slice %arg5[%dma_start3A_90, %dma_start3A_97] : memref<200x128xi32, #tpu.memory_space<vmem>> -> memref<1x128xi32, #tpu.memory_space<vmem>>
    %dma_start3A_99 = tpu.memref_squeeze %dma_start3A_98 : memref<1x128xi32, #tpu.memory_space<vmem>> -> memref<128xi32, #tpu.memory_space<vmem>>
    %dma_start3A_100 = arith.constant 0 : i32
    %dma_start3A_101 = arith.constant 0 : i32
    %dma_start3A_102 = tpu.memref_slice %arg3[%dma_start3A_100, %dma_start3A_101] : memref<2000000x64xf32, #tpu.memory_space<hbm>> -> memref<2000000x64xf32, #tpu.memory_space<hbm>>
    %dma_start3A_103 = tpu.memref_slice %arg8[%dma_start3A_92] : memref<4x!tpu.dma_semaphore, #tpu.memory_space<semaphore_mem>> -> memref<1x!tpu.dma_semaphore, #tpu.memory_space<semaphore_mem>>
    %dma_start3A_104 = tpu.memref_squeeze %dma_start3A_103 : memref<1x!tpu.dma_semaphore, #tpu.memory_space<semaphore_mem>> -> memref<!tpu.dma_semaphore, #tpu.memory_space<semaphore_mem>>
    tpu.enqueue_indirect_dma source(%dma_start3A_102 : memref<2000000x64xf32, #tpu.memory_space<hbm>>) target(%dma_start3A_96 : memref<128x64xf32, #tpu.memory_space<vmem>>) offsets(%dma_start3A_99 : memref<128xi32, #tpu.memory_space<vmem>>) semaphore(%dma_start3A_104 : memref<!tpu.dma_semaphore, #tpu.memory_space<semaphore_mem>>)
    %scan3A = arith.constant 0 : i32
    %scan3A_105 = arith.constant 0 : i32
    %scan3A_106 = arith.constant 50 : i32
    %scan3A_107 = arith.addi %scan3A_105, %scan3A_106 : i32
    %scan3A_108 = arith.constant 1 : i32
    scf.for %scan3A_193 = %scan3A_105 to %scan3A_107 step %scan3A_108  : i32 {
      %mul3A_194 = arith.constant 4 : i32
      %mul3A_195 = arith.muli %scan3A_193, %mul3A_194 : i32
      %add3A_196 = arith.constant 0 : i32
      %add3A_197 = arith.addi %mul3A_195, %add3A_196 : i32
      %add3A_198 = arith.constant 3 : i32
      %add3A_199 = arith.addi %add3A_197, %add3A_198 : i32
      %lt3A = arith.constant 200 : i32
      %lt3A_200 = arith.cmpi slt, %add3A_199, %lt3A : i32
      %convert_element_type3A = arith.extui %lt3A_200 : i1 to i32
      %cond3A = arith.constant 0 : i32
      %cond3A_201 = arith.cmpi ne, %convert_element_type3A, %cond3A : i32
      scf.if %cond3A_201 {
        %dma_start3A_395 = arith.constant 3 : i32
        %dma_start3A_396 = arith.constant 3 : i32
        %dma_start3A_397 = arith.constant 0 : i32
        %dma_start3A_398 = arith.constant 0 : i32
        %dma_start3A_399 = tpu.memref_slice %arg6[%dma_start3A_395, %dma_start3A_397, %dma_start3A_398] : memref<4x128x64xf32, #tpu.memory_space<vmem>> -> memref<1x128x64xf32, #tpu.memory_space<vmem>>
        %dma_start3A_400 = tpu.memref_squeeze %dma_start3A_399 : memref<1x128x64xf32, #tpu.memory_space<vmem>> -> memref<128x64xf32, #tpu.memory_space<vmem>>
        %dma_start3A_401 = arith.constant 0 : i32
        %dma_start3A_402 = tpu.memref_slice %arg5[%add3A_199, %dma_start3A_401] : memref<200x128xi32, #tpu.memory_space<vmem>> -> memref<1x128xi32, #tpu.memory_space<vmem>>
        %dma_start3A_403 = tpu.memref_squeeze %dma_start3A_402 : memref<1x128xi32, #tpu.memory_space<vmem>> -> memref<128xi32, #tpu.memory_space<vmem>>
        %dma_start3A_404 = arith.constant 0 : i32
        %dma_start3A_405 = arith.constant 0 : i32
        %dma_start3A_406 = tpu.memref_slice %arg3[%dma_start3A_404, %dma_start3A_405] : memref<2000000x64xf32, #tpu.memory_space<hbm>> -> memref<2000000x64xf32, #tpu.memory_space<hbm>>
        %dma_start3A_407 = tpu.memref_slice %arg8[%dma_start3A_396] : memref<4x!tpu.dma_semaphore, #tpu.memory_space<semaphore_mem>> -> memref<1x!tpu.dma_semaphore, #tpu.memory_space<semaphore_mem>>
        %dma_start3A_408 = tpu.memref_squeeze %dma_start3A_407 : memref<1x!tpu.dma_semaphore, #tpu.memory_space<semaphore_mem>> -> memref<!tpu.dma_semaphore, #tpu.memory_space<semaphore_mem>>
        tpu.enqueue_indirect_dma source(%dma_start3A_406 : memref<2000000x64xf32, #tpu.memory_space<hbm>>) target(%dma_start3A_400 : memref<128x64xf32, #tpu.memory_space<vmem>>) offsets(%dma_start3A_403 : memref<128xi32, #tpu.memory_space<vmem>>) semaphore(%dma_start3A_408 : memref<!tpu.dma_semaphore, #tpu.memory_space<semaphore_mem>>)
      } else {
      }
      %dma_wait3A_202 = arith.constant 0 : i32
      %dma_wait3A_203 = arith.constant 0 : i32
      %dma_wait3A_204 = arith.constant 0 : i32
      %dma_wait3A_205 = arith.constant 0 : i32
      %dma_wait3A_206 = tpu.memref_slice %arg6[%dma_wait3A_202, %dma_wait3A_204, %dma_wait3A_205] : memref<4x128x64xf32, #tpu.memory_space<vmem>> -> memref<1x128x64xf32, #tpu.memory_space<vmem>>
      %dma_wait3A_207 = tpu.memref_squeeze %dma_wait3A_206 : memref<1x128x64xf32, #tpu.memory_space<vmem>> -> memref<128x64xf32, #tpu.memory_space<vmem>>
      %dma_wait3A_208 = arith.constant 0 : i32
      %dma_wait3A_209 = tpu.memref_slice %arg5[%add3A_197, %dma_wait3A_208] : memref<200x128xi32, #tpu.memory_space<vmem>> -> memref<1x128xi32, #tpu.memory_space<vmem>>
      %dma_wait3A_210 = tpu.memref_squeeze %dma_wait3A_209 : memref<1x128xi32, #tpu.memory_space<vmem>> -> memref<128xi32, #tpu.memory_space<vmem>>
      %dma_wait3A_211 = arith.constant 0 : i32
      %dma_wait3A_212 = arith.constant 0 : i32
      %dma_wait3A_213 = tpu.memref_slice %arg3[%dma_wait3A_211, %dma_wait3A_212] : memref<2000000x64xf32, #tpu.memory_space<hbm>> -> memref<2000000x64xf32, #tpu.memory_space<hbm>>
      %dma_wait3A_214 = tpu.memref_slice %arg8[%dma_wait3A_203] : memref<4x!tpu.dma_semaphore, #tpu.memory_space<semaphore_mem>> -> memref<1x!tpu.dma_semaphore, #tpu.memory_space<semaphore_mem>>
      %dma_wait3A_215 = tpu.memref_squeeze %dma_wait3A_214 : memref<1x!tpu.dma_semaphore, #tpu.memory_space<semaphore_mem>> -> memref<!tpu.dma_semaphore, #tpu.memory_space<semaphore_mem>>
      tpu.wait_indirect_dma semaphore(%dma_wait3A_215 : memref<!tpu.dma_semaphore, #tpu.memory_space<semaphore_mem>>) src(%dma_wait3A_213 : memref<2000000x64xf32, #tpu.memory_space<hbm>>) dst(%dma_wait3A_207 : memref<128x64xf32, #tpu.memory_space<vmem>>)
      %ge3A = arith.constant 4 : i32
      %ge3A_216 = arith.cmpi sge, %add3A_197, %ge3A : i32
      %convert_element_type3A_217 = arith.extui %ge3A_216 : i1 to i32
      %cond3A_218 = arith.constant 0 : i32
      %cond3A_219 = arith.cmpi ne, %convert_element_type3A_217, %cond3A_218 : i32
      scf.if %cond3A_219 {
        %sub3A = arith.constant 4 : i32
        %sub3A_395 = arith.subi %add3A_197, %sub3A : i32
        %dma_wait3A_396 = arith.constant 0 : i32
        %dma_wait3A_397 = arith.constant 0 : i32
        %dma_wait3A_398 = arith.constant 0 : i32
        %dma_wait3A_399 = arith.constant 0 : i32
        %dma_wait3A_400 = tpu.memref_slice %arg7[%dma_wait3A_396, %dma_wait3A_398, %dma_wait3A_399] : memref<4x8x1024xf32, #tpu.memory_space<vmem>> -> memref<1x8x1024xf32, #tpu.memory_space<vmem>>
        %dma_wait3A_401 = tpu.memref_squeeze %dma_wait3A_400 : memref<1x8x1024xf32, #tpu.memory_space<vmem>> -> memref<8x1024xf32, #tpu.memory_space<vmem>>
        %dma_wait3A_402 = arith.constant 0 : i32
        %dma_wait3A_403 = arith.constant 0 : i32
        %dma_wait3A_404 = tpu.memref_slice %arg4[%sub3A_395, %dma_wait3A_402, %add3A, %dma_wait3A_403] : memref<200x8x32x1024xf32, #tpu.memory_space<hbm>> -> memref<1x8x1x1024xf32, #tpu.memory_space<hbm>>
        %dma_wait3A_405 = tpu.memref_squeeze %dma_wait3A_404 : memref<1x8x1x1024xf32, #tpu.memory_space<hbm>> -> memref<8x1024xf32, #tpu.memory_space<hbm>>
        %dma_wait3A_406 = tpu.memref_slice %arg9[%dma_wait3A_397] : memref<4x!tpu.dma_semaphore, #tpu.memory_space<semaphore_mem>> -> memref<1x!tpu.dma_semaphore, #tpu.memory_space<semaphore_mem>>
        %dma_wait3A_407 = tpu.memref_squeeze %dma_wait3A_406 : memref<1x!tpu.dma_semaphore, #tpu.memory_space<semaphore_mem>> -> memref<!tpu.dma_semaphore, #tpu.memory_space<semaphore_mem>>
        %dma_wait3A_408 = arith.constant 0 : i32
        %dma_wait3A_409 = arith.constant 0 : i32
        %dma_wait3A_410 = tpu.memref_slice %arg4[%sub3A_395, %dma_wait3A_408, %add3A, %dma_wait3A_409] : memref<200x8x32x1024xf32, #tpu.memory_space<hbm>> -> memref<1x8x1x1024xf32, #tpu.memory_space<hbm>>
        %dma_wait3A_411 = tpu.memref_squeeze %dma_wait3A_410 : memref<1x8x1x1024xf32, #tpu.memory_space<hbm>> -> memref<8x1024xf32, #tpu.memory_space<hbm>>
        %dma_wait3A_412 = arith.constant 0 : i32
        %dma_wait3A_413 = arith.constant 0 : i32
        %dma_wait3A_414 = tpu.memref_slice %arg7[%dma_wait3A_396, %dma_wait3A_412, %dma_wait3A_413] : memref<4x8x1024xf32, #tpu.memory_space<vmem>> -> memref<1x8x1024xf32, #tpu.memory_space<vmem>>
        %dma_wait3A_415 = tpu.memref_squeeze %dma_wait3A_414 : memref<1x8x1024xf32, #tpu.memory_space<vmem>> -> memref<8x1024xf32, #tpu.memory_space<vmem>>
        tpu.wait_dma2 semaphore(%dma_wait3A_407 : memref<!tpu.dma_semaphore, #tpu.memory_space<semaphore_mem>>) src(%dma_wait3A_415 : memref<8x1024xf32, #tpu.memory_space<vmem>>) dst(%dma_wait3A_411 : memref<8x1024xf32, #tpu.memory_space<hbm>>)
      } else {
      }
      %parallel_loop3A = arith.constant 0 : i32
      %parallel_loop3A_220 = arith.constant 128 : i32
      %parallel_loop3A_221 = arith.constant 1 : i32
      scf.for %parallel_loop3A_395 = %parallel_loop3A to %parallel_loop3A_220 step %parallel_loop3A_221  : i32 {
        %parallel_loop3A_396 = vector.broadcast %parallel_loop3A_395 : i32 to vector<16xi32>
        %parallel_loop3A_397 = arith.constant 0 : i32
        %parallel_loop3A_398 = arith.index_cast %parallel_loop3A_397 : i32 to index
        %parallel_loop3A_399 = arith.index_cast %parallel_loop3A_395 : i32 to index
        %parallel_loop3A_400 = arith.constant 0 : index
        %parallel_loop3A_401 = tpu.vector_load %arg6[%parallel_loop3A_398, %parallel_loop3A_399, %parallel_loop3A_400] {strides = array<i32>} : memref<4x128x64xf32, #tpu.memory_space<vmem>>, vector<16xf32>,
        %parallel_loop3A_402 = arith.addi %mul3A_33, %parallel_loop3A_396 : vector<16xi32>
        %parallel_loop3A_403 = arith.constant 0 : i32
        %parallel_loop3A_404 = arith.constant 0 : i32
        %parallel_loop3A_405 = arith.constant 0 : i32
        %parallel_loop3A_406 = tpu.memref_slice %arg7[%parallel_loop3A_403, %parallel_loop3A_404, %parallel_loop3A_405] : memref<4x8x1024xf32, #tpu.memory_space<vmem>> -> memref<1x8x1024xf32, #tpu.memory_space<vmem>>
        %parallel_loop3A_407 = tpu.memref_squeeze %parallel_loop3A_406 : memref<1x8x1024xf32, #tpu.memory_space<vmem>> -> memref<8x1024xf32, #tpu.memory_space<vmem>>
        tpu.vector_store_idx %parallel_loop3A_407[%shift_right_arithmetic3A_7, %parallel_loop3A_402], %parallel_loop3A_401 : memref<8x1024xf32, #tpu.memory_space<vmem>>[vector<16xi32>, vector<16xi32>], vector<16xf32>,
        %parallel_loop3A_408 = arith.constant 0 : i32
        %parallel_loop3A_409 = arith.index_cast %parallel_loop3A_408 : i32 to index
        %parallel_loop3A_410 = arith.index_cast %parallel_loop3A_395 : i32 to index
        %parallel_loop3A_411 = arith.constant 16 : index
        %parallel_loop3A_412 = tpu.vector_load %arg6[%parallel_loop3A_409, %parallel_loop3A_410, %parallel_loop3A_411] {strides = array<i32>} : memref<4x128x64xf32, #tpu.memory_space<vmem>>, vector<16xf32>,
        %parallel_loop3A_413 = arith.addi %mul3A_42, %parallel_loop3A_396 : vector<16xi32>
        %parallel_loop3A_414 = arith.constant 0 : i32
        %parallel_loop3A_415 = arith.constant 0 : i32
        %parallel_loop3A_416 = arith.constant 0 : i32
        %parallel_loop3A_417 = tpu.memref_slice %arg7[%parallel_loop3A_414, %parallel_loop3A_415, %parallel_loop3A_416] : memref<4x8x1024xf32, #tpu.memory_space<vmem>> -> memref<1x8x1024xf32, #tpu.memory_space<vmem>>
        %parallel_loop3A_418 = tpu.memref_squeeze %parallel_loop3A_417 : memref<1x8x1024xf32, #tpu.memory_space<vmem>> -> memref<8x1024xf32, #tpu.memory_space<vmem>>
        tpu.vector_store_idx %parallel_loop3A_418[%shift_right_arithmetic3A_13, %parallel_loop3A_413], %parallel_loop3A_412 : memref<8x1024xf32, #tpu.memory_space<vmem>>[vector<16xi32>, vector<16xi32>], vector<16xf32>,
        %parallel_loop3A_419 = arith.constant 0 : i32
        %parallel_loop3A_420 = arith.index_cast %parallel_loop3A_419 : i32 to index
        %parallel_loop3A_421 = arith.index_cast %parallel_loop3A_395 : i32 to index
        %parallel_loop3A_422 = arith.constant 32 : index
        %parallel_loop3A_423 = tpu.vector_load %arg6[%parallel_loop3A_420, %parallel_loop3A_421, %parallel_loop3A_422] {strides = array<i32>} : memref<4x128x64xf32, #tpu.memory_space<vmem>>, vector<16xf32>,
        %parallel_loop3A_424 = arith.addi %mul3A_51, %parallel_loop3A_396 : vector<16xi32>
        %parallel_loop3A_425 = arith.constant 0 : i32
        %parallel_loop3A_426 = arith.constant 0 : i32
        %parallel_loop3A_427 = arith.constant 0 : i32
        %parallel_loop3A_428 = tpu.memref_slice %arg7[%parallel_loop3A_425, %parallel_loop3A_426, %parallel_loop3A_427] : memref<4x8x1024xf32, #tpu.memory_space<vmem>> -> memref<1x8x1024xf32, #tpu.memory_space<vmem>>
        %parallel_loop3A_429 = tpu.memref_squeeze %parallel_loop3A_428 : memref<1x8x1024xf32, #tpu.memory_space<vmem>> -> memref<8x1024xf32, #tpu.memory_space<vmem>>
        tpu.vector_store_idx %parallel_loop3A_429[%shift_right_arithmetic3A_19, %parallel_loop3A_424], %parallel_loop3A_423 : memref<8x1024xf32, #tpu.memory_space<vmem>>[vector<16xi32>, vector<16xi32>], vector<16xf32>,
        %parallel_loop3A_430 = arith.constant 0 : i32
        %parallel_loop3A_431 = arith.index_cast %parallel_loop3A_430 : i32 to index
        %parallel_loop3A_432 = arith.index_cast %parallel_loop3A_395 : i32 to index
        %parallel_loop3A_433 = arith.constant 48 : index
        %parallel_loop3A_434 = tpu.vector_load %arg6[%parallel_loop3A_431, %parallel_loop3A_432, %parallel_loop3A_433] {strides = array<i32>} : memref<4x128x64xf32, #tpu.memory_space<vmem>>, vector<16xf32>,
        %parallel_loop3A_435 = arith.addi %mul3A_60, %parallel_loop3A_396 : vector<16xi32>
        %parallel_loop3A_436 = arith.constant 0 : i32
        %parallel_loop3A_437 = arith.constant 0 : i32
        %parallel_loop3A_438 = arith.constant 0 : i32
        %parallel_loop3A_439 = tpu.memref_slice %arg7[%parallel_loop3A_436, %parallel_loop3A_437, %parallel_loop3A_438] : memref<4x8x1024xf32, #tpu.memory_space<vmem>> -> memref<1x8x1024xf32, #tpu.memory_space<vmem>>
        %parallel_loop3A_440 = tpu.memref_squeeze %parallel_loop3A_439 : memref<1x8x1024xf32, #tpu.memory_space<vmem>> -> memref<8x1024xf32, #tpu.memory_space<vmem>>
        tpu.vector_store_idx %parallel_loop3A_440[%shift_right_arithmetic3A_25, %parallel_loop3A_435], %parallel_loop3A_434 : memref<8x1024xf32, #tpu.memory_space<vmem>>[vector<16xi32>, vector<16xi32>], vector<16xf32>,
      } {sc.loop_unroll_factor = 16 : i64, sc.parallel_access}
      %dma_start3A_222 = arith.constant 0 : i32
      %dma_start3A_223 = arith.constant 0 : i32
      %dma_start3A_224 = arith.constant 0 : i32
      %dma_start3A_225 = arith.constant 0 : i32
      %dma_start3A_226 = tpu.memref_slice %arg7[%dma_start3A_222, %dma_start3A_224, %dma_start3A_225] : memref<4x8x1024xf32, #tpu.memory_space<vmem>> -> memref<1x8x1024xf32, #tpu.memory_space<vmem>>
      %dma_start3A_227 = tpu.memref_squeeze %dma_start3A_226 : memref<1x8x1024xf32, #tpu.memory_space<vmem>> -> memref<8x1024xf32, #tpu.memory_space<vmem>>
      %dma_start3A_228 = arith.constant 0 : i32
      %dma_start3A_229 = arith.constant 0 : i32
      %dma_start3A_230 = tpu.memref_slice %arg4[%add3A_197, %dma_start3A_228, %add3A, %dma_start3A_229] : memref<200x8x32x1024xf32, #tpu.memory_space<hbm>> -> memref<1x8x1x1024xf32, #tpu.memory_space<hbm>>
      %dma_start3A_231 = tpu.memref_squeeze %dma_start3A_230 : memref<1x8x1x1024xf32, #tpu.memory_space<hbm>> -> memref<8x1024xf32, #tpu.memory_space<hbm>>
      %dma_start3A_232 = tpu.memref_slice %arg9[%dma_start3A_223] : memref<4x!tpu.dma_semaphore, #tpu.memory_space<semaphore_mem>> -> memref<1x!tpu.dma_semaphore, #tpu.memory_space<semaphore_mem>>
      %dma_start3A_233 = tpu.memref_squeeze %dma_start3A_232 : memref<1x!tpu.dma_semaphore, #tpu.memory_space<semaphore_mem>> -> memref<!tpu.dma_semaphore, #tpu.memory_space<semaphore_mem>>
      %dma_start3A_234 = arith.constant 0 : i32
      %dma_start3A_235 = arith.constant 0 : i32
      %dma_start3A_236 = tpu.memref_slice %arg4[%add3A_197, %dma_start3A_234, %add3A, %dma_start3A_235] : memref<200x8x32x1024xf32, #tpu.memory_space<hbm>> -> memref<1x8x1x1024xf32, #tpu.memory_space<hbm>>
      %dma_start3A_237 = tpu.memref_squeeze %dma_start3A_236 : memref<1x8x1x1024xf32, #tpu.memory_space<hbm>> -> memref<8x1024xf32, #tpu.memory_space<hbm>>
      %dma_start3A_238 = arith.constant 0 : i32
      %dma_start3A_239 = arith.constant 0 : i32
      %dma_start3A_240 = tpu.memref_slice %arg7[%dma_start3A_222, %dma_start3A_238, %dma_start3A_239] : memref<4x8x1024xf32, #tpu.memory_space<vmem>> -> memref<1x8x1024xf32, #tpu.memory_space<vmem>>
      %dma_start3A_241 = tpu.memref_squeeze %dma_start3A_240 : memref<1x8x1024xf32, #tpu.memory_space<vmem>> -> memref<8x1024xf32, #tpu.memory_space<vmem>>
      tpu.enqueue_dma source(%dma_start3A_241 : memref<8x1024xf32, #tpu.memory_space<vmem>>) target(%dma_start3A_237 : memref<8x1024xf32, #tpu.memory_space<hbm>>) target_semaphore(%dma_start3A_233 : memref<!tpu.dma_semaphore, #tpu.memory_space<semaphore_mem>>)
      %add3A_242 = arith.constant 1 : i32
      %add3A_243 = arith.addi %mul3A_195, %add3A_242 : i32
      %add3A_244 = arith.constant 3 : i32
      %add3A_245 = arith.addi %add3A_243, %add3A_244 : i32
      %lt3A_246 = arith.constant 200 : i32
      %lt3A_247 = arith.cmpi slt, %add3A_245, %lt3A_246 : i32
      %convert_element_type3A_248 = arith.extui %lt3A_247 : i1 to i32
      %cond3A_249 = arith.constant 0 : i32
      %cond3A_250 = arith.cmpi ne, %convert_element_type3A_248, %cond3A_249 : i32
      scf.if %cond3A_250 {
        %dma_start3A_395 = arith.constant 0 : i32
        %dma_start3A_396 = arith.constant 0 : i32
        %dma_start3A_397 = arith.constant 0 : i32
        %dma_start3A_398 = arith.constant 0 : i32
        %dma_start3A_399 = tpu.memref_slice %arg6[%dma_start3A_395, %dma_start3A_397, %dma_start3A_398] : memref<4x128x64xf32, #tpu.memory_space<vmem>> -> memref<1x128x64xf32, #tpu.memory_space<vmem>>
        %dma_start3A_400 = tpu.memref_squeeze %dma_start3A_399 : memref<1x128x64xf32, #tpu.memory_space<vmem>> -> memref<128x64xf32, #tpu.memory_space<vmem>>
        %dma_start3A_401 = arith.constant 0 : i32
        %dma_start3A_402 = tpu.memref_slice %arg5[%add3A_245, %dma_start3A_401] : memref<200x128xi32, #tpu.memory_space<vmem>> -> memref<1x128xi32, #tpu.memory_space<vmem>>
        %dma_start3A_403 = tpu.memref_squeeze %dma_start3A_402 : memref<1x128xi32, #tpu.memory_space<vmem>> -> memref<128xi32, #tpu.memory_space<vmem>>
        %dma_start3A_404 = arith.constant 0 : i32
        %dma_start3A_405 = arith.constant 0 : i32
        %dma_start3A_406 = tpu.memref_slice %arg3[%dma_start3A_404, %dma_start3A_405] : memref<2000000x64xf32, #tpu.memory_space<hbm>> -> memref<2000000x64xf32, #tpu.memory_space<hbm>>
        %dma_start3A_407 = tpu.memref_slice %arg8[%dma_start3A_396] : memref<4x!tpu.dma_semaphore, #tpu.memory_space<semaphore_mem>> -> memref<1x!tpu.dma_semaphore, #tpu.memory_space<semaphore_mem>>
        %dma_start3A_408 = tpu.memref_squeeze %dma_start3A_407 : memref<1x!tpu.dma_semaphore, #tpu.memory_space<semaphore_mem>> -> memref<!tpu.dma_semaphore, #tpu.memory_space<semaphore_mem>>
        tpu.enqueue_indirect_dma source(%dma_start3A_406 : memref<2000000x64xf32, #tpu.memory_space<hbm>>) target(%dma_start3A_400 : memref<128x64xf32, #tpu.memory_space<vmem>>) offsets(%dma_start3A_403 : memref<128xi32, #tpu.memory_space<vmem>>) semaphore(%dma_start3A_408 : memref<!tpu.dma_semaphore, #tpu.memory_space<semaphore_mem>>)
      } else {
      }
      %dma_wait3A_251 = arith.constant 1 : i32
      %dma_wait3A_252 = arith.constant 1 : i32
      %dma_wait3A_253 = arith.constant 0 : i32
      %dma_wait3A_254 = arith.constant 0 : i32
      %dma_wait3A_255 = tpu.memref_slice %arg6[%dma_wait3A_251, %dma_wait3A_253, %dma_wait3A_254] : memref<4x128x64xf32, #tpu.memory_space<vmem>> -> memref<1x128x64xf32, #tpu.memory_space<vmem>>
      %dma_wait3A_256 = tpu.memref_squeeze %dma_wait3A_255 : memref<1x128x64xf32, #tpu.memory_space<vmem>> -> memref<128x64xf32, #tpu.memory_space<vmem>>
      %dma_wait3A_257 = arith.constant 0 : i32
      %dma_wait3A_258 = tpu.memref_slice %arg5[%add3A_243, %dma_wait3A_257] : memref<200x128xi32, #tpu.memory_space<vmem>> -> memref<1x128xi32, #tpu.memory_space<vmem>>
      %dma_wait3A_259 = tpu.memref_squeeze %dma_wait3A_258 : memref<1x128xi32, #tpu.memory_space<vmem>> -> memref<128xi32, #tpu.memory_space<vmem>>
      %dma_wait3A_260 = arith.constant 0 : i32
      %dma_wait3A_261 = arith.constant 0 : i32
      %dma_wait3A_262 = tpu.memref_slice %arg3[%dma_wait3A_260, %dma_wait3A_261] : memref<2000000x64xf32, #tpu.memory_space<hbm>> -> memref<2000000x64xf32, #tpu.memory_space<hbm>>
      %dma_wait3A_263 = tpu.memref_slice %arg8[%dma_wait3A_252] : memref<4x!tpu.dma_semaphore, #tpu.memory_space<semaphore_mem>> -> memref<1x!tpu.dma_semaphore, #tpu.memory_space<semaphore_mem>>
      %dma_wait3A_264 = tpu.memref_squeeze %dma_wait3A_263 : memref<1x!tpu.dma_semaphore, #tpu.memory_space<semaphore_mem>> -> memref<!tpu.dma_semaphore, #tpu.memory_space<semaphore_mem>>
      tpu.wait_indirect_dma semaphore(%dma_wait3A_264 : memref<!tpu.dma_semaphore, #tpu.memory_space<semaphore_mem>>) src(%dma_wait3A_262 : memref<2000000x64xf32, #tpu.memory_space<hbm>>) dst(%dma_wait3A_256 : memref<128x64xf32, #tpu.memory_space<vmem>>)
      %ge3A_265 = arith.constant 4 : i32
      %ge3A_266 = arith.cmpi sge, %add3A_243, %ge3A_265 : i32
      %convert_element_type3A_267 = arith.extui %ge3A_266 : i1 to i32
      %cond3A_268 = arith.constant 0 : i32
      %cond3A_269 = arith.cmpi ne, %convert_element_type3A_267, %cond3A_268 : i32
      scf.if %cond3A_269 {
        %sub3A = arith.constant 4 : i32
        %sub3A_395 = arith.subi %add3A_243, %sub3A : i32
        %dma_wait3A_396 = arith.constant 1 : i32
        %dma_wait3A_397 = arith.constant 1 : i32
        %dma_wait3A_398 = arith.constant 0 : i32
        %dma_wait3A_399 = arith.constant 0 : i32
        %dma_wait3A_400 = tpu.memref_slice %arg7[%dma_wait3A_396, %dma_wait3A_398, %dma_wait3A_399] : memref<4x8x1024xf32, #tpu.memory_space<vmem>> -> memref<1x8x1024xf32, #tpu.memory_space<vmem>>
        %dma_wait3A_401 = tpu.memref_squeeze %dma_wait3A_400 : memref<1x8x1024xf32, #tpu.memory_space<vmem>> -> memref<8x1024xf32, #tpu.memory_space<vmem>>
        %dma_wait3A_402 = arith.constant 0 : i32
        %dma_wait3A_403 = arith.constant 0 : i32
        %dma_wait3A_404 = tpu.memref_slice %arg4[%sub3A_395, %dma_wait3A_402, %add3A, %dma_wait3A_403] : memref<200x8x32x1024xf32, #tpu.memory_space<hbm>> -> memref<1x8x1x1024xf32, #tpu.memory_space<hbm>>
        %dma_wait3A_405 = tpu.memref_squeeze %dma_wait3A_404 : memref<1x8x1x1024xf32, #tpu.memory_space<hbm>> -> memref<8x1024xf32, #tpu.memory_space<hbm>>
        %dma_wait3A_406 = tpu.memref_slice %arg9[%dma_wait3A_397] : memref<4x!tpu.dma_semaphore, #tpu.memory_space<semaphore_mem>> -> memref<1x!tpu.dma_semaphore, #tpu.memory_space<semaphore_mem>>
        %dma_wait3A_407 = tpu.memref_squeeze %dma_wait3A_406 : memref<1x!tpu.dma_semaphore, #tpu.memory_space<semaphore_mem>> -> memref<!tpu.dma_semaphore, #tpu.memory_space<semaphore_mem>>
        %dma_wait3A_408 = arith.constant 0 : i32
        %dma_wait3A_409 = arith.constant 0 : i32
        %dma_wait3A_410 = tpu.memref_slice %arg4[%sub3A_395, %dma_wait3A_408, %add3A, %dma_wait3A_409] : memref<200x8x32x1024xf32, #tpu.memory_space<hbm>> -> memref<1x8x1x1024xf32, #tpu.memory_space<hbm>>
        %dma_wait3A_411 = tpu.memref_squeeze %dma_wait3A_410 : memref<1x8x1x1024xf32, #tpu.memory_space<hbm>> -> memref<8x1024xf32, #tpu.memory_space<hbm>>
        %dma_wait3A_412 = arith.constant 0 : i32
        %dma_wait3A_413 = arith.constant 0 : i32
        %dma_wait3A_414 = tpu.memref_slice %arg7[%dma_wait3A_396, %dma_wait3A_412, %dma_wait3A_413] : memref<4x8x1024xf32, #tpu.memory_space<vmem>> -> memref<1x8x1024xf32, #tpu.memory_space<vmem>>
        %dma_wait3A_415 = tpu.memref_squeeze %dma_wait3A_414 : memref<1x8x1024xf32, #tpu.memory_space<vmem>> -> memref<8x1024xf32, #tpu.memory_space<vmem>>
        tpu.wait_dma2 semaphore(%dma_wait3A_407 : memref<!tpu.dma_semaphore, #tpu.memory_space<semaphore_mem>>) src(%dma_wait3A_415 : memref<8x1024xf32, #tpu.memory_space<vmem>>) dst(%dma_wait3A_411 : memref<8x1024xf32, #tpu.memory_space<hbm>>)
      } else {
      }
      %parallel_loop3A_270 = arith.constant 0 : i32
      %parallel_loop3A_271 = arith.constant 128 : i32
      %parallel_loop3A_272 = arith.constant 1 : i32
      scf.for %parallel_loop3A_395 = %parallel_loop3A_270 to %parallel_loop3A_271 step %parallel_loop3A_272  : i32 {
        %parallel_loop3A_396 = vector.broadcast %parallel_loop3A_395 : i32 to vector<16xi32>
        %parallel_loop3A_397 = arith.constant 1 : i32
        %parallel_loop3A_398 = arith.index_cast %parallel_loop3A_397 : i32 to index
        %parallel_loop3A_399 = arith.index_cast %parallel_loop3A_395 : i32 to index
        %parallel_loop3A_400 = arith.constant 0 : index
        %parallel_loop3A_401 = tpu.vector_load %arg6[%parallel_loop3A_398, %parallel_loop3A_399, %parallel_loop3A_400] {strides = array<i32>} : memref<4x128x64xf32, #tpu.memory_space<vmem>>, vector<16xf32>,
        %parallel_loop3A_402 = arith.addi %mul3A_33, %parallel_loop3A_396 : vector<16xi32>
        %parallel_loop3A_403 = arith.constant 1 : i32
        %parallel_loop3A_404 = arith.constant 0 : i32
        %parallel_loop3A_405 = arith.constant 0 : i32
        %parallel_loop3A_406 = tpu.memref_slice %arg7[%parallel_loop3A_403, %parallel_loop3A_404, %parallel_loop3A_405] : memref<4x8x1024xf32, #tpu.memory_space<vmem>> -> memref<1x8x1024xf32, #tpu.memory_space<vmem>>
        %parallel_loop3A_407 = tpu.memref_squeeze %parallel_loop3A_406 : memref<1x8x1024xf32, #tpu.memory_space<vmem>> -> memref<8x1024xf32, #tpu.memory_space<vmem>>
        tpu.vector_store_idx %parallel_loop3A_407[%shift_right_arithmetic3A_7, %parallel_loop3A_402], %parallel_loop3A_401 : memref<8x1024xf32, #tpu.memory_space<vmem>>[vector<16xi32>, vector<16xi32>], vector<16xf32>,
        %parallel_loop3A_408 = arith.constant 1 : i32
        %parallel_loop3A_409 = arith.index_cast %parallel_loop3A_408 : i32 to index
        %parallel_loop3A_410 = arith.index_cast %parallel_loop3A_395 : i32 to index
        %parallel_loop3A_411 = arith.constant 16 : index
        %parallel_loop3A_412 = tpu.vector_load %arg6[%parallel_loop3A_409, %parallel_loop3A_410, %parallel_loop3A_411] {strides = array<i32>} : memref<4x128x64xf32, #tpu.memory_space<vmem>>, vector<16xf32>,
        %parallel_loop3A_413 = arith.addi %mul3A_42, %parallel_loop3A_396 : vector<16xi32>
        %parallel_loop3A_414 = arith.constant 1 : i32
        %parallel_loop3A_415 = arith.constant 0 : i32
        %parallel_loop3A_416 = arith.constant 0 : i32
        %parallel_loop3A_417 = tpu.memref_slice %arg7[%parallel_loop3A_414, %parallel_loop3A_415, %parallel_loop3A_416] : memref<4x8x1024xf32, #tpu.memory_space<vmem>> -> memref<1x8x1024xf32, #tpu.memory_space<vmem>>
        %parallel_loop3A_418 = tpu.memref_squeeze %parallel_loop3A_417 : memref<1x8x1024xf32, #tpu.memory_space<vmem>> -> memref<8x1024xf32, #tpu.memory_space<vmem>>
        tpu.vector_store_idx %parallel_loop3A_418[%shift_right_arithmetic3A_13, %parallel_loop3A_413], %parallel_loop3A_412 : memref<8x1024xf32, #tpu.memory_space<vmem>>[vector<16xi32>, vector<16xi32>], vector<16xf32>,
        %parallel_loop3A_419 = arith.constant 1 : i32
        %parallel_loop3A_420 = arith.index_cast %parallel_loop3A_419 : i32 to index
        %parallel_loop3A_421 = arith.index_cast %parallel_loop3A_395 : i32 to index
        %parallel_loop3A_422 = arith.constant 32 : index
        %parallel_loop3A_423 = tpu.vector_load %arg6[%parallel_loop3A_420, %parallel_loop3A_421, %parallel_loop3A_422] {strides = array<i32>} : memref<4x128x64xf32, #tpu.memory_space<vmem>>, vector<16xf32>,
        %parallel_loop3A_424 = arith.addi %mul3A_51, %parallel_loop3A_396 : vector<16xi32>
        %parallel_loop3A_425 = arith.constant 1 : i32
        %parallel_loop3A_426 = arith.constant 0 : i32
        %parallel_loop3A_427 = arith.constant 0 : i32
        %parallel_loop3A_428 = tpu.memref_slice %arg7[%parallel_loop3A_425, %parallel_loop3A_426, %parallel_loop3A_427] : memref<4x8x1024xf32, #tpu.memory_space<vmem>> -> memref<1x8x1024xf32, #tpu.memory_space<vmem>>
        %parallel_loop3A_429 = tpu.memref_squeeze %parallel_loop3A_428 : memref<1x8x1024xf32, #tpu.memory_space<vmem>> -> memref<8x1024xf32, #tpu.memory_space<vmem>>
        tpu.vector_store_idx %parallel_loop3A_429[%shift_right_arithmetic3A_19, %parallel_loop3A_424], %parallel_loop3A_423 : memref<8x1024xf32, #tpu.memory_space<vmem>>[vector<16xi32>, vector<16xi32>], vector<16xf32>,
        %parallel_loop3A_430 = arith.constant 1 : i32
        %parallel_loop3A_431 = arith.index_cast %parallel_loop3A_430 : i32 to index
        %parallel_loop3A_432 = arith.index_cast %parallel_loop3A_395 : i32 to index
        %parallel_loop3A_433 = arith.constant 48 : index
        %parallel_loop3A_434 = tpu.vector_load %arg6[%parallel_loop3A_431, %parallel_loop3A_432, %parallel_loop3A_433] {strides = array<i32>} : memref<4x128x64xf32, #tpu.memory_space<vmem>>, vector<16xf32>,
        %parallel_loop3A_435 = arith.addi %mul3A_60, %parallel_loop3A_396 : vector<16xi32>
        %parallel_loop3A_436 = arith.constant 1 : i32
        %parallel_loop3A_437 = arith.constant 0 : i32
        %parallel_loop3A_438 = arith.constant 0 : i32
        %parallel_loop3A_439 = tpu.memref_slice %arg7[%parallel_loop3A_436, %parallel_loop3A_437, %parallel_loop3A_438] : memref<4x8x1024xf32, #tpu.memory_space<vmem>> -> memref<1x8x1024xf32, #tpu.memory_space<vmem>>
        %parallel_loop3A_440 = tpu.memref_squeeze %parallel_loop3A_439 : memref<1x8x1024xf32, #tpu.memory_space<vmem>> -> memref<8x1024xf32, #tpu.memory_space<vmem>>
        tpu.vector_store_idx %parallel_loop3A_440[%shift_right_arithmetic3A_25, %parallel_loop3A_435], %parallel_loop3A_434 : memref<8x1024xf32, #tpu.memory_space<vmem>>[vector<16xi32>, vector<16xi32>], vector<16xf32>,
      } {sc.loop_unroll_factor = 16 : i64, sc.parallel_access}
      %dma_start3A_273 = arith.constant 1 : i32
      %dma_start3A_274 = arith.constant 1 : i32
      %dma_start3A_275 = arith.constant 0 : i32
      %dma_start3A_276 = arith.constant 0 : i32
      %dma_start3A_277 = tpu.memref_slice %arg7[%dma_start3A_273, %dma_start3A_275, %dma_start3A_276] : memref<4x8x1024xf32, #tpu.memory_space<vmem>> -> memref<1x8x1024xf32, #tpu.memory_space<vmem>>
      %dma_start3A_278 = tpu.memref_squeeze %dma_start3A_277 : memref<1x8x1024xf32, #tpu.memory_space<vmem>> -> memref<8x1024xf32, #tpu.memory_space<vmem>>
      %dma_start3A_279 = arith.constant 0 : i32
      %dma_start3A_280 = arith.constant 0 : i32
      %dma_start3A_281 = tpu.memref_slice %arg4[%add3A_243, %dma_start3A_279, %add3A, %dma_start3A_280] : memref<200x8x32x1024xf32, #tpu.memory_space<hbm>> -> memref<1x8x1x1024xf32, #tpu.memory_space<hbm>>
      %dma_start3A_282 = tpu.memref_squeeze %dma_start3A_281 : memref<1x8x1x1024xf32, #tpu.memory_space<hbm>> -> memref<8x1024xf32, #tpu.memory_space<hbm>>
      %dma_start3A_283 = tpu.memref_slice %arg9[%dma_start3A_274] : memref<4x!tpu.dma_semaphore, #tpu.memory_space<semaphore_mem>> -> memref<1x!tpu.dma_semaphore, #tpu.memory_space<semaphore_mem>>
      %dma_start3A_284 = tpu.memref_squeeze %dma_start3A_283 : memref<1x!tpu.dma_semaphore, #tpu.memory_space<semaphore_mem>> -> memref<!tpu.dma_semaphore, #tpu.memory_space<semaphore_mem>>
      %dma_start3A_285 = arith.constant 0 : i32
      %dma_start3A_286 = arith.constant 0 : i32
      %dma_start3A_287 = tpu.memref_slice %arg4[%add3A_243, %dma_start3A_285, %add3A, %dma_start3A_286] : memref<200x8x32x1024xf32, #tpu.memory_space<hbm>> -> memref<1x8x1x1024xf32, #tpu.memory_space<hbm>>
      %dma_start3A_288 = tpu.memref_squeeze %dma_start3A_287 : memref<1x8x1x1024xf32, #tpu.memory_space<hbm>> -> memref<8x1024xf32, #tpu.memory_space<hbm>>
      %dma_start3A_289 = arith.constant 0 : i32
      %dma_start3A_290 = arith.constant 0 : i32
      %dma_start3A_291 = tpu.memref_slice %arg7[%dma_start3A_273, %dma_start3A_289, %dma_start3A_290] : memref<4x8x1024xf32, #tpu.memory_space<vmem>> -> memref<1x8x1024xf32, #tpu.memory_space<vmem>>
      %dma_start3A_292 = tpu.memref_squeeze %dma_start3A_291 : memref<1x8x1024xf32, #tpu.memory_space<vmem>> -> memref<8x1024xf32, #tpu.memory_space<vmem>>
      tpu.enqueue_dma source(%dma_start3A_292 : memref<8x1024xf32, #tpu.memory_space<vmem>>) target(%dma_start3A_288 : memref<8x1024xf32, #tpu.memory_space<hbm>>) target_semaphore(%dma_start3A_284 : memref<!tpu.dma_semaphore, #tpu.memory_space<semaphore_mem>>)
      %add3A_293 = arith.constant 2 : i32
      %add3A_294 = arith.addi %mul3A_195, %add3A_293 : i32
      %add3A_295 = arith.constant 3 : i32
      %add3A_296 = arith.addi %add3A_294, %add3A_295 : i32
      %lt3A_297 = arith.constant 200 : i32
      %lt3A_298 = arith.cmpi slt, %add3A_296, %lt3A_297 : i32
      %convert_element_type3A_299 = arith.extui %lt3A_298 : i1 to i32
      %cond3A_300 = arith.constant 0 : i32
      %cond3A_301 = arith.cmpi ne, %convert_element_type3A_299, %cond3A_300 : i32
      scf.if %cond3A_301 {
        %dma_start3A_395 = arith.constant 1 : i32
        %dma_start3A_396 = arith.constant 1 : i32
        %dma_start3A_397 = arith.constant 0 : i32
        %dma_start3A_398 = arith.constant 0 : i32
        %dma_start3A_399 = tpu.memref_slice %arg6[%dma_start3A_395, %dma_start3A_397, %dma_start3A_398] : memref<4x128x64xf32, #tpu.memory_space<vmem>> -> memref<1x128x64xf32, #tpu.memory_space<vmem>>
        %dma_start3A_400 = tpu.memref_squeeze %dma_start3A_399 : memref<1x128x64xf32, #tpu.memory_space<vmem>> -> memref<128x64xf32, #tpu.memory_space<vmem>>
        %dma_start3A_401 = arith.constant 0 : i32
        %dma_start3A_402 = tpu.memref_slice %arg5[%add3A_296, %dma_start3A_401] : memref<200x128xi32, #tpu.memory_space<vmem>> -> memref<1x128xi32, #tpu.memory_space<vmem>>
        %dma_start3A_403 = tpu.memref_squeeze %dma_start3A_402 : memref<1x128xi32, #tpu.memory_space<vmem>> -> memref<128xi32, #tpu.memory_space<vmem>>
        %dma_start3A_404 = arith.constant 0 : i32
        %dma_start3A_405 = arith.constant 0 : i32
        %dma_start3A_406 = tpu.memref_slice %arg3[%dma_start3A_404, %dma_start3A_405] : memref<2000000x64xf32, #tpu.memory_space<hbm>> -> memref<2000000x64xf32, #tpu.memory_space<hbm>>
        %dma_start3A_407 = tpu.memref_slice %arg8[%dma_start3A_396] : memref<4x!tpu.dma_semaphore, #tpu.memory_space<semaphore_mem>> -> memref<1x!tpu.dma_semaphore, #tpu.memory_space<semaphore_mem>>
        %dma_start3A_408 = tpu.memref_squeeze %dma_start3A_407 : memref<1x!tpu.dma_semaphore, #tpu.memory_space<semaphore_mem>> -> memref<!tpu.dma_semaphore, #tpu.memory_space<semaphore_mem>>
        tpu.enqueue_indirect_dma source(%dma_start3A_406 : memref<2000000x64xf32, #tpu.memory_space<hbm>>) target(%dma_start3A_400 : memref<128x64xf32, #tpu.memory_space<vmem>>) offsets(%dma_start3A_403 : memref<128xi32, #tpu.memory_space<vmem>>) semaphore(%dma_start3A_408 : memref<!tpu.dma_semaphore, #tpu.memory_space<semaphore_mem>>)
      } else {
      }
      %dma_wait3A_302 = arith.constant 2 : i32
      %dma_wait3A_303 = arith.constant 2 : i32
      %dma_wait3A_304 = arith.constant 0 : i32
      %dma_wait3A_305 = arith.constant 0 : i32
      %dma_wait3A_306 = tpu.memref_slice %arg6[%dma_wait3A_302, %dma_wait3A_304, %dma_wait3A_305] : memref<4x128x64xf32, #tpu.memory_space<vmem>> -> memref<1x128x64xf32, #tpu.memory_space<vmem>>
      %dma_wait3A_307 = tpu.memref_squeeze %dma_wait3A_306 : memref<1x128x64xf32, #tpu.memory_space<vmem>> -> memref<128x64xf32, #tpu.memory_space<vmem>>
      %dma_wait3A_308 = arith.constant 0 : i32
      %dma_wait3A_309 = tpu.memref_slice %arg5[%add3A_294, %dma_wait3A_308] : memref<200x128xi32, #tpu.memory_space<vmem>> -> memref<1x128xi32, #tpu.memory_space<vmem>>
      %dma_wait3A_310 = tpu.memref_squeeze %dma_wait3A_309 : memref<1x128xi32, #tpu.memory_space<vmem>> -> memref<128xi32, #tpu.memory_space<vmem>>
      %dma_wait3A_311 = arith.constant 0 : i32
      %dma_wait3A_312 = arith.constant 0 : i32
      %dma_wait3A_313 = tpu.memref_slice %arg3[%dma_wait3A_311, %dma_wait3A_312] : memref<2000000x64xf32, #tpu.memory_space<hbm>> -> memref<2000000x64xf32, #tpu.memory_space<hbm>>
      %dma_wait3A_314 = tpu.memref_slice %arg8[%dma_wait3A_303] : memref<4x!tpu.dma_semaphore, #tpu.memory_space<semaphore_mem>> -> memref<1x!tpu.dma_semaphore, #tpu.memory_space<semaphore_mem>>
      %dma_wait3A_315 = tpu.memref_squeeze %dma_wait3A_314 : memref<1x!tpu.dma_semaphore, #tpu.memory_space<semaphore_mem>> -> memref<!tpu.dma_semaphore, #tpu.memory_space<semaphore_mem>>
      tpu.wait_indirect_dma semaphore(%dma_wait3A_315 : memref<!tpu.dma_semaphore, #tpu.memory_space<semaphore_mem>>) src(%dma_wait3A_313 : memref<2000000x64xf32, #tpu.memory_space<hbm>>) dst(%dma_wait3A_307 : memref<128x64xf32, #tpu.memory_space<vmem>>)
      %ge3A_316 = arith.constant 4 : i32
      %ge3A_317 = arith.cmpi sge, %add3A_294, %ge3A_316 : i32
      %convert_element_type3A_318 = arith.extui %ge3A_317 : i1 to i32
      %cond3A_319 = arith.constant 0 : i32
      %cond3A_320 = arith.cmpi ne, %convert_element_type3A_318, %cond3A_319 : i32
      scf.if %cond3A_320 {
        %sub3A = arith.constant 4 : i32
        %sub3A_395 = arith.subi %add3A_294, %sub3A : i32
        %dma_wait3A_396 = arith.constant 2 : i32
        %dma_wait3A_397 = arith.constant 2 : i32
        %dma_wait3A_398 = arith.constant 0 : i32
        %dma_wait3A_399 = arith.constant 0 : i32
        %dma_wait3A_400 = tpu.memref_slice %arg7[%dma_wait3A_396, %dma_wait3A_398, %dma_wait3A_399] : memref<4x8x1024xf32, #tpu.memory_space<vmem>> -> memref<1x8x1024xf32, #tpu.memory_space<vmem>>
        %dma_wait3A_401 = tpu.memref_squeeze %dma_wait3A_400 : memref<1x8x1024xf32, #tpu.memory_space<vmem>> -> memref<8x1024xf32, #tpu.memory_space<vmem>>
        %dma_wait3A_402 = arith.constant 0 : i32
        %dma_wait3A_403 = arith.constant 0 : i32
        %dma_wait3A_404 = tpu.memref_slice %arg4[%sub3A_395, %dma_wait3A_402, %add3A, %dma_wait3A_403] : memref<200x8x32x1024xf32, #tpu.memory_space<hbm>> -> memref<1x8x1x1024xf32, #tpu.memory_space<hbm>>
        %dma_wait3A_405 = tpu.memref_squeeze %dma_wait3A_404 : memref<1x8x1x1024xf32, #tpu.memory_space<hbm>> -> memref<8x1024xf32, #tpu.memory_space<hbm>>
        %dma_wait3A_406 = tpu.memref_slice %arg9[%dma_wait3A_397] : memref<4x!tpu.dma_semaphore, #tpu.memory_space<semaphore_mem>> -> memref<1x!tpu.dma_semaphore, #tpu.memory_space<semaphore_mem>>
        %dma_wait3A_407 = tpu.memref_squeeze %dma_wait3A_406 : memref<1x!tpu.dma_semaphore, #tpu.memory_space<semaphore_mem>> -> memref<!tpu.dma_semaphore, #tpu.memory_space<semaphore_mem>>
        %dma_wait3A_408 = arith.constant 0 : i32
        %dma_wait3A_409 = arith.constant 0 : i32
        %dma_wait3A_410 = tpu.memref_slice %arg4[%sub3A_395, %dma_wait3A_408, %add3A, %dma_wait3A_409] : memref<200x8x32x1024xf32, #tpu.memory_space<hbm>> -> memref<1x8x1x1024xf32, #tpu.memory_space<hbm>>
        %dma_wait3A_411 = tpu.memref_squeeze %dma_wait3A_410 : memref<1x8x1x1024xf32, #tpu.memory_space<hbm>> -> memref<8x1024xf32, #tpu.memory_space<hbm>>
        %dma_wait3A_412 = arith.constant 0 : i32
        %dma_wait3A_413 = arith.constant 0 : i32
        %dma_wait3A_414 = tpu.memref_slice %arg7[%dma_wait3A_396, %dma_wait3A_412, %dma_wait3A_413] : memref<4x8x1024xf32, #tpu.memory_space<vmem>> -> memref<1x8x1024xf32, #tpu.memory_space<vmem>>
        %dma_wait3A_415 = tpu.memref_squeeze %dma_wait3A_414 : memref<1x8x1024xf32, #tpu.memory_space<vmem>> -> memref<8x1024xf32, #tpu.memory_space<vmem>>
        tpu.wait_dma2 semaphore(%dma_wait3A_407 : memref<!tpu.dma_semaphore, #tpu.memory_space<semaphore_mem>>) src(%dma_wait3A_415 : memref<8x1024xf32, #tpu.memory_space<vmem>>) dst(%dma_wait3A_411 : memref<8x1024xf32, #tpu.memory_space<hbm>>)
      } else {
      }
      %parallel_loop3A_321 = arith.constant 0 : i32
      %parallel_loop3A_322 = arith.constant 128 : i32
      %parallel_loop3A_323 = arith.constant 1 : i32
      scf.for %parallel_loop3A_395 = %parallel_loop3A_321 to %parallel_loop3A_322 step %parallel_loop3A_323  : i32 {
        %parallel_loop3A_396 = vector.broadcast %parallel_loop3A_395 : i32 to vector<16xi32>
        %parallel_loop3A_397 = arith.constant 2 : i32
        %parallel_loop3A_398 = arith.index_cast %parallel_loop3A_397 : i32 to index
        %parallel_loop3A_399 = arith.index_cast %parallel_loop3A_395 : i32 to index
        %parallel_loop3A_400 = arith.constant 0 : index
        %parallel_loop3A_401 = tpu.vector_load %arg6[%parallel_loop3A_398, %parallel_loop3A_399, %parallel_loop3A_400] {strides = array<i32>} : memref<4x128x64xf32, #tpu.memory_space<vmem>>, vector<16xf32>,
        %parallel_loop3A_402 = arith.addi %mul3A_33, %parallel_loop3A_396 : vector<16xi32>
        %parallel_loop3A_403 = arith.constant 2 : i32
        %parallel_loop3A_404 = arith.constant 0 : i32
        %parallel_loop3A_405 = arith.constant 0 : i32
        %parallel_loop3A_406 = tpu.memref_slice %arg7[%parallel_loop3A_403, %parallel_loop3A_404, %parallel_loop3A_405] : memref<4x8x1024xf32, #tpu.memory_space<vmem>> -> memref<1x8x1024xf32, #tpu.memory_space<vmem>>
        %parallel_loop3A_407 = tpu.memref_squeeze %parallel_loop3A_406 : memref<1x8x1024xf32, #tpu.memory_space<vmem>> -> memref<8x1024xf32, #tpu.memory_space<vmem>>
        tpu.vector_store_idx %parallel_loop3A_407[%shift_right_arithmetic3A_7, %parallel_loop3A_402], %parallel_loop3A_401 : memref<8x1024xf32, #tpu.memory_space<vmem>>[vector<16xi32>, vector<16xi32>], vector<16xf32>,
        %parallel_loop3A_408 = arith.constant 2 : i32
        %parallel_loop3A_409 = arith.index_cast %parallel_loop3A_408 : i32 to index
        %parallel_loop3A_410 = arith.index_cast %parallel_loop3A_395 : i32 to index
        %parallel_loop3A_411 = arith.constant 16 : index
        %parallel_loop3A_412 = tpu.vector_load %arg6[%parallel_loop3A_409, %parallel_loop3A_410, %parallel_loop3A_411] {strides = array<i32>} : memref<4x128x64xf32, #tpu.memory_space<vmem>>, vector<16xf32>,
        %parallel_loop3A_413 = arith.addi %mul3A_42, %parallel_loop3A_396 : vector<16xi32>
        %parallel_loop3A_414 = arith.constant 2 : i32
        %parallel_loop3A_415 = arith.constant 0 : i32
        %parallel_loop3A_416 = arith.constant 0 : i32
        %parallel_loop3A_417 = tpu.memref_slice %arg7[%parallel_loop3A_414, %parallel_loop3A_415, %parallel_loop3A_416] : memref<4x8x1024xf32, #tpu.memory_space<vmem>> -> memref<1x8x1024xf32, #tpu.memory_space<vmem>>
        %parallel_loop3A_418 = tpu.memref_squeeze %parallel_loop3A_417 : memref<1x8x1024xf32, #tpu.memory_space<vmem>> -> memref<8x1024xf32, #tpu.memory_space<vmem>>
        tpu.vector_store_idx %parallel_loop3A_418[%shift_right_arithmetic3A_13, %parallel_loop3A_413], %parallel_loop3A_412 : memref<8x1024xf32, #tpu.memory_space<vmem>>[vector<16xi32>, vector<16xi32>], vector<16xf32>,
        %parallel_loop3A_419 = arith.constant 2 : i32
        %parallel_loop3A_420 = arith.index_cast %parallel_loop3A_419 : i32 to index
        %parallel_loop3A_421 = arith.index_cast %parallel_loop3A_395 : i32 to index
        %parallel_loop3A_422 = arith.constant 32 : index
        %parallel_loop3A_423 = tpu.vector_load %arg6[%parallel_loop3A_420, %parallel_loop3A_421, %parallel_loop3A_422] {strides = array<i32>} : memref<4x128x64xf32, #tpu.memory_space<vmem>>, vector<16xf32>,
        %parallel_loop3A_424 = arith.addi %mul3A_51, %parallel_loop3A_396 : vector<16xi32>
        %parallel_loop3A_425 = arith.constant 2 : i32
        %parallel_loop3A_426 = arith.constant 0 : i32
        %parallel_loop3A_427 = arith.constant 0 : i32
        %parallel_loop3A_428 = tpu.memref_slice %arg7[%parallel_loop3A_425, %parallel_loop3A_426, %parallel_loop3A_427] : memref<4x8x1024xf32, #tpu.memory_space<vmem>> -> memref<1x8x1024xf32, #tpu.memory_space<vmem>>
        %parallel_loop3A_429 = tpu.memref_squeeze %parallel_loop3A_428 : memref<1x8x1024xf32, #tpu.memory_space<vmem>> -> memref<8x1024xf32, #tpu.memory_space<vmem>>
        tpu.vector_store_idx %parallel_loop3A_429[%shift_right_arithmetic3A_19, %parallel_loop3A_424], %parallel_loop3A_423 : memref<8x1024xf32, #tpu.memory_space<vmem>>[vector<16xi32>, vector<16xi32>], vector<16xf32>,
        %parallel_loop3A_430 = arith.constant 2 : i32
        %parallel_loop3A_431 = arith.index_cast %parallel_loop3A_430 : i32 to index
        %parallel_loop3A_432 = arith.index_cast %parallel_loop3A_395 : i32 to index
        %parallel_loop3A_433 = arith.constant 48 : index
        %parallel_loop3A_434 = tpu.vector_load %arg6[%parallel_loop3A_431, %parallel_loop3A_432, %parallel_loop3A_433] {strides = array<i32>} : memref<4x128x64xf32, #tpu.memory_space<vmem>>, vector<16xf32>,
        %parallel_loop3A_435 = arith.addi %mul3A_60, %parallel_loop3A_396 : vector<16xi32>
        %parallel_loop3A_436 = arith.constant 2 : i32
        %parallel_loop3A_437 = arith.constant 0 : i32
        %parallel_loop3A_438 = arith.constant 0 : i32
        %parallel_loop3A_439 = tpu.memref_slice %arg7[%parallel_loop3A_436, %parallel_loop3A_437, %parallel_loop3A_438] : memref<4x8x1024xf32, #tpu.memory_space<vmem>> -> memref<1x8x1024xf32, #tpu.memory_space<vmem>>
        %parallel_loop3A_440 = tpu.memref_squeeze %parallel_loop3A_439 : memref<1x8x1024xf32, #tpu.memory_space<vmem>> -> memref<8x1024xf32, #tpu.memory_space<vmem>>
        tpu.vector_store_idx %parallel_loop3A_440[%shift_right_arithmetic3A_25, %parallel_loop3A_435], %parallel_loop3A_434 : memref<8x1024xf32, #tpu.memory_space<vmem>>[vector<16xi32>, vector<16xi32>], vector<16xf32>,
      } {sc.loop_unroll_factor = 16 : i64, sc.parallel_access}
      %dma_start3A_324 = arith.constant 2 : i32
      %dma_start3A_325 = arith.constant 2 : i32
      %dma_start3A_326 = arith.constant 0 : i32
      %dma_start3A_327 = arith.constant 0 : i32
      %dma_start3A_328 = tpu.memref_slice %arg7[%dma_start3A_324, %dma_start3A_326, %dma_start3A_327] : memref<4x8x1024xf32, #tpu.memory_space<vmem>> -> memref<1x8x1024xf32, #tpu.memory_space<vmem>>
      %dma_start3A_329 = tpu.memref_squeeze %dma_start3A_328 : memref<1x8x1024xf32, #tpu.memory_space<vmem>> -> memref<8x1024xf32, #tpu.memory_space<vmem>>
      %dma_start3A_330 = arith.constant 0 : i32
      %dma_start3A_331 = arith.constant 0 : i32
      %dma_start3A_332 = tpu.memref_slice %arg4[%add3A_294, %dma_start3A_330, %add3A, %dma_start3A_331] : memref<200x8x32x1024xf32, #tpu.memory_space<hbm>> -> memref<1x8x1x1024xf32, #tpu.memory_space<hbm>>
      %dma_start3A_333 = tpu.memref_squeeze %dma_start3A_332 : memref<1x8x1x1024xf32, #tpu.memory_space<hbm>> -> memref<8x1024xf32, #tpu.memory_space<hbm>>
      %dma_start3A_334 = tpu.memref_slice %arg9[%dma_start3A_325] : memref<4x!tpu.dma_semaphore, #tpu.memory_space<semaphore_mem>> -> memref<1x!tpu.dma_semaphore, #tpu.memory_space<semaphore_mem>>
      %dma_start3A_335 = tpu.memref_squeeze %dma_start3A_334 : memref<1x!tpu.dma_semaphore, #tpu.memory_space<semaphore_mem>> -> memref<!tpu.dma_semaphore, #tpu.memory_space<semaphore_mem>>
      %dma_start3A_336 = arith.constant 0 : i32
      %dma_start3A_337 = arith.constant 0 : i32
      %dma_start3A_338 = tpu.memref_slice %arg4[%add3A_294, %dma_start3A_336, %add3A, %dma_start3A_337] : memref<200x8x32x1024xf32, #tpu.memory_space<hbm>> -> memref<1x8x1x1024xf32, #tpu.memory_space<hbm>>
      %dma_start3A_339 = tpu.memref_squeeze %dma_start3A_338 : memref<1x8x1x1024xf32, #tpu.memory_space<hbm>> -> memref<8x1024xf32, #tpu.memory_space<hbm>>
      %dma_start3A_340 = arith.constant 0 : i32
      %dma_start3A_341 = arith.constant 0 : i32
      %dma_start3A_342 = tpu.memref_slice %arg7[%dma_start3A_324, %dma_start3A_340, %dma_start3A_341] : memref<4x8x1024xf32, #tpu.memory_space<vmem>> -> memref<1x8x1024xf32, #tpu.memory_space<vmem>>
      %dma_start3A_343 = tpu.memref_squeeze %dma_start3A_342 : memref<1x8x1024xf32, #tpu.memory_space<vmem>> -> memref<8x1024xf32, #tpu.memory_space<vmem>>
      tpu.enqueue_dma source(%dma_start3A_343 : memref<8x1024xf32, #tpu.memory_space<vmem>>) target(%dma_start3A_339 : memref<8x1024xf32, #tpu.memory_space<hbm>>) target_semaphore(%dma_start3A_335 : memref<!tpu.dma_semaphore, #tpu.memory_space<semaphore_mem>>)
      %add3A_344 = arith.constant 3 : i32
      %add3A_345 = arith.addi %mul3A_195, %add3A_344 : i32
      %add3A_346 = arith.constant 3 : i32
      %add3A_347 = arith.addi %add3A_345, %add3A_346 : i32
      %lt3A_348 = arith.constant 200 : i32
      %lt3A_349 = arith.cmpi slt, %add3A_347, %lt3A_348 : i32
      %convert_element_type3A_350 = arith.extui %lt3A_349 : i1 to i32
      %cond3A_351 = arith.constant 0 : i32
      %cond3A_352 = arith.cmpi ne, %convert_element_type3A_350, %cond3A_351 : i32
      scf.if %cond3A_352 {
        %dma_start3A_395 = arith.constant 2 : i32
        %dma_start3A_396 = arith.constant 2 : i32
        %dma_start3A_397 = arith.constant 0 : i32
        %dma_start3A_398 = arith.constant 0 : i32
        %dma_start3A_399 = tpu.memref_slice %arg6[%dma_start3A_395, %dma_start3A_397, %dma_start3A_398] : memref<4x128x64xf32, #tpu.memory_space<vmem>> -> memref<1x128x64xf32, #tpu.memory_space<vmem>>
        %dma_start3A_400 = tpu.memref_squeeze %dma_start3A_399 : memref<1x128x64xf32, #tpu.memory_space<vmem>> -> memref<128x64xf32, #tpu.memory_space<vmem>>
        %dma_start3A_401 = arith.constant 0 : i32
        %dma_start3A_402 = tpu.memref_slice %arg5[%add3A_347, %dma_start3A_401] : memref<200x128xi32, #tpu.memory_space<vmem>> -> memref<1x128xi32, #tpu.memory_space<vmem>>
        %dma_start3A_403 = tpu.memref_squeeze %dma_start3A_402 : memref<1x128xi32, #tpu.memory_space<vmem>> -> memref<128xi32, #tpu.memory_space<vmem>>
        %dma_start3A_404 = arith.constant 0 : i32
        %dma_start3A_405 = arith.constant 0 : i32
        %dma_start3A_406 = tpu.memref_slice %arg3[%dma_start3A_404, %dma_start3A_405] : memref<2000000x64xf32, #tpu.memory_space<hbm>> -> memref<2000000x64xf32, #tpu.memory_space<hbm>>
        %dma_start3A_407 = tpu.memref_slice %arg8[%dma_start3A_396] : memref<4x!tpu.dma_semaphore, #tpu.memory_space<semaphore_mem>> -> memref<1x!tpu.dma_semaphore, #tpu.memory_space<semaphore_mem>>
        %dma_start3A_408 = tpu.memref_squeeze %dma_start3A_407 : memref<1x!tpu.dma_semaphore, #tpu.memory_space<semaphore_mem>> -> memref<!tpu.dma_semaphore, #tpu.memory_space<semaphore_mem>>
        tpu.enqueue_indirect_dma source(%dma_start3A_406 : memref<2000000x64xf32, #tpu.memory_space<hbm>>) target(%dma_start3A_400 : memref<128x64xf32, #tpu.memory_space<vmem>>) offsets(%dma_start3A_403 : memref<128xi32, #tpu.memory_space<vmem>>) semaphore(%dma_start3A_408 : memref<!tpu.dma_semaphore, #tpu.memory_space<semaphore_mem>>)
      } else {
      }
      %dma_wait3A_353 = arith.constant 3 : i32
      %dma_wait3A_354 = arith.constant 3 : i32
      %dma_wait3A_355 = arith.constant 0 : i32
      %dma_wait3A_356 = arith.constant 0 : i32
      %dma_wait3A_357 = tpu.memref_slice %arg6[%dma_wait3A_353, %dma_wait3A_355, %dma_wait3A_356] : memref<4x128x64xf32, #tpu.memory_space<vmem>> -> memref<1x128x64xf32, #tpu.memory_space<vmem>>
      %dma_wait3A_358 = tpu.memref_squeeze %dma_wait3A_357 : memref<1x128x64xf32, #tpu.memory_space<vmem>> -> memref<128x64xf32, #tpu.memory_space<vmem>>
      %dma_wait3A_359 = arith.constant 0 : i32
      %dma_wait3A_360 = tpu.memref_slice %arg5[%add3A_345, %dma_wait3A_359] : memref<200x128xi32, #tpu.memory_space<vmem>> -> memref<1x128xi32, #tpu.memory_space<vmem>>
      %dma_wait3A_361 = tpu.memref_squeeze %dma_wait3A_360 : memref<1x128xi32, #tpu.memory_space<vmem>> -> memref<128xi32, #tpu.memory_space<vmem>>
      %dma_wait3A_362 = arith.constant 0 : i32
      %dma_wait3A_363 = arith.constant 0 : i32
      %dma_wait3A_364 = tpu.memref_slice %arg3[%dma_wait3A_362, %dma_wait3A_363] : memref<2000000x64xf32, #tpu.memory_space<hbm>> -> memref<2000000x64xf32, #tpu.memory_space<hbm>>
      %dma_wait3A_365 = tpu.memref_slice %arg8[%dma_wait3A_354] : memref<4x!tpu.dma_semaphore, #tpu.memory_space<semaphore_mem>> -> memref<1x!tpu.dma_semaphore, #tpu.memory_space<semaphore_mem>>
      %dma_wait3A_366 = tpu.memref_squeeze %dma_wait3A_365 : memref<1x!tpu.dma_semaphore, #tpu.memory_space<semaphore_mem>> -> memref<!tpu.dma_semaphore, #tpu.memory_space<semaphore_mem>>
      tpu.wait_indirect_dma semaphore(%dma_wait3A_366 : memref<!tpu.dma_semaphore, #tpu.memory_space<semaphore_mem>>) src(%dma_wait3A_364 : memref<2000000x64xf32, #tpu.memory_space<hbm>>) dst(%dma_wait3A_358 : memref<128x64xf32, #tpu.memory_space<vmem>>)
      %ge3A_367 = arith.constant 4 : i32
      %ge3A_368 = arith.cmpi sge, %add3A_345, %ge3A_367 : i32
      %convert_element_type3A_369 = arith.extui %ge3A_368 : i1 to i32
      %cond3A_370 = arith.constant 0 : i32
      %cond3A_371 = arith.cmpi ne, %convert_element_type3A_369, %cond3A_370 : i32
      scf.if %cond3A_371 {
        %sub3A = arith.constant 4 : i32
        %sub3A_395 = arith.subi %add3A_345, %sub3A : i32
        %dma_wait3A_396 = arith.constant 3 : i32
        %dma_wait3A_397 = arith.constant 3 : i32
        %dma_wait3A_398 = arith.constant 0 : i32
        %dma_wait3A_399 = arith.constant 0 : i32
        %dma_wait3A_400 = tpu.memref_slice %arg7[%dma_wait3A_396, %dma_wait3A_398, %dma_wait3A_399] : memref<4x8x1024xf32, #tpu.memory_space<vmem>> -> memref<1x8x1024xf32, #tpu.memory_space<vmem>>
        %dma_wait3A_401 = tpu.memref_squeeze %dma_wait3A_400 : memref<1x8x1024xf32, #tpu.memory_space<vmem>> -> memref<8x1024xf32, #tpu.memory_space<vmem>>
        %dma_wait3A_402 = arith.constant 0 : i32
        %dma_wait3A_403 = arith.constant 0 : i32
        %dma_wait3A_404 = tpu.memref_slice %arg4[%sub3A_395, %dma_wait3A_402, %add3A, %dma_wait3A_403] : memref<200x8x32x1024xf32, #tpu.memory_space<hbm>> -> memref<1x8x1x1024xf32, #tpu.memory_space<hbm>>
        %dma_wait3A_405 = tpu.memref_squeeze %dma_wait3A_404 : memref<1x8x1x1024xf32, #tpu.memory_space<hbm>> -> memref<8x1024xf32, #tpu.memory_space<hbm>>
        %dma_wait3A_406 = tpu.memref_slice %arg9[%dma_wait3A_397] : memref<4x!tpu.dma_semaphore, #tpu.memory_space<semaphore_mem>> -> memref<1x!tpu.dma_semaphore, #tpu.memory_space<semaphore_mem>>
        %dma_wait3A_407 = tpu.memref_squeeze %dma_wait3A_406 : memref<1x!tpu.dma_semaphore, #tpu.memory_space<semaphore_mem>> -> memref<!tpu.dma_semaphore, #tpu.memory_space<semaphore_mem>>
        %dma_wait3A_408 = arith.constant 0 : i32
        %dma_wait3A_409 = arith.constant 0 : i32
        %dma_wait3A_410 = tpu.memref_slice %arg4[%sub3A_395, %dma_wait3A_408, %add3A, %dma_wait3A_409] : memref<200x8x32x1024xf32, #tpu.memory_space<hbm>> -> memref<1x8x1x1024xf32, #tpu.memory_space<hbm>>
        %dma_wait3A_411 = tpu.memref_squeeze %dma_wait3A_410 : memref<1x8x1x1024xf32, #tpu.memory_space<hbm>> -> memref<8x1024xf32, #tpu.memory_space<hbm>>
        %dma_wait3A_412 = arith.constant 0 : i32
        %dma_wait3A_413 = arith.constant 0 : i32
        %dma_wait3A_414 = tpu.memref_slice %arg7[%dma_wait3A_396, %dma_wait3A_412, %dma_wait3A_413] : memref<4x8x1024xf32, #tpu.memory_space<vmem>> -> memref<1x8x1024xf32, #tpu.memory_space<vmem>>
        %dma_wait3A_415 = tpu.memref_squeeze %dma_wait3A_414 : memref<1x8x1024xf32, #tpu.memory_space<vmem>> -> memref<8x1024xf32, #tpu.memory_space<vmem>>
        tpu.wait_dma2 semaphore(%dma_wait3A_407 : memref<!tpu.dma_semaphore, #tpu.memory_space<semaphore_mem>>) src(%dma_wait3A_415 : memref<8x1024xf32, #tpu.memory_space<vmem>>) dst(%dma_wait3A_411 : memref<8x1024xf32, #tpu.memory_space<hbm>>)
      } else {
      }
      %parallel_loop3A_372 = arith.constant 0 : i32
      %parallel_loop3A_373 = arith.constant 128 : i32
      %parallel_loop3A_374 = arith.constant 1 : i32
      scf.for %parallel_loop3A_395 = %parallel_loop3A_372 to %parallel_loop3A_373 step %parallel_loop3A_374  : i32 {
        %parallel_loop3A_396 = vector.broadcast %parallel_loop3A_395 : i32 to vector<16xi32>
        %parallel_loop3A_397 = arith.constant 3 : i32
        %parallel_loop3A_398 = arith.index_cast %parallel_loop3A_397 : i32 to index
        %parallel_loop3A_399 = arith.index_cast %parallel_loop3A_395 : i32 to index
        %parallel_loop3A_400 = arith.constant 0 : index
        %parallel_loop3A_401 = tpu.vector_load %arg6[%parallel_loop3A_398, %parallel_loop3A_399, %parallel_loop3A_400] {strides = array<i32>} : memref<4x128x64xf32, #tpu.memory_space<vmem>>, vector<16xf32>,
        %parallel_loop3A_402 = arith.addi %mul3A_33, %parallel_loop3A_396 : vector<16xi32>
        %parallel_loop3A_403 = arith.constant 3 : i32
        %parallel_loop3A_404 = arith.constant 0 : i32
        %parallel_loop3A_405 = arith.constant 0 : i32
        %parallel_loop3A_406 = tpu.memref_slice %arg7[%parallel_loop3A_403, %parallel_loop3A_404, %parallel_loop3A_405] : memref<4x8x1024xf32, #tpu.memory_space<vmem>> -> memref<1x8x1024xf32, #tpu.memory_space<vmem>>
        %parallel_loop3A_407 = tpu.memref_squeeze %parallel_loop3A_406 : memref<1x8x1024xf32, #tpu.memory_space<vmem>> -> memref<8x1024xf32, #tpu.memory_space<vmem>>
        tpu.vector_store_idx %parallel_loop3A_407[%shift_right_arithmetic3A_7, %parallel_loop3A_402], %parallel_loop3A_401 : memref<8x1024xf32, #tpu.memory_space<vmem>>[vector<16xi32>, vector<16xi32>], vector<16xf32>,
        %parallel_loop3A_408 = arith.constant 3 : i32
        %parallel_loop3A_409 = arith.index_cast %parallel_loop3A_408 : i32 to index
        %parallel_loop3A_410 = arith.index_cast %parallel_loop3A_395 : i32 to index
        %parallel_loop3A_411 = arith.constant 16 : index
        %parallel_loop3A_412 = tpu.vector_load %arg6[%parallel_loop3A_409, %parallel_loop3A_410, %parallel_loop3A_411] {strides = array<i32>} : memref<4x128x64xf32, #tpu.memory_space<vmem>>, vector<16xf32>,
        %parallel_loop3A_413 = arith.addi %mul3A_42, %parallel_loop3A_396 : vector<16xi32>
        %parallel_loop3A_414 = arith.constant 3 : i32
        %parallel_loop3A_415 = arith.constant 0 : i32
        %parallel_loop3A_416 = arith.constant 0 : i32
        %parallel_loop3A_417 = tpu.memref_slice %arg7[%parallel_loop3A_414, %parallel_loop3A_415, %parallel_loop3A_416] : memref<4x8x1024xf32, #tpu.memory_space<vmem>> -> memref<1x8x1024xf32, #tpu.memory_space<vmem>>
        %parallel_loop3A_418 = tpu.memref_squeeze %parallel_loop3A_417 : memref<1x8x1024xf32, #tpu.memory_space<vmem>> -> memref<8x1024xf32, #tpu.memory_space<vmem>>
        tpu.vector_store_idx %parallel_loop3A_418[%shift_right_arithmetic3A_13, %parallel_loop3A_413], %parallel_loop3A_412 : memref<8x1024xf32, #tpu.memory_space<vmem>>[vector<16xi32>, vector<16xi32>], vector<16xf32>,
        %parallel_loop3A_419 = arith.constant 3 : i32
        %parallel_loop3A_420 = arith.index_cast %parallel_loop3A_419 : i32 to index
        %parallel_loop3A_421 = arith.index_cast %parallel_loop3A_395 : i32 to index
        %parallel_loop3A_422 = arith.constant 32 : index
        %parallel_loop3A_423 = tpu.vector_load %arg6[%parallel_loop3A_420, %parallel_loop3A_421, %parallel_loop3A_422] {strides = array<i32>} : memref<4x128x64xf32, #tpu.memory_space<vmem>>, vector<16xf32>,
        %parallel_loop3A_424 = arith.addi %mul3A_51, %parallel_loop3A_396 : vector<16xi32>
        %parallel_loop3A_425 = arith.constant 3 : i32
        %parallel_loop3A_426 = arith.constant 0 : i32
        %parallel_loop3A_427 = arith.constant 0 : i32
        %parallel_loop3A_428 = tpu.memref_slice %arg7[%parallel_loop3A_425, %parallel_loop3A_426, %parallel_loop3A_427] : memref<4x8x1024xf32, #tpu.memory_space<vmem>> -> memref<1x8x1024xf32, #tpu.memory_space<vmem>>
        %parallel_loop3A_429 = tpu.memref_squeeze %parallel_loop3A_428 : memref<1x8x1024xf32, #tpu.memory_space<vmem>> -> memref<8x1024xf32, #tpu.memory_space<vmem>>
        tpu.vector_store_idx %parallel_loop3A_429[%shift_right_arithmetic3A_19, %parallel_loop3A_424], %parallel_loop3A_423 : memref<8x1024xf32, #tpu.memory_space<vmem>>[vector<16xi32>, vector<16xi32>], vector<16xf32>,
        %parallel_loop3A_430 = arith.constant 3 : i32
        %parallel_loop3A_431 = arith.index_cast %parallel_loop3A_430 : i32 to index
        %parallel_loop3A_432 = arith.index_cast %parallel_loop3A_395 : i32 to index
        %parallel_loop3A_433 = arith.constant 48 : index
        %parallel_loop3A_434 = tpu.vector_load %arg6[%parallel_loop3A_431, %parallel_loop3A_432, %parallel_loop3A_433] {strides = array<i32>} : memref<4x128x64xf32, #tpu.memory_space<vmem>>, vector<16xf32>,
        %parallel_loop3A_435 = arith.addi %mul3A_60, %parallel_loop3A_396 : vector<16xi32>
        %parallel_loop3A_436 = arith.constant 3 : i32
        %parallel_loop3A_437 = arith.constant 0 : i32
        %parallel_loop3A_438 = arith.constant 0 : i32
        %parallel_loop3A_439 = tpu.memref_slice %arg7[%parallel_loop3A_436, %parallel_loop3A_437, %parallel_loop3A_438] : memref<4x8x1024xf32, #tpu.memory_space<vmem>> -> memref<1x8x1024xf32, #tpu.memory_space<vmem>>
        %parallel_loop3A_440 = tpu.memref_squeeze %parallel_loop3A_439 : memref<1x8x1024xf32, #tpu.memory_space<vmem>> -> memref<8x1024xf32, #tpu.memory_space<vmem>>
        tpu.vector_store_idx %parallel_loop3A_440[%shift_right_arithmetic3A_25, %parallel_loop3A_435], %parallel_loop3A_434 : memref<8x1024xf32, #tpu.memory_space<vmem>>[vector<16xi32>, vector<16xi32>], vector<16xf32>,
      } {sc.loop_unroll_factor = 16 : i64, sc.parallel_access}
      %dma_start3A_375 = arith.constant 3 : i32
      %dma_start3A_376 = arith.constant 3 : i32
      %dma_start3A_377 = arith.constant 0 : i32
      %dma_start3A_378 = arith.constant 0 : i32
      %dma_start3A_379 = tpu.memref_slice %arg7[%dma_start3A_375, %dma_start3A_377, %dma_start3A_378] : memref<4x8x1024xf32, #tpu.memory_space<vmem>> -> memref<1x8x1024xf32, #tpu.memory_space<vmem>>
      %dma_start3A_380 = tpu.memref_squeeze %dma_start3A_379 : memref<1x8x1024xf32, #tpu.memory_space<vmem>> -> memref<8x1024xf32, #tpu.memory_space<vmem>>
      %dma_start3A_381 = arith.constant 0 : i32
      %dma_start3A_382 = arith.constant 0 : i32
      %dma_start3A_383 = tpu.memref_slice %arg4[%add3A_345, %dma_start3A_381, %add3A, %dma_start3A_382] : memref<200x8x32x1024xf32, #tpu.memory_space<hbm>> -> memref<1x8x1x1024xf32, #tpu.memory_space<hbm>>
      %dma_start3A_384 = tpu.memref_squeeze %dma_start3A_383 : memref<1x8x1x1024xf32, #tpu.memory_space<hbm>> -> memref<8x1024xf32, #tpu.memory_space<hbm>>
      %dma_start3A_385 = tpu.memref_slice %arg9[%dma_start3A_376] : memref<4x!tpu.dma_semaphore, #tpu.memory_space<semaphore_mem>> -> memref<1x!tpu.dma_semaphore, #tpu.memory_space<semaphore_mem>>
      %dma_start3A_386 = tpu.memref_squeeze %dma_start3A_385 : memref<1x!tpu.dma_semaphore, #tpu.memory_space<semaphore_mem>> -> memref<!tpu.dma_semaphore, #tpu.memory_space<semaphore_mem>>
      %dma_start3A_387 = arith.constant 0 : i32
      %dma_start3A_388 = arith.constant 0 : i32
      %dma_start3A_389 = tpu.memref_slice %arg4[%add3A_345, %dma_start3A_387, %add3A, %dma_start3A_388] : memref<200x8x32x1024xf32, #tpu.memory_space<hbm>> -> memref<1x8x1x1024xf32, #tpu.memory_space<hbm>>
      %dma_start3A_390 = tpu.memref_squeeze %dma_start3A_389 : memref<1x8x1x1024xf32, #tpu.memory_space<hbm>> -> memref<8x1024xf32, #tpu.memory_space<hbm>>
      %dma_start3A_391 = arith.constant 0 : i32
      %dma_start3A_392 = arith.constant 0 : i32
      %dma_start3A_393 = tpu.memref_slice %arg7[%dma_start3A_375, %dma_start3A_391, %dma_start3A_392] : memref<4x8x1024xf32, #tpu.memory_space<vmem>> -> memref<1x8x1024xf32, #tpu.memory_space<vmem>>
      %dma_start3A_394 = tpu.memref_squeeze %dma_start3A_393 : memref<1x8x1024xf32, #tpu.memory_space<vmem>> -> memref<8x1024xf32, #tpu.memory_space<vmem>>
      tpu.enqueue_dma source(%dma_start3A_394 : memref<8x1024xf32, #tpu.memory_space<vmem>>) target(%dma_start3A_390 : memref<8x1024xf32, #tpu.memory_space<hbm>>) target_semaphore(%dma_start3A_386 : memref<!tpu.dma_semaphore, #tpu.memory_space<semaphore_mem>>)
    }
    %scan3A_109 = arith.constant 50 : i32
    %dma_wait3A = arith.constant 0 : i32
    %dma_wait3A_110 = arith.constant 196 : i32
    %dma_wait3A_111 = arith.constant 0 : i32
    %dma_wait3A_112 = arith.constant 0 : i32
    %dma_wait3A_113 = arith.constant 0 : i32
    %dma_wait3A_114 = tpu.memref_slice %arg7[%dma_wait3A, %dma_wait3A_112, %dma_wait3A_113] : memref<4x8x1024xf32, #tpu.memory_space<vmem>> -> memref<1x8x1024xf32, #tpu.memory_space<vmem>>
    %dma_wait3A_115 = tpu.memref_squeeze %dma_wait3A_114 : memref<1x8x1024xf32, #tpu.memory_space<vmem>> -> memref<8x1024xf32, #tpu.memory_space<vmem>>
    %dma_wait3A_116 = arith.constant 0 : i32
    %dma_wait3A_117 = arith.constant 0 : i32
    %dma_wait3A_118 = tpu.memref_slice %arg4[%dma_wait3A_110, %dma_wait3A_116, %add3A, %dma_wait3A_117] : memref<200x8x32x1024xf32, #tpu.memory_space<hbm>> -> memref<1x8x1x1024xf32, #tpu.memory_space<hbm>>
    %dma_wait3A_119 = tpu.memref_squeeze %dma_wait3A_118 : memref<1x8x1x1024xf32, #tpu.memory_space<hbm>> -> memref<8x1024xf32, #tpu.memory_space<hbm>>
    %dma_wait3A_120 = tpu.memref_slice %arg9[%dma_wait3A_111] : memref<4x!tpu.dma_semaphore, #tpu.memory_space<semaphore_mem>> -> memref<1x!tpu.dma_semaphore, #tpu.memory_space<semaphore_mem>>
    %dma_wait3A_121 = tpu.memref_squeeze %dma_wait3A_120 : memref<1x!tpu.dma_semaphore, #tpu.memory_space<semaphore_mem>> -> memref<!tpu.dma_semaphore, #tpu.memory_space<semaphore_mem>>
    %dma_wait3A_122 = arith.constant 0 : i32
    %dma_wait3A_123 = arith.constant 0 : i32
    %dma_wait3A_124 = tpu.memref_slice %arg4[%dma_wait3A_110, %dma_wait3A_122, %add3A, %dma_wait3A_123] : memref<200x8x32x1024xf32, #tpu.memory_space<hbm>> -> memref<1x8x1x1024xf32, #tpu.memory_space<hbm>>
    %dma_wait3A_125 = tpu.memref_squeeze %dma_wait3A_124 : memref<1x8x1x1024xf32, #tpu.memory_space<hbm>> -> memref<8x1024xf32, #tpu.memory_space<hbm>>
    %dma_wait3A_126 = arith.constant 0 : i32
    %dma_wait3A_127 = arith.constant 0 : i32
    %dma_wait3A_128 = tpu.memref_slice %arg7[%dma_wait3A, %dma_wait3A_126, %dma_wait3A_127] : memref<4x8x1024xf32, #tpu.memory_space<vmem>> -> memref<1x8x1024xf32, #tpu.memory_space<vmem>>
    %dma_wait3A_129 = tpu.memref_squeeze %dma_wait3A_128 : memref<1x8x1024xf32, #tpu.memory_space<vmem>> -> memref<8x1024xf32, #tpu.memory_space<vmem>>
    tpu.wait_dma2 semaphore(%dma_wait3A_121 : memref<!tpu.dma_semaphore, #tpu.memory_space<semaphore_mem>>) src(%dma_wait3A_129 : memref<8x1024xf32, #tpu.memory_space<vmem>>) dst(%dma_wait3A_125 : memref<8x1024xf32, #tpu.memory_space<hbm>>)
    %dma_wait3A_130 = arith.constant 1 : i32
    %dma_wait3A_131 = arith.constant 197 : i32
    %dma_wait3A_132 = arith.constant 1 : i32
    %dma_wait3A_133 = arith.constant 0 : i32
    %dma_wait3A_134 = arith.constant 0 : i32
    %dma_wait3A_135 = tpu.memref_slice %arg7[%dma_wait3A_130, %dma_wait3A_133, %dma_wait3A_134] : memref<4x8x1024xf32, #tpu.memory_space<vmem>> -> memref<1x8x1024xf32, #tpu.memory_space<vmem>>
    %dma_wait3A_136 = tpu.memref_squeeze %dma_wait3A_135 : memref<1x8x1024xf32, #tpu.memory_space<vmem>> -> memref<8x1024xf32, #tpu.memory_space<vmem>>
    %dma_wait3A_137 = arith.constant 0 : i32
    %dma_wait3A_138 = arith.constant 0 : i32
    %dma_wait3A_139 = tpu.memref_slice %arg4[%dma_wait3A_131, %dma_wait3A_137, %add3A, %dma_wait3A_138] : memref<200x8x32x1024xf32, #tpu.memory_space<hbm>> -> memref<1x8x1x1024xf32, #tpu.memory_space<hbm>>
    %dma_wait3A_140 = tpu.memref_squeeze %dma_wait3A_139 : memref<1x8x1x1024xf32, #tpu.memory_space<hbm>> -> memref<8x1024xf32, #tpu.memory_space<hbm>>
    %dma_wait3A_141 = tpu.memref_slice %arg9[%dma_wait3A_132] : memref<4x!tpu.dma_semaphore, #tpu.memory_space<semaphore_mem>> -> memref<1x!tpu.dma_semaphore, #tpu.memory_space<semaphore_mem>>
    %dma_wait3A_142 = tpu.memref_squeeze %dma_wait3A_141 : memref<1x!tpu.dma_semaphore, #tpu.memory_space<semaphore_mem>> -> memref<!tpu.dma_semaphore, #tpu.memory_space<semaphore_mem>>
    %dma_wait3A_143 = arith.constant 0 : i32
    %dma_wait3A_144 = arith.constant 0 : i32
    %dma_wait3A_145 = tpu.memref_slice %arg4[%dma_wait3A_131, %dma_wait3A_143, %add3A, %dma_wait3A_144] : memref<200x8x32x1024xf32, #tpu.memory_space<hbm>> -> memref<1x8x1x1024xf32, #tpu.memory_space<hbm>>
    %dma_wait3A_146 = tpu.memref_squeeze %dma_wait3A_145 : memref<1x8x1x1024xf32, #tpu.memory_space<hbm>> -> memref<8x1024xf32, #tpu.memory_space<hbm>>
    %dma_wait3A_147 = arith.constant 0 : i32
    %dma_wait3A_148 = arith.constant 0 : i32
    %dma_wait3A_149 = tpu.memref_slice %arg7[%dma_wait3A_130, %dma_wait3A_147, %dma_wait3A_148] : memref<4x8x1024xf32, #tpu.memory_space<vmem>> -> memref<1x8x1024xf32, #tpu.memory_space<vmem>>
    %dma_wait3A_150 = tpu.memref_squeeze %dma_wait3A_149 : memref<1x8x1024xf32, #tpu.memory_space<vmem>> -> memref<8x1024xf32, #tpu.memory_space<vmem>>
    tpu.wait_dma2 semaphore(%dma_wait3A_142 : memref<!tpu.dma_semaphore, #tpu.memory_space<semaphore_mem>>) src(%dma_wait3A_150 : memref<8x1024xf32, #tpu.memory_space<vmem>>) dst(%dma_wait3A_146 : memref<8x1024xf32, #tpu.memory_space<hbm>>)
    %dma_wait3A_151 = arith.constant 2 : i32
    %dma_wait3A_152 = arith.constant 198 : i32
    %dma_wait3A_153 = arith.constant 2 : i32
    %dma_wait3A_154 = arith.constant 0 : i32
    %dma_wait3A_155 = arith.constant 0 : i32
    %dma_wait3A_156 = tpu.memref_slice %arg7[%dma_wait3A_151, %dma_wait3A_154, %dma_wait3A_155] : memref<4x8x1024xf32, #tpu.memory_space<vmem>> -> memref<1x8x1024xf32, #tpu.memory_space<vmem>>
    %dma_wait3A_157 = tpu.memref_squeeze %dma_wait3A_156 : memref<1x8x1024xf32, #tpu.memory_space<vmem>> -> memref<8x1024xf32, #tpu.memory_space<vmem>>
    %dma_wait3A_158 = arith.constant 0 : i32
    %dma_wait3A_159 = arith.constant 0 : i32
    %dma_wait3A_160 = tpu.memref_slice %arg4[%dma_wait3A_152, %dma_wait3A_158, %add3A, %dma_wait3A_159] : memref<200x8x32x1024xf32, #tpu.memory_space<hbm>> -> memref<1x8x1x1024xf32, #tpu.memory_space<hbm>>
    %dma_wait3A_161 = tpu.memref_squeeze %dma_wait3A_160 : memref<1x8x1x1024xf32, #tpu.memory_space<hbm>> -> memref<8x1024xf32, #tpu.memory_space<hbm>>
    %dma_wait3A_162 = tpu.memref_slice %arg9[%dma_wait3A_153] : memref<4x!tpu.dma_semaphore, #tpu.memory_space<semaphore_mem>> -> memref<1x!tpu.dma_semaphore, #tpu.memory_space<semaphore_mem>>
    %dma_wait3A_163 = tpu.memref_squeeze %dma_wait3A_162 : memref<1x!tpu.dma_semaphore, #tpu.memory_space<semaphore_mem>> -> memref<!tpu.dma_semaphore, #tpu.memory_space<semaphore_mem>>
    %dma_wait3A_164 = arith.constant 0 : i32
    %dma_wait3A_165 = arith.constant 0 : i32
    %dma_wait3A_166 = tpu.memref_slice %arg4[%dma_wait3A_152, %dma_wait3A_164, %add3A, %dma_wait3A_165] : memref<200x8x32x1024xf32, #tpu.memory_space<hbm>> -> memref<1x8x1x1024xf32, #tpu.memory_space<hbm>>
    %dma_wait3A_167 = tpu.memref_squeeze %dma_wait3A_166 : memref<1x8x1x1024xf32, #tpu.memory_space<hbm>> -> memref<8x1024xf32, #tpu.memory_space<hbm>>
    %dma_wait3A_168 = arith.constant 0 : i32
    %dma_wait3A_169 = arith.constant 0 : i32
    %dma_wait3A_170 = tpu.memref_slice %arg7[%dma_wait3A_151, %dma_wait3A_168, %dma_wait3A_169] : memref<4x8x1024xf32, #tpu.memory_space<vmem>> -> memref<1x8x1024xf32, #tpu.memory_space<vmem>>
    %dma_wait3A_171 = tpu.memref_squeeze %dma_wait3A_170 : memref<1x8x1024xf32, #tpu.memory_space<vmem>> -> memref<8x1024xf32, #tpu.memory_space<vmem>>
    tpu.wait_dma2 semaphore(%dma_wait3A_163 : memref<!tpu.dma_semaphore, #tpu.memory_space<semaphore_mem>>) src(%dma_wait3A_171 : memref<8x1024xf32, #tpu.memory_space<vmem>>) dst(%dma_wait3A_167 : memref<8x1024xf32, #tpu.memory_space<hbm>>)
    %dma_wait3A_172 = arith.constant 3 : i32
    %dma_wait3A_173 = arith.constant 199 : i32
    %dma_wait3A_174 = arith.constant 3 : i32
    %dma_wait3A_175 = arith.constant 0 : i32
    %dma_wait3A_176 = arith.constant 0 : i32
    %dma_wait3A_177 = tpu.memref_slice %arg7[%dma_wait3A_172, %dma_wait3A_175, %dma_wait3A_176] : memref<4x8x1024xf32, #tpu.memory_space<vmem>> -> memref<1x8x1024xf32, #tpu.memory_space<vmem>>
    %dma_wait3A_178 = tpu.memref_squeeze %dma_wait3A_177 : memref<1x8x1024xf32, #tpu.memory_space<vmem>> -> memref<8x1024xf32, #tpu.memory_space<vmem>>
    %dma_wait3A_179 = arith.constant 0 : i32
    %dma_wait3A_180 = arith.constant 0 : i32
    %dma_wait3A_181 = tpu.memref_slice %arg4[%dma_wait3A_173, %dma_wait3A_179, %add3A, %dma_wait3A_180] : memref<200x8x32x1024xf32, #tpu.memory_space<hbm>> -> memref<1x8x1x1024xf32, #tpu.memory_space<hbm>>
    %dma_wait3A_182 = tpu.memref_squeeze %dma_wait3A_181 : memref<1x8x1x1024xf32, #tpu.memory_space<hbm>> -> memref<8x1024xf32, #tpu.memory_space<hbm>>
    %dma_wait3A_183 = tpu.memref_slice %arg9[%dma_wait3A_174] : memref<4x!tpu.dma_semaphore, #tpu.memory_space<semaphore_mem>> -> memref<1x!tpu.dma_semaphore, #tpu.memory_space<semaphore_mem>>
    %dma_wait3A_184 = tpu.memref_squeeze %dma_wait3A_183 : memref<1x!tpu.dma_semaphore, #tpu.memory_space<semaphore_mem>> -> memref<!tpu.dma_semaphore, #tpu.memory_space<semaphore_mem>>
    %dma_wait3A_185 = arith.constant 0 : i32
    %dma_wait3A_186 = arith.constant 0 : i32
    %dma_wait3A_187 = tpu.memref_slice %arg4[%dma_wait3A_173, %dma_wait3A_185, %add3A, %dma_wait3A_186] : memref<200x8x32x1024xf32, #tpu.memory_space<hbm>> -> memref<1x8x1x1024xf32, #tpu.memory_space<hbm>>
    %dma_wait3A_188 = tpu.memref_squeeze %dma_wait3A_187 : memref<1x8x1x1024xf32, #tpu.memory_space<hbm>> -> memref<8x1024xf32, #tpu.memory_space<hbm>>
    %dma_wait3A_189 = arith.constant 0 : i32
    %dma_wait3A_190 = arith.constant 0 : i32
    %dma_wait3A_191 = tpu.memref_slice %arg7[%dma_wait3A_172, %dma_wait3A_189, %dma_wait3A_190] : memref<4x8x1024xf32, #tpu.memory_space<vmem>> -> memref<1x8x1024xf32, #tpu.memory_space<vmem>>
    %dma_wait3A_192 = tpu.memref_squeeze %dma_wait3A_191 : memref<1x8x1024xf32, #tpu.memory_space<vmem>> -> memref<8x1024xf32, #tpu.memory_space<vmem>>
    tpu.wait_dma2 semaphore(%dma_wait3A_184 : memref<!tpu.dma_semaphore, #tpu.memory_space<semaphore_mem>>) src(%dma_wait3A_192 : memref<8x1024xf32, #tpu.memory_space<vmem>>) dst(%dma_wait3A_188 : memref<8x1024xf32, #tpu.memory_space<hbm>>)
    return
  }
}

</mosaic_0001>

<sc_bundles>
// kernel: kernel.3.cloned.1.call-start
scs
__scs_entry_jumppad:
0x0: {  	(pc) =	sbr.rel $0x88, $3  }
0x1: {  	(tag) =	ssettag $0x0;
	lr =	simm.s32 $0x1  }
0x2: {  	[smem:$0x3F9F] =	sst lr;
	_ =	strace $0xD0000000  }
0x3: {  	_ = 	snop  }
0x4: {  	_ = 	snop  }
0x5: {  	_ = 	snop  }
0x6: {  	_ = 	snop  }
0x7: {  	_ = 	snop  }
__scs_overlays_trampoline_lowered:
0x8: {  	[smem:$0x3FAE] =	sst s0  }
0x9: {  	[smem:$0x3FAF] =	sst s1  }
0xa: {  	[smem:$0x3FB0] =	sst s2  }
0xb: {  	[smem:$0x3FB1] =	sst s3  }
0xc: {  	[smem:$0x3FB2] =	sst s4  }
0xd: {  	[smem:$0x3FB3] =	sst s5  }
0xe: {  	[smem:$0x3FB4] =	sst s6  }
0xf: {  	[smem:$0x3FB5] =	sst s7  }
0x10: {  	[smem:$0x3FB6] =	sst s8  }
0x11: {  	[smem:$0x3FB7] =	sst s9;
	s0 =	simm.s32 @!p0 $0x0  }
0x12: {  	s1 =	sld [smem:$0x3F9D];
	s0 =	simm.s32 @p0 $0x1  }
0x13: {  	[smem:$0x3FB8] =	sst s0;
	s0 =	simm.s32 @!p1 $0x0  }
0x14: {  	s2 =	sld [smem:$0x3F9C];
	s0 =	simm.s32 @p1 $0x1  }
0x15: {  	[smem:$0x3FB9] =	sst s0;
	s0 =	simm.s32 @!p2 $0x0  }
0x16: {  	s3 =	sld [smem:$0x3FDB];
	s0 =	simm.s32 @p2 $0x1  }
0x17: {  	s4 =	simm.s32 $0x1BF5;
	[smem:$0x3FBB] =	sst s0  }
0x18: {  	s0 =	sld [smem:$0x3F9E];
	_ =	swait.ge [sflag:s4], $0x0  }
0x19: {  	s7 =	sld [smem:$0x3F9F]  }
0x1a: {  	s8 =	sadd.s32 $0xFFFFE003, lr  }
0x1b: {  	s9 =	sadd.s32 $0xFFFFFEF7, lr;
	s5 =	simm.s32 $0xFFFFFFFF;
	p2 =	slt.u32 s8, $0xFFFFF086  }
0x1c: {  	p1 =	slt.u32 s9, $0xF7A;
	s5 =	simm.s32 @!p2 $0x0  }
0x1d: {  	s5 =	simm.s32 @p1 $0x1;
	p0 =	seq.s32 s7, s2  }
0x1e: {  	s7 =	smul.u32 @!p0 $0xF7A, s2;
	p2 =	seq.s32 @!p0 s5, $0x0  }
0x1f: {  	s9 =	smul.u32 $0xF7A, s1;
	s8 =	simm.s32 @!p0 $0x1BF5;
	p2 =	por !p2, p0  }
0x20: {  	[sflag:s8] =	ssyncset.s32 @!p0 $0xFFFFF086;
	s6 =	sadd.s32 @!p0 s3, s7;
	s7 =	simm.s32 @!p0 $0x108  }
0x21: {  	s3 =	sadd.s32 s3, s9;
	s6 =	sadd.s32 @!p0 $0x88, s6;
	s7 =	simm.s32 @p2 $0x1082  }
0x22: {  	[simem:s7], [sflag:s8] =	dma.local @!p0 [hbm:s6], $0xF7A  }
0x23: {  	s9 =	sor.u32 $0xD0000000, s2;
	s6 =	simm.s32 $0x108;
	_ =	swait.ge @!p0 [sflag:s8], $0x0  }
0x24: {  	s3 =	sadd.s32 $0x88, s3;
	s6 =	simm.s32 @!p1 $0x1082;
	[sflag:s4] =	ssyncset.s32 $0xFFFFF086  }
0x25: {  	[simem:s6], [sflag:s4] =	dma.local [hbm:s3], $0xF7A  }
0x26: {  	[smem:$0x3F9F] =	sst s1;
	(tag) =	ssettag s2;
	_ =	strace s9  }
0x27: {  	s1 =	sld [smem:$0x3FAF]  }
0x28: {  	s2 =	sld [smem:$0x3FB0]  }
0x29: {  	s4 =	sld [smem:$0x3FB2]  }
0x2a: {  	p0 =	seq.s32 s5, $0x0;
	s5 =	sld [smem:$0x3FB3]  }
0x2b: {  	s6 =	sld [smem:$0x3FB4]  }
0x2c: {  	s7 =	sld [smem:$0x3FB5]  }
0x2d: {  	s3 =	simm.s32 $0x108;
	s8 =	sld [smem:$0x3FB6]  }
0x2e: {  	s3 =	simm.s32 @!p0 $0x1082;
	s9 =	sld [smem:$0x3FB7]  }
0x2f: {  	lr =	sadd.s32 s0, s3;
	s0 =	sld [smem:$0x3FAE]  }
0x30: {  	s3 =	sld [smem:$0x3FB1]  }
0x31: {  	[smem:$0x3FBA] =	sst s10  }
0x32: {  	s10 =	sld [smem:$0x3FB8];
	_ =	sdelay $0x3  }
0x33: {  	p0 =	seq.s32 s10, $0x1;
	s10 =	sld [smem:$0x3FBA];
	_ =	sdelay $0x3  }
0x34: {  	[smem:$0x3FBA] =	sst s10  }
0x35: {  	s10 =	sld [smem:$0x3FB9];
	_ =	sdelay $0x3  }
0x36: {  	p1 =	seq.s32 s10, $0x1;
	s10 =	sld [smem:$0x3FBA];
	_ =	sdelay $0x3  }
0x37: {  	[smem:$0x3FBA] =	sst s10  }
0x38: {  	s10 =	sld [smem:$0x3FBB]  }
0x39: {  	_ = 	snop;
	(pc) =	sbr.ind lr, $3  }
0x3a: {  	_ = 	snop  }
0x3b: {  	_ = 	snop  }
0x3c: {  	p2 =	seq.s32 s10, $0x1;
	s10 =	sld [smem:$0x3FBA]  }
0x3d: {  	_ =	shalt  }
0x3e: {  	_ =	shalt  }
0x3f: {  	_ =	shalt  }
0x40: {  	_ =	shalt  }
0x41: {  	_ =	shalt  }
0x42: {  	_ =	shalt  }
0x43: {  	_ =	shalt  }
0x44: {  	_ =	shalt  }
0x45: {  	_ =	shalt  }
0x46: {  	_ =	shalt  }
0x47: {  	_ =	shalt  }
0x48: {  	_ =	shalt  }
0x49: {  	_ =	shalt  }
0x4a: {  	_ =	shalt  }
0x4b: {  	_ =	shalt  }
0x4c: {  	_ =	shalt  }
0x4d: {  	_ =	shalt  }
0x4e: {  	_ =	shalt  }
0x4f: {  	_ =	shalt  }
0x50: {  	_ =	shalt  }
0x51: {  	_ =	shalt  }
0x52: {  	_ =	shalt  }
0x53: {  	_ =	shalt  }
0x54: {  	_ =	shalt  }
0x55: {  	_ =	shalt  }
0x56: {  	_ =	shalt  }
0x57: {  	_ =	shalt  }
0x58: {  	_ =	shalt  }
0x59: {  	_ =	shalt  }
0x5a: {  	_ =	shalt  }
0x5b: {  	_ =	shalt  }
0x5c: {  	_ =	shalt  }
0x5d: {  	_ =	shalt  }
0x5e: {  	_ =	shalt  }
0x5f: {  	_ =	shalt  }
0x60: {  	_ =	shalt  }
0x61: {  	_ =	shalt  }
0x62: {  	_ =	shalt  }
0x63: {  	_ =	shalt  }
0x64: {  	_ =	shalt  }
0x65: {  	_ =	shalt  }
0x66: {  	_ =	shalt  }
0x67: {  	_ =	shalt  }
0x68: {  	_ =	shalt  }
0x69: {  	_ =	shalt  }
0x6a: {  	_ =	shalt  }
0x6b: {  	_ =	shalt  }
0x6c: {  	_ =	shalt  }
0x6d: {  	_ =	shalt  }
0x6e: {  	_ =	shalt  }
0x6f: {  	_ =	shalt  }
0x70: {  	_ =	shalt  }
0x71: {  	_ =	shalt  }
0x72: {  	_ =	shalt  }
0x73: {  	_ =	shalt  }
0x74: {  	_ =	shalt  }
0x75: {  	_ =	shalt  }
0x76: {  	_ =	shalt  }
0x77: {  	_ =	shalt  }
0x78: {  	_ =	shalt  }
0x79: {  	_ =	shalt  }
0x7a: {  	_ =	shalt  }
0x7b: {  	_ =	shalt  }
0x7c: {  	_ =	shalt  }
0x7d: {  	_ =	shalt  }
0x7e: {  	_ =	shalt  }
0x7f: {  	_ =	shalt  }
0x80: {  	_ =	shalt  }
0x81: {  	_ =	shalt  }
0x82: {  	_ =	shalt  }
0x83: {  	_ =	shalt  }
0x84: {  	_ =	shalt  }
0x85: {  	_ =	shalt  }
0x86: {  	_ =	shalt  }
0x87: {  	_ =	shalt  }
.Lfunc_end0:
.L_simem_size_0:
called_computation.1_lowered:
.L_overlay_start_0:
0x88: {  	s2 =	sld [smem:$0x3FD9]  }
0x89: {  	s3 =	sld [smem:$0x3FFE];
	_ =	sdelay $0x1  }
0x8a: {  	s1 =	srdreg.scid  }
0x8b: {  	s0 =	sand.u32 $0x1, s1  }
0x8c: {  	s17 =	sshll.u32 s0, $0xA;
	s2 =	sadd.s32 s3, s2  }
0x8d: {  	s2 =	sadd.s32 s2, s17  }
0x8e: {  	[smem:$0x3FC6] =	sst s2  }
0x8f: {  	_ = 	snop  }
0x90: {  	s2 =	sld [smem:$0x3FD0];
	(tm) =	ssettm $0x1  }
0x91: {  	s18 =	sld [smem:$0x3FFB];
	_ =	sdelay $0x3  }
0x92: {  	_ =	strace s18  }
0x93: {  	s3 =	sld [smem:$0x3FFC];
	_ =	sdelay $0x3  }
0x94: {  	_ =	strace s3  }
0x95: {  	s3 =	sld [smem:$0x3FFD];
	_ =	sdelay $0x3  }
0x96: {  	_ =	strace s3  }
0x97: {  	_ =	strace $0x8FFFFFFF  }
0x98: {  	s19 =	sld [smem:$0x3FDB];
	_ =	sdelay $0x1  }
0x99: {  	s4 =	simm.s32 $_scs_section_size  }
0x9a: {  	s5 =	simm.s32 $_size__tile_overlayer_lowered;
	s6 =	simm.s32 $_tile_overlayer_lowered  }
0x9b: {  	s22 =	simm.s32 $0x1BFF;
	s21 =	sshll.u32 s6, $0x1;
	s3 =	sadd.s32 s4, s19  }
0x9c: {  	s7 =	simm.s32 $0x0;
	s20 =	sshll.u32 s5, $0x1;
	s5 =	sadd.s32 s21, s3  }
0x9d: {  	[timem:s7], [sflag:s22] =	dma.local [hbm:s5], s20  }
0x9e: {  	_ =	swait.ge [sflag:s22], s20  }
0x9f: {  	s4 =	ssub.s32 $0x0, s20;
	[sflag:s22] =	ssyncset.done $0x0  }
0xa0: {  	[sflag:s22] =	ssyncadd.s32 s4;
	_ =	sdelay $0x1  }
0xa1: {  	s23 =	simm.s32 $0x1B8B  }
0xa2: {  	_ =	swait.ge [sflag:s23], $0x1  }
0xa3: {  	[sflag:s23] =	ssyncset.done $0x0  }
0xa4: {  	s25 =	simm.s32 $0x1B8E;
	s24 =	sld [smem:$0x3FFE];
	[sflag:s23] =	ssyncadd.s32 $0xFFFFFFFF  }
0xa5: {  	s26 =	simm.s32 $execute0_lowered;
	[smem:$0x3FD2] =	sst s25  }
0xa6: {  	s5 =	sshll.u32 s26, $0x1;
	_ =	strace $0x80000049;
	[dreg:$0x1] =	wrdreg $0xFFFFFFFF  }
0xa7: {  	s28 =	simm.s32 $_size_execute0_lowered;
	s3 =	sadd.s32 s3, s5;
	[dreg:$0x0] =	wrdreg $0x0  }
0xa8: {  	s5 =	sshll.u32 s28, $0x1;
	[dreg:$0x2] =	wrdreg s3  }
0xa9: {  	[dreg:$0x3] =	wrdreg s5  }
0xaa: {  	[dreg:$0x4] =	wrdreg $0xC0  }
0xab: {  	_ =	task [dreg:s7], $0x5FFFF  }
0xac: {  	[dreg:$0x1] =	wrdreg $0xFFFFFFFF  }
0xad: {  	[dreg:$0x0] =	wrdreg $0x60  }
0xae: {  	[dreg:$0x2] =	wrdreg s24  }
0xaf: {  	[dreg:$0x3] =	wrdreg s2  }
0xb0: {  	[dreg:$0x4] =	wrdreg $0x9  }
0xb1: {  	_ =	task.clear_ibuf [dreg:s7], $0x5FFFF;
	_ =	strace $0x90000049  }
0xb2: {  	s29 =	simm.s32 $0x9;
	_ =	strace $0x8000004B  }
0xb3: {  	_ =	swait.ge [sflag:s29], $0x1  }
0xb4: {  	[sflag:s29] =	ssyncadd.s32 $0xFFFFFFFF  }
0xb5: {  	_ =	strace $0x9000004B  }
0xb6: {  	_ =	sfence  }
0xb7: {  	s30 =	sld [smem:$0x0];
	_ =	sdelay $0x2  }
0xb8: {  	s31 =	sshll.u32 s1, $0xD;
	s1 =	sshrl.u32 s1, $0x2  }
0xb9: {  	s3 =	sand.u32 $0x4000, s31;
	s1 =	sadd.s32 s1, s30  }
0xba: {  	s0 =	sor.u32 s3, s0;
	s1 =	sshll.u32 s1, $0x11  }
0xbb: {  	s0 =	sor.u32 s1, s0  }
0xbc: {  	s0 =	sadd.s32 $0x8F2B, s0  }
0xbd: {  	[sflag:s0] =	ssyncadd.remote.s32 $0x1  }
0xbe: {  	_ =	sfence.sel $0xFFFF  }
0xbf: {  	[dreg:$0x0] =	wrdreg $0xFFFFFFFF;
	(pc) =	sbr.abs _section_cstart, $3  }
0xc0: {  	[dreg:$0x1] =	wrdreg $0xFFFFFFFF  }
0xc1: {  	_ =	task.clear_ibuf [dreg:s7], $0x2FFFF;
	_ =	strace $0x9FFFFFFF  }
0xc2: {  	(tm) =	ssettm $0x7FFFFFFF  }
0xc3: {  	_ =	shalt  }
tec
execute0_lowered:
.L_overlay_start_1:
0x0: {  	(tag) =	ssettag $0x1  }
0x1: {  	v0 =	vlaneseq.u32  }
0x2: {  	v0 =	vmul.u32 $0x80, v0  }
0x3: {  	s0 =	rddreg [dreg:$0x0]  }
0x4: {  	s1 =	srdreg.scid;
	s2 =	stileid.u32;
	v1 =	vor.u32 $0x800, v0  }
0x5: {  	s25 =	rddreg [dreg:$0x1];
	s3 =	simm.s32 $0x0;
	s19 =	simm.s32 $0xE400;
	v2 =	vor.u32 $0x1000, v0;
	v3 =	vor.u32 $0x1800, v0;
	v4 =	vor.u32 $0x1, v0  }
0x6: {  	s20 =	simm.s32 $0x400;
	s21 =	simm.s32 $0x8000;
	s28 =	simm.s32 $0x12400;
	v5 =	vor.u32 $0x801, v0;
	v6 =	vor.u32 $0x1001, v0;
	v7 =	vor.u32 $0x1801, v0  }
0x7: {  	s29 =	simm.s32 $0x4;
	s31 =	simm.s32 $0x14400;
	s1 =	sand.u32 $0x1, s1;
	v8 =	vor.u32 $0x2, v0;
	v9 =	vor.u32 $0x802, v0;
	v10 =	vor.u32 $0x1002, v0  }
0x8: {  	s2 =	sshll.u32 s2, $0x1;
	[smem:$0x7FF] =	sst s3;
	s4 =	sadd.s32 $0xF5BE00, s0;
	v11 =	vor.u32 $0x1802, v0;
	v12 =	vor.u32 $0x3, v0;
	v13 =	vor.u32 $0x803, v0  }
0x9: {  	s26 =	sadd.s32 $0x8000, s25;
	s30 =	sadd.s32 $0x10000, s25;
	s2 =	sor.u32 s1, s2;
	v14 =	vor.u32 $0x1003, v0;
	v15 =	vor.u32 $0x1803, v0;
	v16 =	vor.u32 $0x4, v0  }
0xa: {  	s1 =	ssub.s32 $0x2, s1;
	_ =	strace $0x8000004A;
	s22 =	sshll.u32 s2, $0x4;
	v17 =	vor.u32 $0x804, v0;
	v18 =	vor.u32 $0x1004, v0;
	v19 =	vor.u32 $0x1804, v0  }
0xb: {  	[dreg:$0x4] =	wrdreg s26;
	s5 =	sshrl.u32 s1, $0x1;
	v20 =	vor.u32 $0x5, v0;
	v21 =	vor.u32 $0x805, v0;
	v22 =	vor.u32 $0x1005, v0;
	s3 =	sadd.s32 s22, s0  }
0xc: {  	[dreg:$0x5] =	wrdreg s30;
	v23 =	vor.u32 $0x1805, v0;
	v24 =	vor.u32 $0x6, v0;
	v25 =	vor.u32 $0x806, v0;
	s23 =	ssub.s32 s1, s5;
	s24 =	sadd.s32 $0xF42E00, s3  }
0xd: {  	s6 =	sshll.u32 s2, $0xA;
	v26 =	vor.u32 $0x1006, v0;
	v27 =	vor.u32 $0x1806, v0;
	v28 =	vor.u32 $0x7, v0;
	s0 =	smax.u32 s23, $0x1;
	[dreg:$0x3] =	wrdreg s24  }
0xe: {  	v29 =	vor.u32 $0x807, v0;
	v30 =	vor.u32 $0x1007, v0;
	v31 =	vor.u32 $0x1807, v0;
	s2 =	simm.s32 $0x0;
	[dreg:$0x6] =	wrdreg s0;
	s24 =	simm.s32 $0x10400  }
.LBB2_1:
0xf: {  	[dreg:$0x7] =	wrdreg s2  }
0x10: {  	s0 =	simm.s32 $0x0;
	s1 =	rddreg [dreg:$0x3]  }
0x11: {  	s17 =	simm.s32 $0x80;
	s3 =	simm.s32 $0x1000;
	s18 =	simm.s32 $0x9  }
0x12: {  	[tilespmem:s0], [sflag:$0x9] =	stream.strided.gather [hbm4b:s1+s17], $0x6400, s3, s17, $0x38;
	[tilespmem:$0x16400] =	vst v63  }
0x13: {  	_ =	swait.ge [sflag:s18], $0x6400  }
0x14: {  	[sflag:s18] =	ssyncset.done $0x0  }
0x15: {  	s22 =	simm.s32 $0x6400;
	[sflag:s18] =	ssyncadd.s32 $0xFFFF9C00  }
0x16: {  	[tilespmem:s22], [sflag:$0x1] =	stream.indirect.gather [hbm4b:s4+s17], $0x40, s0, s17, $0xb8;
	[tilespmem:$0x16400] =	vst v63  }
0x17: {  	s23 =	simm.s32 $0x8400  }
0x18: {  	[tilespmem:s23], [sflag:$0x2] =	stream.indirect.gather [hbm4b:s4+s17], $0x40, s17, s17, $0xb8;
	[tilespmem:$0x16400] =	vst v63  }
0x19: {  	s26 =	simm.s32 $0x100;
	s30 =	simm.s32 $0xA400;
	s11 =	simm.s32 $0x0  }
0x1a: {  	[tilespmem:s30], [sflag:$0x3] =	stream.indirect.gather [hbm4b:s4+s17], $0x40, s26, s17, $0xb8;
	[tilespmem:$0x16400] =	vst v63  }
.LBB2_2:
0x1b: {  	s15 =	sshllo.u32 s11, $0x2  }
0x1c: {  	s1 =	simm.s32 $0x80;
	s0 =	sshll.u32 s15, $0x7  }
0x1d: {  	s2 =	simm.s32 $0xC400;
	s23 =	simm.s32 $0x1;
	s0 =	sand.u32 $0x3FFFFF80, s0  }
0x1e: {  	[tilespmem:s2], [sflag:$0x4] =	stream.indirect.gather [hbm4b:s4+s1], $0x40, s0, s1, $0xb8;
	[tilespmem:$0x16400] =	vst v63  }
0x1f: {  	_ =	swait.ge [sflag:s23], $0x2000  }
0x20: {  	p0 =	seq.s32 s11, $0x0;
	[sflag:s23] =	ssyncset.done $0x0  }
0x21: {  	s0 =	simm.s32 @!p0 $0x5;
	[sflag:s23] =	ssyncadd.s32 $0xFFFFE000  }
0x22: {  	_ =	swait.ge @!p0 [sflag:s0], $0x2000  }
0x23: {  	[sflag:s0] =	ssyncset.done @!p0 $0x0  }
0x24: {  	s23 =	simm.s32 $0xF;
	[sflag:s0] =	ssyncadd.s32 @!p0 $0xFFFFE000;
	s0 =	simm.s32 $0x6600  }
0x25: {  	s26 =	simm.s32 $0x1;
	v33 =	vor.u32 s23, v28;
	v32 =	vld [tilespmem:s0+$0x1C0]  }
0x26: {  	s3 =	simm.s32 $0x2;
	v35 =	vor.u32 s26, v4;
	v34 =	vld [tilespmem:s0+$0xFFFFFE40]  }
0x27: {  	s5 =	simm.s32 $0x3;
	v37 =	vor.u32 s3, v8;
	v36 =	vld [tilespmem:s0+$0xFFFFFE80]  }
0x28: {  	s7 =	simm.s32 $0x4;
	v39 =	vor.u32 s5, v12;
	v38 =	vld [tilespmem:s0+$0xFFFFFEC0]  }
0x29: {  	s30 =	simm.s32 $0x5;
	v41 =	vor.u32 s7, v16;
	v40 =	vld [tilespmem:s0+$0xFFFFFF00]  }
0x2a: {  	s8 =	simm.s32 $0x6;
	v43 =	vor.u32 s30, v20;
	v42 =	vld [tilespmem:s0+$0xFFFFFF40];
	[tilespmem:v33+s19+$0x0] =	vst.idx.msk $0xffff, v32  }
0x2b: {  	s9 =	simm.s32 $0x7;
	v61 =	vor.u32 s8, v24;
	v60 =	vld [tilespmem:s0+$0xFFFFFF80];
	[tilespmem:v35+s19+$0x0] =	vst.idx.msk $0xffff, v34  }
0x2c: {  	s10 =	simm.s32 $0x8;
	v63 =	vor.u32 s9, v28;
	v62 =	vld [tilespmem:s0+$0xFFFFFFC0];
	[tilespmem:v37+s19+$0x0] =	vst.idx.msk $0xffff, v36  }
0x2d: {  	s12 =	simm.s32 $0x9;
	v46 =	vor.u32 s10, v0;
	v45 =	vld [tilespmem:s0+$0x0];
	[tilespmem:v39+s19+$0x0] =	vst.idx.msk $0xffff, v38  }
0x2e: {  	s13 =	simm.s32 $0xA;
	v48 =	vor.u32 s12, v4;
	v47 =	vld [tilespmem:s0+$0x40];
	[tilespmem:v41+s19+$0x0] =	vst.idx.msk $0xffff, v40  }
0x2f: {  	s14 =	simm.s32 $0xB;
	v50 =	vor.u32 s13, v8;
	v49 =	vld [tilespmem:s0+$0x80];
	[tilespmem:v43+s19+$0x0] =	vst.idx.msk $0xffff, v42  }
0x30: {  	s16 =	simm.s32 $0xC;
	v53 =	vor.u32 s14, v12;
	v52 =	vld [tilespmem:s0+$0xC0];
	[tilespmem:v61+s19+$0x0] =	vst.idx.msk $0xffff, v60  }
0x31: {  	s18 =	simm.s32 $0xD;
	v55 =	vor.u32 s16, v16;
	v54 =	vld [tilespmem:s0+$0x100];
	[tilespmem:v63+s19+$0x0] =	vst.idx.msk $0xffff, v62  }
0x32: {  	s17 =	simm.s32 $0x0;
	v57 =	vor.u32 s18, v20;
	v56 =	vld [tilespmem:s0+$0x140];
	[tilespmem:v46+s19+$0x0] =	vst.idx.msk $0xffff, v45  }
0x33: {  	[tilespmem:v48+s19+$0x0] =	vst.idx.msk $0xffff, v47;
	v60 =	vld [tilespmem:s0+$0xFFFFFE00];
	v61 =	vor.u32 s17, v0  }
0x34: {  	v59 =	vor.u32 s23, v29;
	[tilespmem:v50+s19+$0x0] =	vst.idx.msk $0xffff, v49;
	v32 =	vld [tilespmem:s0+$0x1D0]  }
0x35: {  	[tilespmem:v53+s19+$0x0] =	vst.idx.msk $0xffff, v52;
	v45 =	vor.u32 s26, v5;
	v63 =	vld [tilespmem:s0+$0xFFFFFE50]  }
0x36: {  	[tilespmem:v55+s19+$0x0] =	vst.idx.msk $0xffff, v54;
	v47 =	vor.u32 s3, v9;
	v46 =	vld [tilespmem:s0+$0xFFFFFE90]  }
0x37: {  	[tilespmem:v57+s19+$0x0] =	vst.idx.msk $0xffff, v56;
	v49 =	vor.u32 s5, v13;
	v48 =	vld [tilespmem:s0+$0xFFFFFED0]  }
0x38: {  	v53 =	vor.u32 s30, v21;
	v52 =	vld [tilespmem:s0+$0xFFFFFF50];
	[tilespmem:v61+s19+$0x0] =	vst.idx.msk $0xffff, v60  }
0x39: {  	v55 =	vor.u32 s8, v25;
	v54 =	vld [tilespmem:s0+$0xFFFFFF90];
	[tilespmem:v59+s19+$0x0] =	vst.idx.msk $0xffff, v32  }
0x3a: {  	v57 =	vor.u32 s9, v29;
	v56 =	vld [tilespmem:s0+$0xFFFFFFD0];
	[tilespmem:v45+s19+$0x0] =	vst.idx.msk $0xffff, v63  }
0x3b: {  	s22 =	simm.s32 $0xE;
	v60 =	vld [tilespmem:s0+$0x50];
	v61 =	vor.u32 s12, v5;
	[tilespmem:v47+s19+$0x0] =	vst.idx.msk $0xffff, v46  }
0x3c: {  	v58 =	vld [tilespmem:s0+$0x180];
	v59 =	vor.u32 s22, v24;
	[tilespmem:v49+s19+$0x0] =	vst.idx.msk $0xffff, v48  }
0x3d: {  	[tilespmem:v53+s19+$0x0] =	vst.idx.msk $0xffff, v52;
	v45 =	vld [tilespmem:s0+$0xD0];
	v46 =	vor.u32 s14, v13  }
0x3e: {  	[tilespmem:v55+s19+$0x0] =	vst.idx.msk $0xffff, v54;
	v47 =	vld [tilespmem:s0+$0x110];
	v48 =	vor.u32 s16, v17  }
0x3f: {  	v51 =	vor.u32 s23, v30;
	[tilespmem:v57+s19+$0x0] =	vst.idx.msk $0xffff, v56;
	v32 =	vld [tilespmem:s0+$0x1E0]  }
0x40: {  	v53 =	vld [tilespmem:s0+$0xFFFFFE10];
	v54 =	vor.u32 s17, v1;
	[tilespmem:v61+s19+$0x0] =	vst.idx.msk $0xffff, v60  }
0x41: {  	v56 =	vor.u32 s26, v6;
	v55 =	vld [tilespmem:s0+$0xFFFFFE60];
	[tilespmem:v59+s19+$0x0] =	vst.idx.msk $0xffff, v58  }
0x42: {  	v58 =	vld [tilespmem:s0+$0x10];
	v59 =	vor.u32 s10, v1;
	[tilespmem:v46+s19+$0x0] =	vst.idx.msk $0xffff, v45  }
0x43: {  	[tilespmem:v48+s19+$0x0] =	vst.idx.msk $0xffff, v47;
	v45 =	vld [tilespmem:s0+$0xFFFFFFA0];
	v46 =	vor.u32 s8, v26  }
0x44: {  	v50 =	vld [tilespmem:s0+$0xFFFFFF10];
	[tilespmem:v51+s19+$0x0] =	vst.idx.msk $0xffff, v32;
	v51 =	vor.u32 s7, v17  }
0x45: {  	[tilespmem:v54+s19+$0x0] =	vst.idx.msk $0xffff, v53;
	v47 =	vld [tilespmem:s0+$0xFFFFFFE0];
	v48 =	vor.u32 s9, v30  }
0x46: {  	[tilespmem:v56+s19+$0x0] =	vst.idx.msk $0xffff, v55;
	v55 =	vld [tilespmem:s0+$0xE0];
	v56 =	vor.u32 s14, v14  }
0x47: {  	v62 =	vor.u32 s23, v31;
	v32 =	vld [tilespmem:s0+$0x1F0];
	[tilespmem:v59+s19+$0x0] =	vst.idx.msk $0xffff, v58  }
0x48: {  	v57 =	vld [tilespmem:s0+$0xFFFFFEA0];
	v58 =	vor.u32 s3, v10;
	[tilespmem:v46+s19+$0x0] =	vst.idx.msk $0xffff, v45  }
0x49: {  	v49 =	vld [tilespmem:s0+$0x150];
	[tilespmem:v51+s19+$0x0] =	vst.idx.msk $0xffff, v50;
	v50 =	vor.u32 s18, v21  }
0x4a: {  	v52 =	vor.u32 s22, v25;
	[tilespmem:v48+s19+$0x0] =	vst.idx.msk $0xffff, v47;
	v51 =	vld [tilespmem:s0+$0x190]  }
0x4b: {  	v60 =	vor.u32 s5, v14;
	v59 =	vld [tilespmem:s0+$0xFFFFFEE0];
	[tilespmem:v56+s19+$0x0] =	vst.idx.msk $0xffff, v55  }
0x4c: {  	v63 =	vor.u32 s13, v9;
	[tilespmem:v62+s19+$0x0] =	vst.idx.msk $0xffff, v32;
	v62 =	vld [tilespmem:s0+$0x90]  }
0x4d: {  	[tilespmem:v58+s19+$0x0] =	vst.idx.msk $0xffff, v57;
	v57 =	vld [tilespmem:s0+$0x120];
	v58 =	vor.u32 s16, v18  }
0x4e: {  	[tilespmem:v50+s19+$0x0] =	vst.idx.msk $0xffff, v49;
	v49 =	vld [tilespmem:s0+$0x20];
	v50 =	vor.u32 s10, v2  }
0x4f: {  	[tilespmem:v52+s19+$0x0] =	vst.idx.msk $0xffff, v51;
	v51 =	vld [tilespmem:s0+$0x60];
	v52 =	vor.u32 s12, v6  }
0x50: {  	v47 =	vor.u32 s3, v11;
	[tilespmem:v60+s19+$0x0] =	vst.idx.msk $0xffff, v59;
	v46 =	vld [tilespmem:s0+$0xFFFFFEB0]  }
0x51: {  	v61 =	vld [tilespmem:s0+$0xFFFFFF20];
	[tilespmem:v63+s19+$0x0] =	vst.idx.msk $0xffff, v62;
	v62 =	vor.u32 s7, v18  }
0x52: {  	v44 =	vor.u32 s30, v22;
	v63 =	vld [tilespmem:s0+$0xFFFFFF60];
	[tilespmem:v58+s19+$0x0] =	vst.idx.msk $0xffff, v57  }
0x53: {  	v60 =	vor.u32 s18, v22;
	v59 =	vld [tilespmem:s0+$0x160];
	[tilespmem:v50+s19+$0x0] =	vst.idx.msk $0xffff, v49  }
0x54: {  	v54 =	vor.u32 s13, v10;
	v53 =	vld [tilespmem:s0+$0xA0];
	[tilespmem:v52+s19+$0x0] =	vst.idx.msk $0xffff, v51  }
0x55: {  	v56 =	vld [tilespmem:s0+$0xFFFFFFF0];
	v57 =	vor.u32 s9, v31;
	[tilespmem:v47+s19+$0x0] =	vst.idx.msk $0xffff, v46  }
0x56: {  	v48 =	vld [tilespmem:s0+$0xFFFFFEF0];
	v49 =	vor.u32 s5, v15;
	[tilespmem:v62+s19+$0x0] =	vst.idx.msk $0xffff, v61  }
0x57: {  	[tilespmem:v44+s19+$0x0] =	vst.idx.msk $0xffff, v63;
	v61 =	vld [tilespmem:s0+$0x1A0];
	v62 =	vor.u32 s22, v26  }
0x58: {  	v42 =	vld [tilespmem:s0+$0xFFFFFE20];
	v63 =	vor.u32 s17, v2;
	[tilespmem:v60+s19+$0x0] =	vst.idx.msk $0xffff, v59  }
0x59: {  	v45 =	vor.u32 s26, v7;
	v44 =	vld [tilespmem:s0+$0xFFFFFE70];
	[tilespmem:v54+s19+$0x0] =	vst.idx.msk $0xffff, v53  }
0x5a: {  	v58 =	vld [tilespmem:s0+$0x30];
	v59 =	vor.u32 s10, v3;
	[tilespmem:v57+s19+$0x0] =	vst.idx.msk $0xffff, v56  }
0x5b: {  	v51 =	vor.u32 s7, v19;
	v50 =	vld [tilespmem:s0+$0xFFFFFF30];
	[tilespmem:v49+s19+$0x0] =	vst.idx.msk $0xffff, v48  }
0x5c: {  	v52 =	vld [tilespmem:s0+$0xFFFFFF70];
	v53 =	vor.u32 s30, v23;
	[tilespmem:v62+s19+$0x0] =	vst.idx.msk $0xffff, v61  }
0x5d: {  	v55 =	vor.u32 s8, v27;
	v54 =	vld [tilespmem:s0+$0xFFFFFFB0];
	[tilespmem:v63+s19+$0x0] =	vst.idx.msk $0xffff, v42  }
0x5e: {  	v60 =	vld [tilespmem:s0+$0x70];
	[tilespmem:v45+s19+$0x0] =	vst.idx.msk $0xffff, v44;
	v61 =	vor.u32 s12, v7  }
0x5f: {  	v62 =	vld [tilespmem:s0+$0xB0];
	v63 =	vor.u32 s13, v11;
	[tilespmem:v59+s19+$0x0] =	vst.idx.msk $0xffff, v58  }
0x60: {  	v41 =	vor.u32 s14, v15;
	v39 =	vld [tilespmem:s0+$0xF0];
	[tilespmem:v51+s19+$0x0] =	vst.idx.msk $0xffff, v50  }
0x61: {  	v40 =	vor.u32 s16, v19;
	v37 =	vld [tilespmem:s0+$0x130];
	[tilespmem:v53+s19+$0x0] =	vst.idx.msk $0xffff, v52  }
0x62: {  	v38 =	vor.u32 s18, v23;
	v32 =	vld [tilespmem:s0+$0x170];
	[tilespmem:v55+s19+$0x0] =	vst.idx.msk $0xffff, v54  }
0x63: {  	v35 =	vor.u32 s22, v27;
	s3 =	simm.s32 $0x10;
	v33 =	vld [tilespmem:s0+$0x1B0];
	[tilespmem:v61+s19+$0x0] =	vst.idx.msk $0xffff, v60  }
0x64: {  	v36 =	vor.u32 s17, v3;
	s9 =	simm.s32 $0x20;
	s5 =	simm.s32 $0x6A00;
	s22 =	simm.s32 $0x1F;
	v34 =	vld [tilespmem:s0+$0xFFFFFE30];
	[tilespmem:v63+s19+$0x0] =	vst.idx.msk $0xffff, v62  }
.LBB2_3:
0x65: {  	p1 =	slt.u32 s9, $0x70;
	s1 =	sadd.s32 $0x1, s3;
	v42 =	vld [tilespmem:s5+$0x1C0];
	v43 =	vor.u32 s22, v28;
	[tilespmem:v41+s19+$0x0] =	vst.idx.msk $0xffff, v39;
	s12 =	smov.u32 s3  }
0x66: {  	s3 =	smov.u32 s9;
	v39 =	vld [tilespmem:s5+$0xFFFFFE40];
	v41 =	vor.u32 s1, v4;
	s0 =	sadd.s32 $0x2, s12;
	[tilespmem:v40+s19+$0x0] =	vst.idx.msk $0xffff, v37  }
0x67: {  	s13 =	sadd.s32 $0x3, s12;
	v37 =	vld [tilespmem:s5+$0xFFFFFE80];
	v40 =	vor.u32 s0, v8;
	[tilespmem:v38+s19+$0x0] =	vst.idx.msk $0xffff, v32  }
0x68: {  	s14 =	sadd.s32 $0x4, s12;
	v38 =	vor.u32 s13, v12;
	v32 =	vld [tilespmem:s5+$0xFFFFFEC0];
	[tilespmem:v35+s19+$0x0] =	vst.idx.msk $0xffff, v33  }
0x69: {  	s16 =	sadd.s32 $0x5, s12;
	v35 =	vor.u32 s14, v16;
	v33 =	vld [tilespmem:s5+$0xFFFFFF00];
	[tilespmem:v36+s19+$0x0] =	vst.idx.msk $0xffff, v34  }
0x6a: {  	v36 =	vor.u32 s16, v20;
	v34 =	vld [tilespmem:s5+$0xFFFFFF40];
	[tilespmem:v43+s19+$0x0] =	vst.idx.msk $0xffff, v42  }
0x6b: {  	s17 =	sadd.s32 $0x6, s12;
	[tilespmem:v41+s19+$0x0] =	vst.idx.msk $0xffff, v39;
	v39 =	vld [tilespmem:s5+$0x1D0];
	v41 =	vor.u32 s22, v29  }
0x6c: {  	s2 =	sadd.s32 $0x7, s12;
	[tilespmem:v40+s19+$0x0] =	vst.idx.msk $0xffff, v37;
	v37 =	vld [tilespmem:s5+$0xFFFFFF80];
	v40 =	vor.u32 s17, v24  }
0x6d: {  	s7 =	sadd.s32 $0x8, s12;
	[tilespmem:v38+s19+$0x0] =	vst.idx.msk $0xffff, v32;
	v32 =	vld [tilespmem:s5+$0xFFFFFFC0];
	v38 =	vor.u32 s2, v28  }
0x6e: {  	s8 =	sadd.s32 $0x9, s12;
	[tilespmem:v35+s19+$0x0] =	vst.idx.msk $0xffff, v33;
	v33 =	vld [tilespmem:s5+$0x0];
	v35 =	vor.u32 s7, v0  }
0x6f: {  	s23 =	sadd.s32 $0xA, s12;
	[tilespmem:v36+s19+$0x0] =	vst.idx.msk $0xffff, v34;
	v34 =	vld [tilespmem:s5+$0x40];
	v36 =	vor.u32 s8, v4  }
0x70: {  	v43 =	vor.u32 s23, v8;
	v42 =	vld [tilespmem:s5+$0x80];
	[tilespmem:v41+s19+$0x0] =	vst.idx.msk $0xffff, v39  }
0x71: {  	s26 =	sadd.s32 $0xB, s12;
	v39 =	vor.u32 s22, v30;
	[tilespmem:v40+s19+$0x0] =	vst.idx.msk $0xffff, v37;
	v37 =	vld [tilespmem:s5+$0x1E0]  }
0x72: {  	s30 =	sadd.s32 $0xC, s12;
	[tilespmem:v38+s19+$0x0] =	vst.idx.msk $0xffff, v32;
	v32 =	vld [tilespmem:s5+$0xC0];
	v38 =	vor.u32 s26, v12  }
0x73: {  	s10 =	sadd.s32 $0xD, s12;
	[tilespmem:v35+s19+$0x0] =	vst.idx.msk $0xffff, v33;
	v33 =	vld [tilespmem:s5+$0x100];
	v35 =	vor.u32 s30, v16  }
0x74: {  	s18 =	sadd.s32 $0xE, s12;
	[tilespmem:v36+s19+$0x0] =	vst.idx.msk $0xffff, v34;
	v34 =	vld [tilespmem:s5+$0x140];
	v36 =	vor.u32 s10, v20  }
0x75: {  	v41 =	vor.u32 s18, v24;
	[tilespmem:v43+s19+$0x0] =	vst.idx.msk $0xffff, v42;
	v40 =	vld [tilespmem:s5+$0x180]  }
0x76: {  	v43 =	vor.u32 s12, v0;
	v42 =	vld [tilespmem:s5+$0xFFFFFE00];
	[tilespmem:v39+s19+$0x0] =	vst.idx.msk $0xffff, v37  }
0x77: {  	v37 =	vor.u32 s22, v31;
	[tilespmem:v38+s19+$0x0] =	vst.idx.msk $0xffff, v32;
	v32 =	vld [tilespmem:s5+$0x1F0]  }
0x78: {  	v39 =	vor.u32 s1, v5;
	v38 =	vld [tilespmem:s5+$0xFFFFFE50];
	[tilespmem:v35+s19+$0x0] =	vst.idx.msk $0xffff, v33  }
0x79: {  	v35 =	vor.u32 s0, v9;
	v33 =	vld [tilespmem:s5+$0xFFFFFE90];
	[tilespmem:v36+s19+$0x0] =	vst.idx.msk $0xffff, v34  }
0x7a: {  	v36 =	vor.u32 s13, v13;
	v34 =	vld [tilespmem:s5+$0xFFFFFED0];
	[tilespmem:v41+s19+$0x0] =	vst.idx.msk $0xffff, v40  }
0x7b: {  	v41 =	vor.u32 s14, v17;
	[tilespmem:v43+s19+$0x0] =	vst.idx.msk $0xffff, v42;
	v40 =	vld [tilespmem:s5+$0xFFFFFF10]  }
0x7c: {  	v43 =	vor.u32 s16, v21;
	v42 =	vld [tilespmem:s5+$0xFFFFFF50];
	[tilespmem:v37+s19+$0x0] =	vst.idx.msk $0xffff, v32  }
0x7d: {  	v37 =	vor.u32 s17, v25;
	[tilespmem:v39+s19+$0x0] =	vst.idx.msk $0xffff, v38;
	v32 =	vld [tilespmem:s5+$0xFFFFFF90]  }
0x7e: {  	[tilespmem:v35+s19+$0x0] =	vst.idx.msk $0xffff, v33;
	v33 =	vld [tilespmem:s5+$0xFFFFFFD0];
	v35 =	vor.u32 s2, v29  }
0x7f: {  	[tilespmem:v36+s19+$0x0] =	vst.idx.msk $0xffff, v34;
	v34 =	vld [tilespmem:s5+$0x10];
	v36 =	vor.u32 s7, v1  }
0x80: {  	v39 =	vor.u32 s8, v5;
	[tilespmem:v41+s19+$0x0] =	vst.idx.msk $0xffff, v40;
	v38 =	vld [tilespmem:s5+$0x50]  }
0x81: {  	v41 =	vor.u32 s23, v9;
	[tilespmem:v43+s19+$0x0] =	vst.idx.msk $0xffff, v42;
	v40 =	vld [tilespmem:s5+$0x90]  }
0x82: {  	[tilespmem:v37+s19+$0x0] =	vst.idx.msk $0xffff, v32;
	v32 =	vld [tilespmem:s5+$0xD0];
	v37 =	vor.u32 s26, v13  }
0x83: {  	[tilespmem:v35+s19+$0x0] =	vst.idx.msk $0xffff, v33;
	v33 =	vld [tilespmem:s5+$0x110];
	v35 =	vor.u32 s30, v17  }
0x84: {  	[tilespmem:v36+s19+$0x0] =	vst.idx.msk $0xffff, v34;
	v34 =	vld [tilespmem:s5+$0x150];
	v36 =	vor.u32 s10, v21  }
0x85: {  	[tilespmem:v39+s19+$0x0] =	vst.idx.msk $0xffff, v38;
	v38 =	vld [tilespmem:s5+$0x190];
	v39 =	vor.u32 s18, v25  }
0x86: {  	v43 =	vor.u32 s12, v1;
	v42 =	vld [tilespmem:s5+$0xFFFFFE10];
	[tilespmem:v41+s19+$0x0] =	vst.idx.msk $0xffff, v40  }
0x87: {  	v41 =	vor.u32 s1, v6;
	v40 =	vld [tilespmem:s5+$0xFFFFFE60];
	[tilespmem:v37+s19+$0x0] =	vst.idx.msk $0xffff, v32  }
0x88: {  	v37 =	vor.u32 s0, v10;
	v32 =	vld [tilespmem:s5+$0xFFFFFEA0];
	[tilespmem:v35+s19+$0x0] =	vst.idx.msk $0xffff, v33  }
0x89: {  	v35 =	vor.u32 s13, v14;
	v33 =	vld [tilespmem:s5+$0xFFFFFEE0];
	[tilespmem:v36+s19+$0x0] =	vst.idx.msk $0xffff, v34  }
0x8a: {  	v36 =	vor.u32 s14, v18;
	v34 =	vld [tilespmem:s5+$0xFFFFFF20];
	[tilespmem:v39+s19+$0x0] =	vst.idx.msk $0xffff, v38  }
0x8b: {  	v39 =	vor.u32 s16, v22;
	[tilespmem:v43+s19+$0x0] =	vst.idx.msk $0xffff, v42;
	v38 =	vld [tilespmem:s5+$0xFFFFFF60]  }
0x8c: {  	[tilespmem:v41+s19+$0x0] =	vst.idx.msk $0xffff, v40;
	v40 =	vld [tilespmem:s5+$0xFFFFFFA0];
	v41 =	vor.u32 s17, v26  }
0x8d: {  	[tilespmem:v37+s19+$0x0] =	vst.idx.msk $0xffff, v32;
	v32 =	vld [tilespmem:s5+$0xFFFFFFE0];
	v37 =	vor.u32 s2, v30  }
0x8e: {  	[tilespmem:v35+s19+$0x0] =	vst.idx.msk $0xffff, v33;
	v33 =	vld [tilespmem:s5+$0x20];
	v35 =	vor.u32 s7, v2  }
0x8f: {  	[tilespmem:v36+s19+$0x0] =	vst.idx.msk $0xffff, v34;
	v34 =	vld [tilespmem:s5+$0x60];
	v36 =	vor.u32 s8, v6  }
0x90: {  	[tilespmem:v39+s19+$0x0] =	vst.idx.msk $0xffff, v38;
	v38 =	vld [tilespmem:s5+$0xA0];
	v39 =	vor.u32 s23, v10  }
0x91: {  	[tilespmem:v41+s19+$0x0] =	vst.idx.msk $0xffff, v40;
	v40 =	vld [tilespmem:s5+$0xE0];
	v41 =	vor.u32 s26, v14  }
0x92: {  	[tilespmem:v37+s19+$0x0] =	vst.idx.msk $0xffff, v32;
	v32 =	vld [tilespmem:s5+$0x120];
	v37 =	vor.u32 s30, v18  }
0x93: {  	[tilespmem:v35+s19+$0x0] =	vst.idx.msk $0xffff, v33;
	v33 =	vld [tilespmem:s5+$0x160];
	v35 =	vor.u32 s10, v22  }
0x94: {  	[tilespmem:v36+s19+$0x0] =	vst.idx.msk $0xffff, v34;
	v34 =	vld [tilespmem:s5+$0x1A0];
	v36 =	vor.u32 s18, v26  }
0x95: {  	v43 =	vor.u32 s12, v2;
	v42 =	vld [tilespmem:s5+$0xFFFFFE20];
	[tilespmem:v39+s19+$0x0] =	vst.idx.msk $0xffff, v38  }
0x96: {  	v39 =	vor.u32 s1, v7;
	v38 =	vld [tilespmem:s5+$0xFFFFFE70];
	[tilespmem:v41+s19+$0x0] =	vst.idx.msk $0xffff, v40  }
0x97: {  	v41 =	vor.u32 s0, v11;
	v40 =	vld [tilespmem:s5+$0xFFFFFEB0];
	[tilespmem:v37+s19+$0x0] =	vst.idx.msk $0xffff, v32  }
0x98: {  	v37 =	vor.u32 s13, v15;
	v32 =	vld [tilespmem:s5+$0xFFFFFEF0];
	[tilespmem:v35+s19+$0x0] =	vst.idx.msk $0xffff, v33  }
0x99: {  	v35 =	vor.u32 s14, v19;
	v33 =	vld [tilespmem:s5+$0xFFFFFF30];
	[tilespmem:v36+s19+$0x0] =	vst.idx.msk $0xffff, v34  }
0x9a: {  	v36 =	vor.u32 s16, v23;
	[tilespmem:v43+s19+$0x0] =	vst.idx.msk $0xffff, v42;
	v34 =	vld [tilespmem:s5+$0xFFFFFF70]  }
0x9b: {  	[tilespmem:v39+s19+$0x0] =	vst.idx.msk $0xffff, v38;
	v38 =	vld [tilespmem:s5+$0xFFFFFFB0];
	v39 =	vor.u32 s17, v27  }
0x9c: {  	v42 =	vor.u32 s2, v31;
	[tilespmem:v41+s19+$0x0] =	vst.idx.msk $0xffff, v40;
	v40 =	vld [tilespmem:s5+$0xFFFFFFF0]  }
0x9d: {  	v43 =	vor.u32 s7, v3;
	[tilespmem:v37+s19+$0x0] =	vst.idx.msk $0xffff, v32;
	v32 =	vld [tilespmem:s5+$0x30]  }
0x9e: {  	[tilespmem:v35+s19+$0x0] =	vst.idx.msk $0xffff, v33;
	v33 =	vld [tilespmem:s5+$0x70];
	v35 =	vor.u32 s8, v7  }
0x9f: {  	v45 =	vor.u32 s23, v11;
	[tilespmem:v36+s19+$0x0] =	vst.idx.msk $0xffff, v34;
	v44 =	vld [tilespmem:s5+$0xB0]  }
.Ltmp0:
0xa0: {  	v41 =	vor.u32 s26, v15;
	[tilespmem:v39+s19+$0x0] =	vst.idx.msk $0xffff, v38;
	v39 =	vld [tilespmem:s5+$0xF0];
	(pc) =	sbr.rel @p1 .LBB2_3-.Ltmp0, $4  }
0xa1: {  	[tilespmem:v42+s19+$0x0] =	vst.idx.msk $0xffff, v40;
	v37 =	vld [tilespmem:s5+$0x130];
	v40 =	vor.u32 s30, v19  }
0xa2: {  	v38 =	vor.u32 s10, v23;
	[tilespmem:v43+s19+$0x0] =	vst.idx.msk $0xffff, v32;
	v32 =	vld [tilespmem:s5+$0x170]  }
0xa3: {  	[tilespmem:v35+s19+$0x0] =	vst.idx.msk $0xffff, v33;
	v33 =	vld [tilespmem:s5+$0x1B0];
	v35 =	vor.u32 s18, v27  }
0xa4: {  	s9 =	sadd.s32 $0x10, s9;
	s22 =	sadd.s32 $0xF, s3;
	v36 =	vor.u32 s12, v3;
	v34 =	vld [tilespmem:s5+$0xFFFFFE30];
	[tilespmem:v45+s19+$0x0] =	vst.idx.msk $0xffff, v44;
	s5 =	sadd.s32 $0x400, s5  }
0xa5: {  	_ =	sdelay $0x3  }
0xa6: {  	s0 =	sadd.s32 $0x1, s3;
	v42 =	vld [tilespmem:s5+$0x1C0];
	v43 =	vor.u32 s22, v28;
	[tilespmem:v41+s19+$0x0] =	vst.idx.msk $0xffff, v39  }
0xa7: {  	v57 =	vld [tilespmem:s5+$0xFFFFFE40];
	s1 =	sadd.s32 $0x2, s3;
	v58 =	vor.u32 s0, v4;
	[tilespmem:v40+s19+$0x0] =	vst.idx.msk $0xffff, v37  }
0xa8: {  	v59 =	vld [tilespmem:s5+$0xFFFFFE80];
	s2 =	sadd.s32 $0x3, s3;
	v60 =	vor.u32 s1, v8;
	[tilespmem:v38+s19+$0x0] =	vst.idx.msk $0xffff, v32  }
0xa9: {  	v61 =	vld [tilespmem:s5+$0xFFFFFEC0];
	s7 =	sadd.s32 $0x4, s3;
	v62 =	vor.u32 s2, v12;
	[tilespmem:v35+s19+$0x0] =	vst.idx.msk $0xffff, v33  }
0xaa: {  	v63 =	vld [tilespmem:s5+$0xFFFFFF00];
	s8 =	sadd.s32 $0x5, s3;
	v44 =	vor.u32 s7, v16;
	[tilespmem:v36+s19+$0x0] =	vst.idx.msk $0xffff, v34  }
0xab: {  	v45 =	vld [tilespmem:s5+$0xFFFFFF40];
	s9 =	sadd.s32 $0x6, s3;
	v46 =	vor.u32 s8, v20;
	[tilespmem:v43+s19+$0x0] =	vst.idx.msk $0xffff, v42  }
0xac: {  	v49 =	vld [tilespmem:s5+$0xFFFFFF80];
	s10 =	sadd.s32 $0x7, s3;
	v50 =	vor.u32 s9, v24;
	[tilespmem:v58+s19+$0x0] =	vst.idx.msk $0xffff, v57  }
0xad: {  	v51 =	vld [tilespmem:s5+$0xFFFFFFC0];
	s12 =	sadd.s32 $0x8, s3;
	v52 =	vor.u32 s10, v28;
	[tilespmem:v60+s19+$0x0] =	vst.idx.msk $0xffff, v59  }
0xae: {  	v53 =	vld [tilespmem:s5+$0x0];
	s13 =	sadd.s32 $0x9, s3;
	v54 =	vor.u32 s12, v0;
	[tilespmem:v62+s19+$0x0] =	vst.idx.msk $0xffff, v61  }
0xaf: {  	v55 =	vld [tilespmem:s5+$0x40];
	v56 =	vor.u32 s13, v4;
	[tilespmem:v44+s19+$0x0] =	vst.idx.msk $0xffff, v63  }
0xb0: {  	v48 =	vor.u32 s22, v29;
	s14 =	sadd.s32 $0xA, s3;
	v47 =	vld [tilespmem:s5+$0x1D0];
	[tilespmem:v46+s19+$0x0] =	vst.idx.msk $0xffff, v45  }
0xb1: {  	s16 =	sadd.s32 $0xB, s3;
	v57 =	vld [tilespmem:s5+$0x80];
	v58 =	vor.u32 s14, v8;
	[tilespmem:v50+s19+$0x0] =	vst.idx.msk $0xffff, v49  }
0xb2: {  	s17 =	sadd.s32 $0xC, s3;
	[tilespmem:v52+s19+$0x0] =	vst.idx.msk $0xffff, v51;
	v61 =	vld [tilespmem:s5+$0xC0];
	v62 =	vor.u32 s16, v12  }
0xb3: {  	[tilespmem:v54+s19+$0x0] =	vst.idx.msk $0xffff, v53;
	v63 =	vld [tilespmem:s5+$0x100];
	v45 =	vor.u32 s17, v16  }
0xb4: {  	[tilespmem:v56+s19+$0x0] =	vst.idx.msk $0xffff, v55;
	v50 =	vld [tilespmem:s5+$0xFFFFFE00];
	v51 =	vor.u32 s3, v0  }
0xb5: {  	s18 =	sadd.s32 $0xD, s3;
	v55 =	vor.u32 s0, v5;
	v54 =	vld [tilespmem:s5+$0xFFFFFE50];
	[tilespmem:v48+s19+$0x0] =	vst.idx.msk $0xffff, v47  }
0xb6: {  	s23 =	sadd.s32 $0xE, s3;
	v46 =	vld [tilespmem:s5+$0x140];
	v47 =	vor.u32 s18, v20;
	[tilespmem:v58+s19+$0x0] =	vst.idx.msk $0xffff, v57  }
0xb7: {  	v49 =	vor.u32 s23, v24;
	v48 =	vld [tilespmem:s5+$0x180];
	[tilespmem:v62+s19+$0x0] =	vst.idx.msk $0xffff, v61  }
0xb8: {  	v56 =	vld [tilespmem:s5+$0xFFFFFE90];
	[tilespmem:v45+s19+$0x0] =	vst.idx.msk $0xffff, v63;
	v57 =	vor.u32 s1, v9  }
0xb9: {  	[tilespmem:v51+s19+$0x0] =	vst.idx.msk $0xffff, v50;
	v62 =	vld [tilespmem:s5+$0xFFFFFF50];
	v63 =	vor.u32 s8, v21  }
0xba: {  	v44 =	vld [tilespmem:s5+$0xFFFFFF90];
	v45 =	vor.u32 s9, v25;
	[tilespmem:v55+s19+$0x0] =	vst.idx.msk $0xffff, v54  }
0xbb: {  	v50 =	vld [tilespmem:s5+$0x50];
	v51 =	vor.u32 s13, v5;
	[tilespmem:v47+s19+$0x0] =	vst.idx.msk $0xffff, v46  }
0xbc: {  	v60 =	vor.u32 s22, v30;
	v59 =	vld [tilespmem:s5+$0x1E0];
	[tilespmem:v49+s19+$0x0] =	vst.idx.msk $0xffff, v48  }
0xbd: {  	v54 =	vld [tilespmem:s5+$0xD0];
	v55 =	vor.u32 s16, v13;
	[tilespmem:v57+s19+$0x0] =	vst.idx.msk $0xffff, v56  }
0xbe: {  	v46 =	vld [tilespmem:s5+$0xFFFFFFD0];
	v47 =	vor.u32 s10, v29;
	[tilespmem:v63+s19+$0x0] =	vst.idx.msk $0xffff, v62  }
0xbf: {  	v48 =	vld [tilespmem:s5+$0x10];
	v49 =	vor.u32 s12, v1;
	[tilespmem:v45+s19+$0x0] =	vst.idx.msk $0xffff, v44  }
0xc0: {  	v56 =	vld [tilespmem:s5+$0x110];
	v57 =	vor.u32 s17, v17;
	[tilespmem:v51+s19+$0x0] =	vst.idx.msk $0xffff, v50  }
0xc1: {  	v62 =	vld [tilespmem:s5+$0xFFFFFE10];
	v63 =	vor.u32 s3, v1;
	[tilespmem:v60+s19+$0x0] =	vst.idx.msk $0xffff, v59  }
0xc2: {  	v58 =	vld [tilespmem:s5+$0xFFFFFED0];
	v59 =	vor.u32 s2, v13;
	[tilespmem:v55+s19+$0x0] =	vst.idx.msk $0xffff, v54  }
0xc3: {  	v61 =	vor.u32 s7, v17;
	v60 =	vld [tilespmem:s5+$0xFFFFFF10];
	[tilespmem:v47+s19+$0x0] =	vst.idx.msk $0xffff, v46  }
0xc4: {  	v53 =	vor.u32 s22, v31;
	v52 =	vld [tilespmem:s5+$0x1F0];
	[tilespmem:v49+s19+$0x0] =	vst.idx.msk $0xffff, v48  }
0xc5: {  	v45 =	vld [tilespmem:s5+$0xFFFFFE60];
	v46 =	vor.u32 s0, v6;
	[tilespmem:v57+s19+$0x0] =	vst.idx.msk $0xffff, v56  }
0xc6: {  	v47 =	vld [tilespmem:s5+$0xFFFFFEA0];
	v48 =	vor.u32 s1, v10;
	[tilespmem:v63+s19+$0x0] =	vst.idx.msk $0xffff, v62  }
0xc7: {  	v55 =	vld [tilespmem:s5+$0xFFFFFFA0];
	v56 =	vor.u32 s9, v26;
	[tilespmem:v59+s19+$0x0] =	vst.idx.msk $0xffff, v58  }
0xc8: {  	[tilespmem:v61+s19+$0x0] =	vst.idx.msk $0xffff, v60;
	v58 =	vld [tilespmem:s5+$0x150];
	v59 =	vor.u32 s18, v21  }
0xc9: {  	v60 =	vld [tilespmem:s5+$0x190];
	v61 =	vor.u32 s23, v25;
	[tilespmem:v53+s19+$0x0] =	vst.idx.msk $0xffff, v52  }
0xca: {  	v52 =	vld [tilespmem:s5+$0x90];
	v53 =	vor.u32 s14, v9;
	[tilespmem:v46+s19+$0x0] =	vst.idx.msk $0xffff, v45  }
0xcb: {  	v50 =	vor.u32 s2, v14;
	v49 =	vld [tilespmem:s5+$0xFFFFFEE0];
	[tilespmem:v48+s19+$0x0] =	vst.idx.msk $0xffff, v47  }
0xcc: {  	[tilespmem:v56+s19+$0x0] =	vst.idx.msk $0xffff, v55;
	v46 =	vld [tilespmem:s5+$0xE0];
	v47 =	vor.u32 s16, v14  }
0xcd: {  	v57 =	vld [tilespmem:s5+$0xFFFFFFE0];
	[tilespmem:v59+s19+$0x0] =	vst.idx.msk $0xffff, v58;
	v58 =	vor.u32 s10, v30  }
0xce: {  	[tilespmem:v61+s19+$0x0] =	vst.idx.msk $0xffff, v60;
	v59 =	vld [tilespmem:s5+$0x20];
	v60 =	vor.u32 s12, v2  }
0xcf: {  	v62 =	vor.u32 s13, v6;
	v61 =	vld [tilespmem:s5+$0x60];
	[tilespmem:v53+s19+$0x0] =	vst.idx.msk $0xffff, v52  }
0xd0: {  	v56 =	vor.u32 s0, v7;
	v55 =	vld [tilespmem:s5+$0xFFFFFE70];
	[tilespmem:v50+s19+$0x0] =	vst.idx.msk $0xffff, v49  }
0xd1: {  	v51 =	vld [tilespmem:s5+$0xFFFFFF20];
	v52 =	vor.u32 s7, v18;
	[tilespmem:v47+s19+$0x0] =	vst.idx.msk $0xffff, v46  }
0xd2: {  	v54 =	vor.u32 s8, v22;
	v53 =	vld [tilespmem:s5+$0xFFFFFF60];
	[tilespmem:v58+s19+$0x0] =	vst.idx.msk $0xffff, v57  }
0xd3: {  	v48 =	vld [tilespmem:s5+$0x120];
	v49 =	vor.u32 s17, v18;
	[tilespmem:v60+s19+$0x0] =	vst.idx.msk $0xffff, v59  }
0xd4: {  	v45 =	vor.u32 s14, v10;
	v63 =	vld [tilespmem:s5+$0xA0];
	[tilespmem:v62+s19+$0x0] =	vst.idx.msk $0xffff, v61  }
0xd5: {  	v57 =	vld [tilespmem:s5+$0xFFFFFEB0];
	v58 =	vor.u32 s1, v11;
	[tilespmem:v56+s19+$0x0] =	vst.idx.msk $0xffff, v55  }
0xd6: {  	v59 =	vld [tilespmem:s5+$0xFFFFFEF0];
	v60 =	vor.u32 s2, v15;
	[tilespmem:v52+s19+$0x0] =	vst.idx.msk $0xffff, v51  }
0xd7: {  	v55 =	vld [tilespmem:s5+$0xF0];
	v56 =	vor.u32 s16, v15;
	[tilespmem:v54+s19+$0x0] =	vst.idx.msk $0xffff, v53  }
0xd8: {  	v50 =	vld [tilespmem:s5+$0x160];
	v51 =	vor.u32 s18, v22;
	[tilespmem:v49+s19+$0x0] =	vst.idx.msk $0xffff, v48  }
0xd9: {  	v52 =	vld [tilespmem:s5+$0x1A0];
	v53 =	vor.u32 s23, v26;
	[tilespmem:v45+s19+$0x0] =	vst.idx.msk $0xffff, v63  }
0xda: {  	v42 =	vld [tilespmem:s5+$0xFFFFFE20];
	v54 =	vor.u32 s3, v2;
	[tilespmem:v58+s19+$0x0] =	vst.idx.msk $0xffff, v57  }
0xdb: {  	v47 =	vld [tilespmem:s5+$0xFFFFFFF0];
	v48 =	vor.u32 s10, v31;
	[tilespmem:v60+s19+$0x0] =	vst.idx.msk $0xffff, v59  }
0xdc: {  	v62 =	vor.u32 s7, v19;
	v61 =	vld [tilespmem:s5+$0xFFFFFF30];
	[tilespmem:v56+s19+$0x0] =	vst.idx.msk $0xffff, v55  }
0xdd: {  	v44 =	vor.u32 s8, v23;
	v63 =	vld [tilespmem:s5+$0xFFFFFF70];
	[tilespmem:v51+s19+$0x0] =	vst.idx.msk $0xffff, v50  }
0xde: {  	v46 =	vor.u32 s9, v27;
	v45 =	vld [tilespmem:s5+$0xFFFFFFB0];
	[tilespmem:v53+s19+$0x0] =	vst.idx.msk $0xffff, v52  }
0xdf: {  	v57 =	vld [tilespmem:s5+$0x130];
	v58 =	vor.u32 s17, v19;
	[tilespmem:v54+s19+$0x0] =	vst.idx.msk $0xffff, v42  }
0xe0: {  	v49 =	vld [tilespmem:s5+$0x30];
	v50 =	vor.u32 s12, v3;
	[tilespmem:v48+s19+$0x0] =	vst.idx.msk $0xffff, v47  }
0xe1: {  	v51 =	vld [tilespmem:s5+$0x70];
	v52 =	vor.u32 s13, v7;
	[tilespmem:v62+s19+$0x0] =	vst.idx.msk $0xffff, v61  }
0xe2: {  	v53 =	vld [tilespmem:s5+$0xB0];
	v54 =	vor.u32 s14, v11;
	[tilespmem:v44+s19+$0x0] =	vst.idx.msk $0xffff, v63  }
0xe3: {  	v60 =	vor.u32 s18, v23;
	[tilespmem:v46+s19+$0x0] =	vst.idx.msk $0xffff, v45;
	v59 =	vld [tilespmem:s5+$0x170]  }
0xe4: {  	v61 =	vld [tilespmem:s5+$0x1B0];
	v62 =	vor.u32 s23, v27;
	[tilespmem:v58+s19+$0x0] =	vst.idx.msk $0xffff, v57  }
0xe5: {  	v42 =	vld [tilespmem:s5+$0xFFFFFE30];
	v63 =	vor.u32 s3, v3;
	[tilespmem:v50+s19+$0x0] =	vst.idx.msk $0xffff, v49  }
0xe6: {  	p1 =	sne.s32 s11, $0x31;
	[tilespmem:v52+s19+$0x0] =	vst.idx.msk $0xffff, v51  }
.Ltmp1:
0xe7: {  	s30 =	sshll.u32 s11, $0x14;
	[tilespmem:v54+s19+$0x0] =	vst.idx.msk $0xffff, v53;
	(pc) =	sbr.rel @p1 .LBB2_6-.Ltmp1, $4  }
0xe8: {  	s0 =	sor.u32 s6, s30;
	[tilespmem:v60+s19+$0x0] =	vst.idx.msk $0xffff, v59  }
0xe9: {  	s3 =	sshrl.u32 s0, $0x3;
	[tilespmem:v62+s19+$0x0] =	vst.idx.msk $0xffff, v61  }
0xea: {  	s0 =	sadd.s32 s25, s3;
	[tilespmem:v63+s19+$0x0] =	vst.idx.msk $0xffff, v42  }
0xeb: {  	[hbm4b:s0+s20] =	stream.strided.scatter [tilespmem:s19], [sflag:$0x5], $0x2000, s21, s20, $0x38;
	[tilespmem:$0x16400] =	vst v63  }
.Ltmp2:
0xec: {  	(pc) =	sbr.rel .LBB2_7-.Ltmp2, $4  }
0xed: {  	s0 =	simm.s32 $0x2  }
0xee: {  	_ =	swait.ge [sflag:s0], $0x2000  }
0xef: {  	[sflag:s0] =	ssyncset.done $0x0  }
0xf0: {  	[sflag:s0] =	ssyncadd.s32 $0xFFFFE000  }
.LBB2_6:
0xf1: {  	s0 =	sshll.u32 s11, $0x9  }
0xf2: {  	s1 =	simm.s32 $0x80;
	s2 =	simm.s32 $0x6400;
	s0 =	sand.u32 $0x3FFFFE00, s0  }
.Ltmp3:
0xf3: {  	s30 =	simm.s32 $0x2;
	s0 =	sadd.s32 $0x200, s0;
	(pc) =	sbr.rel @p0 .LBB2_8-.Ltmp3, $4  }
0xf4: {  	[tilespmem:s2], [sflag:$0x1] =	stream.indirect.gather [hbm4b:s4+s1], $0x40, s0, s1, $0xb8;
	[tilespmem:$0x16400] =	vst v63  }
0xf5: {  	_ =	swait.ge [sflag:s30], $0x2000  }
0xf6: {  	[sflag:s30] =	ssyncset.done $0x0  }
0xf7: {  	[sflag:s30] =	ssyncadd.s32 $0xFFFFE000  }
.LBB2_7:
0xf8: {  	s0 =	simm.s32 $0x6  }
0xf9: {  	_ =	swait.ge [sflag:s0], $0x2000  }
0xfa: {  	[sflag:s0] =	ssyncset.done $0x0  }
0xfb: {  	[sflag:s0] =	ssyncadd.s32 $0xFFFFE000  }
.LBB2_8:
0xfc: {  	s0 =	simm.s32 $0x87F0;
	s25 =	simm.s32 $0xF  }
0xfd: {  	s1 =	simm.s32 $0x1;
	v32 =	vld [tilespmem:s0+$0xFFFFFFD0];
	v33 =	vor.u32 s25, v28  }
0xfe: {  	s5 =	simm.s32 $0x2;
	v34 =	vld [tilespmem:s0+$0xFFFFFC50];
	v35 =	vor.u32 s1, v4  }
0xff: {  	s7 =	simm.s32 $0x3;
	v36 =	vld [tilespmem:s0+$0xFFFFFC90];
	v37 =	vor.u32 s5, v8  }
0x100: {  	s8 =	simm.s32 $0x4;
	v38 =	vld [tilespmem:s0+$0xFFFFFCD0];
	v39 =	vor.u32 s7, v12  }
0x101: {  	s2 =	simm.s32 $0x5;
	v40 =	vld [tilespmem:s0+$0xFFFFFD10];
	v41 =	vor.u32 s8, v16  }
0x102: {  	s9 =	simm.s32 $0x6;
	v42 =	vld [tilespmem:s0+$0xFFFFFD50];
	v43 =	vor.u32 s2, v20;
	[tilespmem:v33+s24+$0x0] =	vst.idx.msk $0xffff, v32  }
0x103: {  	s10 =	simm.s32 $0x7;
	v60 =	vld [tilespmem:s0+$0xFFFFFD90];
	v61 =	vor.u32 s9, v24;
	[tilespmem:v35+s24+$0x0] =	vst.idx.msk $0xffff, v34  }
0x104: {  	s12 =	simm.s32 $0x8;
	v62 =	vld [tilespmem:s0+$0xFFFFFDD0];
	v63 =	vor.u32 s10, v28;
	[tilespmem:v37+s24+$0x0] =	vst.idx.msk $0xffff, v36  }
0x105: {  	s13 =	simm.s32 $0x9;
	v45 =	vld [tilespmem:s0+$0xFFFFFE10];
	v46 =	vor.u32 s12, v0;
	[tilespmem:v39+s24+$0x0] =	vst.idx.msk $0xffff, v38  }
0x106: {  	s14 =	simm.s32 $0xA;
	v47 =	vld [tilespmem:s0+$0xFFFFFE50];
	v48 =	vor.u32 s13, v4;
	[tilespmem:v41+s24+$0x0] =	vst.idx.msk $0xffff, v40  }
0x107: {  	s16 =	simm.s32 $0xB;
	v49 =	vld [tilespmem:s0+$0xFFFFFE90];
	v50 =	vor.u32 s14, v8;
	[tilespmem:v43+s24+$0x0] =	vst.idx.msk $0xffff, v42  }
0x108: {  	s17 =	simm.s32 $0xC;
	v52 =	vld [tilespmem:s0+$0xFFFFFED0];
	v53 =	vor.u32 s16, v12;
	[tilespmem:v61+s24+$0x0] =	vst.idx.msk $0xffff, v60  }
0x109: {  	s22 =	simm.s32 $0xD;
	v54 =	vld [tilespmem:s0+$0xFFFFFF10];
	v55 =	vor.u32 s17, v16;
	[tilespmem:v63+s24+$0x0] =	vst.idx.msk $0xffff, v62  }
0x10a: {  	s18 =	simm.s32 $0x0;
	v56 =	vld [tilespmem:s0+$0xFFFFFF50];
	v57 =	vor.u32 s22, v20;
	[tilespmem:v46+s24+$0x0] =	vst.idx.msk $0xffff, v45  }
0x10b: {  	[tilespmem:v48+s24+$0x0] =	vst.idx.msk $0xffff, v47;
	v60 =	vld [tilespmem:s0+$0xFFFFFC10];
	v61 =	vor.u32 s18, v0  }
0x10c: {  	v59 =	vor.u32 s25, v29;
	[tilespmem:v50+s24+$0x0] =	vst.idx.msk $0xffff, v49;
	v32 =	vld [tilespmem:s0+$0xFFFFFFE0]  }
0x10d: {  	[tilespmem:v53+s24+$0x0] =	vst.idx.msk $0xffff, v52;
	v45 =	vor.u32 s1, v5;
	v63 =	vld [tilespmem:s0+$0xFFFFFC60]  }
0x10e: {  	[tilespmem:v55+s24+$0x0] =	vst.idx.msk $0xffff, v54;
	v47 =	vor.u32 s5, v9;
	v46 =	vld [tilespmem:s0+$0xFFFFFCA0]  }
0x10f: {  	[tilespmem:v57+s24+$0x0] =	vst.idx.msk $0xffff, v56;
	v49 =	vor.u32 s7, v13;
	v48 =	vld [tilespmem:s0+$0xFFFFFCE0]  }
0x110: {  	v53 =	vor.u32 s2, v21;
	v52 =	vld [tilespmem:s0+$0xFFFFFD60];
	[tilespmem:v61+s24+$0x0] =	vst.idx.msk $0xffff, v60  }
0x111: {  	v55 =	vor.u32 s9, v25;
	v54 =	vld [tilespmem:s0+$0xFFFFFDA0];
	[tilespmem:v59+s24+$0x0] =	vst.idx.msk $0xffff, v32  }
0x112: {  	v57 =	vor.u32 s10, v29;
	v56 =	vld [tilespmem:s0+$0xFFFFFDE0];
	[tilespmem:v45+s24+$0x0] =	vst.idx.msk $0xffff, v63  }
0x113: {  	s23 =	simm.s32 $0xE;
	v60 =	vld [tilespmem:s0+$0xFFFFFE60];
	v61 =	vor.u32 s13, v5;
	[tilespmem:v47+s24+$0x0] =	vst.idx.msk $0xffff, v46  }
0x114: {  	v58 =	vld [tilespmem:s0+$0xFFFFFF90];
	v59 =	vor.u32 s23, v24;
	[tilespmem:v49+s24+$0x0] =	vst.idx.msk $0xffff, v48  }
0x115: {  	[tilespmem:v53+s24+$0x0] =	vst.idx.msk $0xffff, v52;
	v45 =	vld [tilespmem:s0+$0xFFFFFEE0];
	v46 =	vor.u32 s16, v13  }
0x116: {  	[tilespmem:v55+s24+$0x0] =	vst.idx.msk $0xffff, v54;
	v47 =	vld [tilespmem:s0+$0xFFFFFF20];
	v48 =	vor.u32 s17, v17  }
0x117: {  	v51 =	vor.u32 s25, v30;
	[tilespmem:v57+s24+$0x0] =	vst.idx.msk $0xffff, v56;
	v32 =	vld [tilespmem:s0+$0xFFFFFFF0]  }
0x118: {  	v53 =	vld [tilespmem:s0+$0xFFFFFC20];
	v54 =	vor.u32 s18, v1;
	[tilespmem:v61+s24+$0x0] =	vst.idx.msk $0xffff, v60  }
0x119: {  	v56 =	vor.u32 s1, v6;
	v55 =	vld [tilespmem:s0+$0xFFFFFC70];
	[tilespmem:v59+s24+$0x0] =	vst.idx.msk $0xffff, v58  }
0x11a: {  	v58 =	vld [tilespmem:s0+$0xFFFFFE20];
	v59 =	vor.u32 s12, v1;
	[tilespmem:v46+s24+$0x0] =	vst.idx.msk $0xffff, v45  }
0x11b: {  	[tilespmem:v48+s24+$0x0] =	vst.idx.msk $0xffff, v47;
	v45 =	vld [tilespmem:s0+$0xFFFFFDB0];
	v46 =	vor.u32 s9, v26  }
0x11c: {  	v50 =	vld [tilespmem:s0+$0xFFFFFD20];
	[tilespmem:v51+s24+$0x0] =	vst.idx.msk $0xffff, v32;
	v51 =	vor.u32 s8, v17  }
0x11d: {  	[tilespmem:v54+s24+$0x0] =	vst.idx.msk $0xffff, v53;
	v47 =	vld [tilespmem:s0+$0xFFFFFDF0];
	v48 =	vor.u32 s10, v30  }
0x11e: {  	[tilespmem:v56+s24+$0x0] =	vst.idx.msk $0xffff, v55;
	v55 =	vld [tilespmem:s0+$0xFFFFFEF0];
	v56 =	vor.u32 s16, v14  }
0x11f: {  	v62 =	vor.u32 s25, v31;
	v32 =	vld [tilespmem:s0+$0x0];
	[tilespmem:v59+s24+$0x0] =	vst.idx.msk $0xffff, v58  }
0x120: {  	v57 =	vld [tilespmem:s0+$0xFFFFFCB0];
	v58 =	vor.u32 s5, v10;
	[tilespmem:v46+s24+$0x0] =	vst.idx.msk $0xffff, v45  }
0x121: {  	v49 =	vld [tilespmem:s0+$0xFFFFFF60];
	[tilespmem:v51+s24+$0x0] =	vst.idx.msk $0xffff, v50;
	v50 =	vor.u32 s22, v21  }
0x122: {  	v52 =	vor.u32 s23, v25;
	[tilespmem:v48+s24+$0x0] =	vst.idx.msk $0xffff, v47;
	v51 =	vld [tilespmem:s0+$0xFFFFFFA0]  }
0x123: {  	v60 =	vor.u32 s7, v14;
	v59 =	vld [tilespmem:s0+$0xFFFFFCF0];
	[tilespmem:v56+s24+$0x0] =	vst.idx.msk $0xffff, v55  }
0x124: {  	v63 =	vor.u32 s14, v9;
	[tilespmem:v62+s24+$0x0] =	vst.idx.msk $0xffff, v32;
	v62 =	vld [tilespmem:s0+$0xFFFFFEA0]  }
0x125: {  	[tilespmem:v58+s24+$0x0] =	vst.idx.msk $0xffff, v57;
	v57 =	vld [tilespmem:s0+$0xFFFFFF30];
	v58 =	vor.u32 s17, v18  }
0x126: {  	[tilespmem:v50+s24+$0x0] =	vst.idx.msk $0xffff, v49;
	v49 =	vld [tilespmem:s0+$0xFFFFFE30];
	v50 =	vor.u32 s12, v2  }
0x127: {  	[tilespmem:v52+s24+$0x0] =	vst.idx.msk $0xffff, v51;
	v51 =	vld [tilespmem:s0+$0xFFFFFE70];
	v52 =	vor.u32 s13, v6  }
0x128: {  	v47 =	vor.u32 s5, v11;
	[tilespmem:v60+s24+$0x0] =	vst.idx.msk $0xffff, v59;
	v46 =	vld [tilespmem:s0+$0xFFFFFCC0]  }
0x129: {  	v61 =	vld [tilespmem:s0+$0xFFFFFD30];
	[tilespmem:v63+s24+$0x0] =	vst.idx.msk $0xffff, v62;
	v62 =	vor.u32 s8, v18  }
0x12a: {  	v44 =	vor.u32 s2, v22;
	v63 =	vld [tilespmem:s0+$0xFFFFFD70];
	[tilespmem:v58+s24+$0x0] =	vst.idx.msk $0xffff, v57  }
0x12b: {  	v60 =	vor.u32 s22, v22;
	v59 =	vld [tilespmem:s0+$0xFFFFFF70];
	[tilespmem:v50+s24+$0x0] =	vst.idx.msk $0xffff, v49  }
0x12c: {  	v54 =	vor.u32 s14, v10;
	v53 =	vld [tilespmem:s0+$0xFFFFFEB0];
	[tilespmem:v52+s24+$0x0] =	vst.idx.msk $0xffff, v51  }
0x12d: {  	v56 =	vld [tilespmem:s0+$0xFFFFFE00];
	v57 =	vor.u32 s10, v31;
	[tilespmem:v47+s24+$0x0] =	vst.idx.msk $0xffff, v46  }
0x12e: {  	v48 =	vld [tilespmem:s0+$0xFFFFFD00];
	v49 =	vor.u32 s7, v15;
	[tilespmem:v62+s24+$0x0] =	vst.idx.msk $0xffff, v61  }
0x12f: {  	[tilespmem:v44+s24+$0x0] =	vst.idx.msk $0xffff, v63;
	v61 =	vld [tilespmem:s0+$0xFFFFFFB0];
	v62 =	vor.u32 s23, v26  }
0x130: {  	v42 =	vld [tilespmem:s0+$0xFFFFFC30];
	v63 =	vor.u32 s18, v2;
	[tilespmem:v60+s24+$0x0] =	vst.idx.msk $0xffff, v59  }
0x131: {  	v45 =	vor.u32 s1, v7;
	v44 =	vld [tilespmem:s0+$0xFFFFFC80];
	[tilespmem:v54+s24+$0x0] =	vst.idx.msk $0xffff, v53  }
0x132: {  	v58 =	vld [tilespmem:s0+$0xFFFFFE40];
	v59 =	vor.u32 s12, v3;
	[tilespmem:v57+s24+$0x0] =	vst.idx.msk $0xffff, v56  }
0x133: {  	v51 =	vor.u32 s8, v19;
	v50 =	vld [tilespmem:s0+$0xFFFFFD40];
	[tilespmem:v49+s24+$0x0] =	vst.idx.msk $0xffff, v48  }
0x134: {  	v52 =	vld [tilespmem:s0+$0xFFFFFD80];
	v53 =	vor.u32 s2, v23;
	[tilespmem:v62+s24+$0x0] =	vst.idx.msk $0xffff, v61  }
0x135: {  	v55 =	vor.u32 s9, v27;
	v54 =	vld [tilespmem:s0+$0xFFFFFDC0];
	[tilespmem:v63+s24+$0x0] =	vst.idx.msk $0xffff, v42  }
0x136: {  	v60 =	vld [tilespmem:s0+$0xFFFFFE80];
	[tilespmem:v45+s24+$0x0] =	vst.idx.msk $0xffff, v44;
	v61 =	vor.u32 s13, v7  }
0x137: {  	v62 =	vld [tilespmem:s0+$0xFFFFFEC0];
	v63 =	vor.u32 s14, v11;
	[tilespmem:v59+s24+$0x0] =	vst.idx.msk $0xffff, v58  }
0x138: {  	v41 =	vor.u32 s16, v15;
	v39 =	vld [tilespmem:s0+$0xFFFFFF00];
	[tilespmem:v51+s24+$0x0] =	vst.idx.msk $0xffff, v50  }
0x139: {  	v40 =	vor.u32 s17, v19;
	v37 =	vld [tilespmem:s0+$0xFFFFFF40];
	[tilespmem:v53+s24+$0x0] =	vst.idx.msk $0xffff, v52  }
0x13a: {  	v38 =	vor.u32 s22, v23;
	v32 =	vld [tilespmem:s0+$0xFFFFFF80];
	[tilespmem:v55+s24+$0x0] =	vst.idx.msk $0xffff, v54  }
0x13b: {  	v35 =	vor.u32 s23, v27;
	s25 =	simm.s32 $0x1F;
	v33 =	vld [tilespmem:s0+$0xFFFFFFC0];
	[tilespmem:v61+s24+$0x0] =	vst.idx.msk $0xffff, v60  }
0x13c: {  	v36 =	vor.u32 s18, v3;
	s5 =	simm.s32 $0x10;
	s9 =	simm.s32 $0x8BF0;
	s12 =	simm.s32 $0x20;
	v34 =	vld [tilespmem:s0+$0xFFFFFC40];
	[tilespmem:v63+s24+$0x0] =	vst.idx.msk $0xffff, v62  }
.LBB2_9:
0x13d: {  	p2 =	slt.u32 s12, $0x70;
	s0 =	sadd.s32 $0x1, s5;
	v42 =	vld [tilespmem:s9+$0xFFFFFFD0];
	v43 =	vor.u32 s25, v28;
	[tilespmem:v41+s24+$0x0] =	vst.idx.msk $0xffff, v39;
	s1 =	smov.u32 s5  }
0x13e: {  	s5 =	smov.u32 s12;
	v39 =	vld [tilespmem:s9+$0xFFFFFC50];
	v41 =	vor.u32 s0, v4;
	s13 =	sadd.s32 $0x2, s1;
	[tilespmem:v40+s24+$0x0] =	vst.idx.msk $0xffff, v37  }
0x13f: {  	s14 =	sadd.s32 $0x3, s1;
	v37 =	vld [tilespmem:s9+$0xFFFFFC90];
	v40 =	vor.u32 s13, v8;
	[tilespmem:v38+s24+$0x0] =	vst.idx.msk $0xffff, v32  }
0x140: {  	s16 =	sadd.s32 $0x4, s1;
	v38 =	vor.u32 s14, v12;
	v32 =	vld [tilespmem:s9+$0xFFFFFCD0];
	[tilespmem:v35+s24+$0x0] =	vst.idx.msk $0xffff, v33  }
0x141: {  	s17 =	sadd.s32 $0x5, s1;
	v35 =	vor.u32 s16, v16;
	v33 =	vld [tilespmem:s9+$0xFFFFFD10];
	[tilespmem:v36+s24+$0x0] =	vst.idx.msk $0xffff, v34  }
0x142: {  	v36 =	vor.u32 s17, v20;
	v34 =	vld [tilespmem:s9+$0xFFFFFD50];
	[tilespmem:v43+s24+$0x0] =	vst.idx.msk $0xffff, v42  }
0x143: {  	s2 =	sadd.s32 $0x6, s1;
	[tilespmem:v41+s24+$0x0] =	vst.idx.msk $0xffff, v39;
	v39 =	vld [tilespmem:s9+$0xFFFFFFE0];
	v41 =	vor.u32 s25, v29  }
0x144: {  	s7 =	sadd.s32 $0x7, s1;
	[tilespmem:v40+s24+$0x0] =	vst.idx.msk $0xffff, v37;
	v37 =	vld [tilespmem:s9+$0xFFFFFD90];
	v40 =	vor.u32 s2, v24  }
0x145: {  	s8 =	sadd.s32 $0x8, s1;
	[tilespmem:v38+s24+$0x0] =	vst.idx.msk $0xffff, v32;
	v32 =	vld [tilespmem:s9+$0xFFFFFDD0];
	v38 =	vor.u32 s7, v28  }
0x146: {  	s23 =	sadd.s32 $0x9, s1;
	[tilespmem:v35+s24+$0x0] =	vst.idx.msk $0xffff, v33;
	v33 =	vld [tilespmem:s9+$0xFFFFFE10];
	v35 =	vor.u32 s8, v0  }
0x147: {  	s26 =	sadd.s32 $0xA, s1;
	[tilespmem:v36+s24+$0x0] =	vst.idx.msk $0xffff, v34;
	v34 =	vld [tilespmem:s9+$0xFFFFFE50];
	v36 =	vor.u32 s23, v4  }
0x148: {  	v43 =	vor.u32 s26, v8;
	v42 =	vld [tilespmem:s9+$0xFFFFFE90];
	[tilespmem:v41+s24+$0x0] =	vst.idx.msk $0xffff, v39  }
0x149: {  	s30 =	sadd.s32 $0xB, s1;
	v39 =	vor.u32 s25, v30;
	[tilespmem:v40+s24+$0x0] =	vst.idx.msk $0xffff, v37;
	v37 =	vld [tilespmem:s9+$0xFFFFFFF0]  }
0x14a: {  	s10 =	sadd.s32 $0xC, s1;
	[tilespmem:v38+s24+$0x0] =	vst.idx.msk $0xffff, v32;
	v32 =	vld [tilespmem:s9+$0xFFFFFED0];
	v38 =	vor.u32 s30, v12  }
0x14b: {  	s18 =	sadd.s32 $0xD, s1;
	[tilespmem:v35+s24+$0x0] =	vst.idx.msk $0xffff, v33;
	v33 =	vld [tilespmem:s9+$0xFFFFFF10];
	v35 =	vor.u32 s10, v16  }
0x14c: {  	s22 =	sadd.s32 $0xE, s1;
	[tilespmem:v36+s24+$0x0] =	vst.idx.msk $0xffff, v34;
	v34 =	vld [tilespmem:s9+$0xFFFFFF50];
	v36 =	vor.u32 s18, v20  }
0x14d: {  	v41 =	vor.u32 s22, v24;
	[tilespmem:v43+s24+$0x0] =	vst.idx.msk $0xffff, v42;
	v40 =	vld [tilespmem:s9+$0xFFFFFF90]  }
0x14e: {  	v43 =	vor.u32 s1, v0;
	v42 =	vld [tilespmem:s9+$0xFFFFFC10];
	[tilespmem:v39+s24+$0x0] =	vst.idx.msk $0xffff, v37  }
0x14f: {  	v37 =	vor.u32 s25, v31;
	[tilespmem:v38+s24+$0x0] =	vst.idx.msk $0xffff, v32;
	v32 =	vld [tilespmem:s9+$0x0]  }
0x150: {  	v39 =	vor.u32 s0, v5;
	v38 =	vld [tilespmem:s9+$0xFFFFFC60];
	[tilespmem:v35+s24+$0x0] =	vst.idx.msk $0xffff, v33  }
0x151: {  	v35 =	vor.u32 s13, v9;
	v33 =	vld [tilespmem:s9+$0xFFFFFCA0];
	[tilespmem:v36+s24+$0x0] =	vst.idx.msk $0xffff, v34  }
0x152: {  	v36 =	vor.u32 s14, v13;
	v34 =	vld [tilespmem:s9+$0xFFFFFCE0];
	[tilespmem:v41+s24+$0x0] =	vst.idx.msk $0xffff, v40  }
0x153: {  	v41 =	vor.u32 s16, v17;
	[tilespmem:v43+s24+$0x0] =	vst.idx.msk $0xffff, v42;
	v40 =	vld [tilespmem:s9+$0xFFFFFD20]  }
0x154: {  	v43 =	vor.u32 s17, v21;
	v42 =	vld [tilespmem:s9+$0xFFFFFD60];
	[tilespmem:v37+s24+$0x0] =	vst.idx.msk $0xffff, v32  }
0x155: {  	v37 =	vor.u32 s2, v25;
	[tilespmem:v39+s24+$0x0] =	vst.idx.msk $0xffff, v38;
	v32 =	vld [tilespmem:s9+$0xFFFFFDA0]  }
0x156: {  	[tilespmem:v35+s24+$0x0] =	vst.idx.msk $0xffff, v33;
	v33 =	vld [tilespmem:s9+$0xFFFFFDE0];
	v35 =	vor.u32 s7, v29  }
0x157: {  	[tilespmem:v36+s24+$0x0] =	vst.idx.msk $0xffff, v34;
	v34 =	vld [tilespmem:s9+$0xFFFFFE20];
	v36 =	vor.u32 s8, v1  }
0x158: {  	v39 =	vor.u32 s23, v5;
	[tilespmem:v41+s24+$0x0] =	vst.idx.msk $0xffff, v40;
	v38 =	vld [tilespmem:s9+$0xFFFFFE60]  }
0x159: {  	v41 =	vor.u32 s26, v9;
	[tilespmem:v43+s24+$0x0] =	vst.idx.msk $0xffff, v42;
	v40 =	vld [tilespmem:s9+$0xFFFFFEA0]  }
0x15a: {  	[tilespmem:v37+s24+$0x0] =	vst.idx.msk $0xffff, v32;
	v32 =	vld [tilespmem:s9+$0xFFFFFEE0];
	v37 =	vor.u32 s30, v13  }
0x15b: {  	[tilespmem:v35+s24+$0x0] =	vst.idx.msk $0xffff, v33;
	v33 =	vld [tilespmem:s9+$0xFFFFFF20];
	v35 =	vor.u32 s10, v17  }
0x15c: {  	[tilespmem:v36+s24+$0x0] =	vst.idx.msk $0xffff, v34;
	v34 =	vld [tilespmem:s9+$0xFFFFFF60];
	v36 =	vor.u32 s18, v21  }
0x15d: {  	[tilespmem:v39+s24+$0x0] =	vst.idx.msk $0xffff, v38;
	v38 =	vld [tilespmem:s9+$0xFFFFFFA0];
	v39 =	vor.u32 s22, v25  }
0x15e: {  	v43 =	vor.u32 s1, v1;
	v42 =	vld [tilespmem:s9+$0xFFFFFC20];
	[tilespmem:v41+s24+$0x0] =	vst.idx.msk $0xffff, v40  }
0x15f: {  	v41 =	vor.u32 s0, v6;
	v40 =	vld [tilespmem:s9+$0xFFFFFC70];
	[tilespmem:v37+s24+$0x0] =	vst.idx.msk $0xffff, v32  }
0x160: {  	v37 =	vor.u32 s13, v10;
	v32 =	vld [tilespmem:s9+$0xFFFFFCB0];
	[tilespmem:v35+s24+$0x0] =	vst.idx.msk $0xffff, v33  }
0x161: {  	v35 =	vor.u32 s14, v14;
	v33 =	vld [tilespmem:s9+$0xFFFFFCF0];
	[tilespmem:v36+s24+$0x0] =	vst.idx.msk $0xffff, v34  }
0x162: {  	v36 =	vor.u32 s16, v18;
	v34 =	vld [tilespmem:s9+$0xFFFFFD30];
	[tilespmem:v39+s24+$0x0] =	vst.idx.msk $0xffff, v38  }
0x163: {  	v39 =	vor.u32 s17, v22;
	[tilespmem:v43+s24+$0x0] =	vst.idx.msk $0xffff, v42;
	v38 =	vld [tilespmem:s9+$0xFFFFFD70]  }
0x164: {  	[tilespmem:v41+s24+$0x0] =	vst.idx.msk $0xffff, v40;
	v40 =	vld [tilespmem:s9+$0xFFFFFDB0];
	v41 =	vor.u32 s2, v26  }
0x165: {  	[tilespmem:v37+s24+$0x0] =	vst.idx.msk $0xffff, v32;
	v32 =	vld [tilespmem:s9+$0xFFFFFDF0];
	v37 =	vor.u32 s7, v30  }
0x166: {  	[tilespmem:v35+s24+$0x0] =	vst.idx.msk $0xffff, v33;
	v33 =	vld [tilespmem:s9+$0xFFFFFE30];
	v35 =	vor.u32 s8, v2  }
0x167: {  	[tilespmem:v36+s24+$0x0] =	vst.idx.msk $0xffff, v34;
	v34 =	vld [tilespmem:s9+$0xFFFFFE70];
	v36 =	vor.u32 s23, v6  }
0x168: {  	[tilespmem:v39+s24+$0x0] =	vst.idx.msk $0xffff, v38;
	v38 =	vld [tilespmem:s9+$0xFFFFFEB0];
	v39 =	vor.u32 s26, v10  }
0x169: {  	[tilespmem:v41+s24+$0x0] =	vst.idx.msk $0xffff, v40;
	v40 =	vld [tilespmem:s9+$0xFFFFFEF0];
	v41 =	vor.u32 s30, v14  }
0x16a: {  	[tilespmem:v37+s24+$0x0] =	vst.idx.msk $0xffff, v32;
	v32 =	vld [tilespmem:s9+$0xFFFFFF30];
	v37 =	vor.u32 s10, v18  }
0x16b: {  	[tilespmem:v35+s24+$0x0] =	vst.idx.msk $0xffff, v33;
	v33 =	vld [tilespmem:s9+$0xFFFFFF70];
	v35 =	vor.u32 s18, v22  }
0x16c: {  	[tilespmem:v36+s24+$0x0] =	vst.idx.msk $0xffff, v34;
	v34 =	vld [tilespmem:s9+$0xFFFFFFB0];
	v36 =	vor.u32 s22, v26  }
0x16d: {  	v43 =	vor.u32 s1, v2;
	v42 =	vld [tilespmem:s9+$0xFFFFFC30];
	[tilespmem:v39+s24+$0x0] =	vst.idx.msk $0xffff, v38  }
0x16e: {  	v39 =	vor.u32 s0, v7;
	v38 =	vld [tilespmem:s9+$0xFFFFFC80];
	[tilespmem:v41+s24+$0x0] =	vst.idx.msk $0xffff, v40  }
0x16f: {  	v41 =	vor.u32 s13, v11;
	v40 =	vld [tilespmem:s9+$0xFFFFFCC0];
	[tilespmem:v37+s24+$0x0] =	vst.idx.msk $0xffff, v32  }
0x170: {  	v37 =	vor.u32 s14, v15;
	v32 =	vld [tilespmem:s9+$0xFFFFFD00];
	[tilespmem:v35+s24+$0x0] =	vst.idx.msk $0xffff, v33  }
0x171: {  	v35 =	vor.u32 s16, v19;
	v33 =	vld [tilespmem:s9+$0xFFFFFD40];
	[tilespmem:v36+s24+$0x0] =	vst.idx.msk $0xffff, v34  }
0x172: {  	v36 =	vor.u32 s17, v23;
	[tilespmem:v43+s24+$0x0] =	vst.idx.msk $0xffff, v42;
	v34 =	vld [tilespmem:s9+$0xFFFFFD80]  }
0x173: {  	[tilespmem:v39+s24+$0x0] =	vst.idx.msk $0xffff, v38;
	v38 =	vld [tilespmem:s9+$0xFFFFFDC0];
	v39 =	vor.u32 s2, v27  }
0x174: {  	v42 =	vor.u32 s7, v31;
	[tilespmem:v41+s24+$0x0] =	vst.idx.msk $0xffff, v40;
	v40 =	vld [tilespmem:s9+$0xFFFFFE00]  }
0x175: {  	v43 =	vor.u32 s8, v3;
	[tilespmem:v37+s24+$0x0] =	vst.idx.msk $0xffff, v32;
	v32 =	vld [tilespmem:s9+$0xFFFFFE40]  }
0x176: {  	[tilespmem:v35+s24+$0x0] =	vst.idx.msk $0xffff, v33;
	v33 =	vld [tilespmem:s9+$0xFFFFFE80];
	v35 =	vor.u32 s23, v7  }
0x177: {  	v45 =	vor.u32 s26, v11;
	[tilespmem:v36+s24+$0x0] =	vst.idx.msk $0xffff, v34;
	v44 =	vld [tilespmem:s9+$0xFFFFFEC0]  }
.Ltmp4:
0x178: {  	v41 =	vor.u32 s30, v15;
	[tilespmem:v39+s24+$0x0] =	vst.idx.msk $0xffff, v38;
	v39 =	vld [tilespmem:s9+$0xFFFFFF00];
	(pc) =	sbr.rel @p2 .LBB2_9-.Ltmp4, $4  }
0x179: {  	[tilespmem:v42+s24+$0x0] =	vst.idx.msk $0xffff, v40;
	v37 =	vld [tilespmem:s9+$0xFFFFFF40];
	v40 =	vor.u32 s10, v19  }
0x17a: {  	v38 =	vor.u32 s18, v23;
	[tilespmem:v43+s24+$0x0] =	vst.idx.msk $0xffff, v32;
	v32 =	vld [tilespmem:s9+$0xFFFFFF80]  }
0x17b: {  	[tilespmem:v35+s24+$0x0] =	vst.idx.msk $0xffff, v33;
	v33 =	vld [tilespmem:s9+$0xFFFFFFC0];
	v35 =	vor.u32 s22, v27  }
0x17c: {  	s12 =	sadd.s32 $0x10, s12;
	s25 =	sadd.s32 $0xF, s5;
	v36 =	vor.u32 s1, v3;
	v34 =	vld [tilespmem:s9+$0xFFFFFC40];
	[tilespmem:v45+s24+$0x0] =	vst.idx.msk $0xffff, v44;
	s9 =	sadd.s32 $0x400, s9  }
0x17d: {  	_ =	sdelay $0x3  }
0x17e: {  	s0 =	sadd.s32 $0x1, s5;
	v42 =	vld [tilespmem:s9+$0xFFFFFFD0];
	v43 =	vor.u32 s25, v28;
	[tilespmem:v41+s24+$0x0] =	vst.idx.msk $0xffff, v39  }
0x17f: {  	v57 =	vld [tilespmem:s9+$0xFFFFFC50];
	s1 =	sadd.s32 $0x2, s5;
	v58 =	vor.u32 s0, v4;
	[tilespmem:v40+s24+$0x0] =	vst.idx.msk $0xffff, v37  }
0x180: {  	v59 =	vld [tilespmem:s9+$0xFFFFFC90];
	s2 =	sadd.s32 $0x3, s5;
	v60 =	vor.u32 s1, v8;
	[tilespmem:v38+s24+$0x0] =	vst.idx.msk $0xffff, v32  }
0x181: {  	v61 =	vld [tilespmem:s9+$0xFFFFFCD0];
	s7 =	sadd.s32 $0x4, s5;
	v62 =	vor.u32 s2, v12;
	[tilespmem:v35+s24+$0x0] =	vst.idx.msk $0xffff, v33  }
0x182: {  	v63 =	vld [tilespmem:s9+$0xFFFFFD10];
	s8 =	sadd.s32 $0x5, s5;
	v44 =	vor.u32 s7, v16;
	[tilespmem:v36+s24+$0x0] =	vst.idx.msk $0xffff, v34  }
0x183: {  	v45 =	vld [tilespmem:s9+$0xFFFFFD50];
	s10 =	sadd.s32 $0x6, s5;
	v46 =	vor.u32 s8, v20;
	[tilespmem:v43+s24+$0x0] =	vst.idx.msk $0xffff, v42  }
0x184: {  	v49 =	vld [tilespmem:s9+$0xFFFFFD90];
	s12 =	sadd.s32 $0x7, s5;
	v50 =	vor.u32 s10, v24;
	[tilespmem:v58+s24+$0x0] =	vst.idx.msk $0xffff, v57  }
0x185: {  	v51 =	vld [tilespmem:s9+$0xFFFFFDD0];
	s13 =	sadd.s32 $0x8, s5;
	v52 =	vor.u32 s12, v28;
	[tilespmem:v60+s24+$0x0] =	vst.idx.msk $0xffff, v59  }
0x186: {  	v53 =	vld [tilespmem:s9+$0xFFFFFE10];
	s14 =	sadd.s32 $0x9, s5;
	v54 =	vor.u32 s13, v0;
	[tilespmem:v62+s24+$0x0] =	vst.idx.msk $0xffff, v61  }
0x187: {  	v55 =	vld [tilespmem:s9+$0xFFFFFE50];
	v56 =	vor.u32 s14, v4;
	[tilespmem:v44+s24+$0x0] =	vst.idx.msk $0xffff, v63  }
0x188: {  	v48 =	vor.u32 s25, v29;
	s16 =	sadd.s32 $0xA, s5;
	v47 =	vld [tilespmem:s9+$0xFFFFFFE0];
	[tilespmem:v46+s24+$0x0] =	vst.idx.msk $0xffff, v45  }
0x189: {  	s17 =	sadd.s32 $0xB, s5;
	v57 =	vld [tilespmem:s9+$0xFFFFFE90];
	v58 =	vor.u32 s16, v8;
	[tilespmem:v50+s24+$0x0] =	vst.idx.msk $0xffff, v49  }
0x18a: {  	s18 =	sadd.s32 $0xC, s5;
	[tilespmem:v52+s24+$0x0] =	vst.idx.msk $0xffff, v51;
	v61 =	vld [tilespmem:s9+$0xFFFFFED0];
	v62 =	vor.u32 s17, v12  }
0x18b: {  	[tilespmem:v54+s24+$0x0] =	vst.idx.msk $0xffff, v53;
	v63 =	vld [tilespmem:s9+$0xFFFFFF10];
	v45 =	vor.u32 s18, v16  }
0x18c: {  	[tilespmem:v56+s24+$0x0] =	vst.idx.msk $0xffff, v55;
	v50 =	vld [tilespmem:s9+$0xFFFFFC10];
	v51 =	vor.u32 s5, v0  }
0x18d: {  	s22 =	sadd.s32 $0xD, s5;
	v55 =	vor.u32 s0, v5;
	v54 =	vld [tilespmem:s9+$0xFFFFFC60];
	[tilespmem:v48+s24+$0x0] =	vst.idx.msk $0xffff, v47  }
0x18e: {  	s23 =	sadd.s32 $0xE, s5;
	v46 =	vld [tilespmem:s9+$0xFFFFFF50];
	v47 =	vor.u32 s22, v20;
	[tilespmem:v58+s24+$0x0] =	vst.idx.msk $0xffff, v57  }
0x18f: {  	v49 =	vor.u32 s23, v24;
	v48 =	vld [tilespmem:s9+$0xFFFFFF90];
	[tilespmem:v62+s24+$0x0] =	vst.idx.msk $0xffff, v61  }
0x190: {  	v56 =	vld [tilespmem:s9+$0xFFFFFCA0];
	[tilespmem:v45+s24+$0x0] =	vst.idx.msk $0xffff, v63;
	v57 =	vor.u32 s1, v9  }
0x191: {  	[tilespmem:v51+s24+$0x0] =	vst.idx.msk $0xffff, v50;
	v62 =	vld [tilespmem:s9+$0xFFFFFD60];
	v63 =	vor.u32 s8, v21  }
0x192: {  	v44 =	vld [tilespmem:s9+$0xFFFFFDA0];
	v45 =	vor.u32 s10, v25;
	[tilespmem:v55+s24+$0x0] =	vst.idx.msk $0xffff, v54  }
0x193: {  	v50 =	vld [tilespmem:s9+$0xFFFFFE60];
	v51 =	vor.u32 s14, v5;
	[tilespmem:v47+s24+$0x0] =	vst.idx.msk $0xffff, v46  }
0x194: {  	v60 =	vor.u32 s25, v30;
	v59 =	vld [tilespmem:s9+$0xFFFFFFF0];
	[tilespmem:v49+s24+$0x0] =	vst.idx.msk $0xffff, v48  }
0x195: {  	v54 =	vld [tilespmem:s9+$0xFFFFFEE0];
	v55 =	vor.u32 s17, v13;
	[tilespmem:v57+s24+$0x0] =	vst.idx.msk $0xffff, v56  }
0x196: {  	v46 =	vld [tilespmem:s9+$0xFFFFFDE0];
	v47 =	vor.u32 s12, v29;
	[tilespmem:v63+s24+$0x0] =	vst.idx.msk $0xffff, v62  }
0x197: {  	v48 =	vld [tilespmem:s9+$0xFFFFFE20];
	v49 =	vor.u32 s13, v1;
	[tilespmem:v45+s24+$0x0] =	vst.idx.msk $0xffff, v44  }
0x198: {  	v56 =	vld [tilespmem:s9+$0xFFFFFF20];
	v57 =	vor.u32 s18, v17;
	[tilespmem:v51+s24+$0x0] =	vst.idx.msk $0xffff, v50  }
0x199: {  	v62 =	vld [tilespmem:s9+$0xFFFFFC20];
	v63 =	vor.u32 s5, v1;
	[tilespmem:v60+s24+$0x0] =	vst.idx.msk $0xffff, v59  }
0x19a: {  	v58 =	vld [tilespmem:s9+$0xFFFFFCE0];
	v59 =	vor.u32 s2, v13;
	[tilespmem:v55+s24+$0x0] =	vst.idx.msk $0xffff, v54  }
0x19b: {  	v61 =	vor.u32 s7, v17;
	v60 =	vld [tilespmem:s9+$0xFFFFFD20];
	[tilespmem:v47+s24+$0x0] =	vst.idx.msk $0xffff, v46  }
0x19c: {  	v53 =	vor.u32 s25, v31;
	v52 =	vld [tilespmem:s9+$0x0];
	[tilespmem:v49+s24+$0x0] =	vst.idx.msk $0xffff, v48  }
0x19d: {  	v45 =	vld [tilespmem:s9+$0xFFFFFC70];
	v46 =	vor.u32 s0, v6;
	[tilespmem:v57+s24+$0x0] =	vst.idx.msk $0xffff, v56  }
0x19e: {  	v47 =	vld [tilespmem:s9+$0xFFFFFCB0];
	v48 =	vor.u32 s1, v10;
	[tilespmem:v63+s24+$0x0] =	vst.idx.msk $0xffff, v62  }
0x19f: {  	v55 =	vld [tilespmem:s9+$0xFFFFFDB0];
	v56 =	vor.u32 s10, v26;
	[tilespmem:v59+s24+$0x0] =	vst.idx.msk $0xffff, v58  }
0x1a0: {  	[tilespmem:v61+s24+$0x0] =	vst.idx.msk $0xffff, v60;
	v58 =	vld [tilespmem:s9+$0xFFFFFF60];
	v59 =	vor.u32 s22, v21  }
0x1a1: {  	v60 =	vld [tilespmem:s9+$0xFFFFFFA0];
	v61 =	vor.u32 s23, v25;
	[tilespmem:v53+s24+$0x0] =	vst.idx.msk $0xffff, v52  }
0x1a2: {  	v52 =	vld [tilespmem:s9+$0xFFFFFEA0];
	v53 =	vor.u32 s16, v9;
	[tilespmem:v46+s24+$0x0] =	vst.idx.msk $0xffff, v45  }
0x1a3: {  	v50 =	vor.u32 s2, v14;
	v49 =	vld [tilespmem:s9+$0xFFFFFCF0];
	[tilespmem:v48+s24+$0x0] =	vst.idx.msk $0xffff, v47  }
0x1a4: {  	[tilespmem:v56+s24+$0x0] =	vst.idx.msk $0xffff, v55;
	v46 =	vld [tilespmem:s9+$0xFFFFFEF0];
	v47 =	vor.u32 s17, v14  }
0x1a5: {  	v57 =	vld [tilespmem:s9+$0xFFFFFDF0];
	[tilespmem:v59+s24+$0x0] =	vst.idx.msk $0xffff, v58;
	v58 =	vor.u32 s12, v30  }
0x1a6: {  	[tilespmem:v61+s24+$0x0] =	vst.idx.msk $0xffff, v60;
	v59 =	vld [tilespmem:s9+$0xFFFFFE30];
	v60 =	vor.u32 s13, v2  }
0x1a7: {  	v62 =	vor.u32 s14, v6;
	v61 =	vld [tilespmem:s9+$0xFFFFFE70];
	[tilespmem:v53+s24+$0x0] =	vst.idx.msk $0xffff, v52  }
0x1a8: {  	v56 =	vor.u32 s0, v7;
	v55 =	vld [tilespmem:s9+$0xFFFFFC80];
	[tilespmem:v50+s24+$0x0] =	vst.idx.msk $0xffff, v49  }
0x1a9: {  	v51 =	vld [tilespmem:s9+$0xFFFFFD30];
	v52 =	vor.u32 s7, v18;
	[tilespmem:v47+s24+$0x0] =	vst.idx.msk $0xffff, v46  }
0x1aa: {  	v54 =	vor.u32 s8, v22;
	v53 =	vld [tilespmem:s9+$0xFFFFFD70];
	[tilespmem:v58+s24+$0x0] =	vst.idx.msk $0xffff, v57  }
0x1ab: {  	v48 =	vld [tilespmem:s9+$0xFFFFFF30];
	v49 =	vor.u32 s18, v18;
	[tilespmem:v60+s24+$0x0] =	vst.idx.msk $0xffff, v59  }
0x1ac: {  	v45 =	vor.u32 s16, v10;
	v63 =	vld [tilespmem:s9+$0xFFFFFEB0];
	[tilespmem:v62+s24+$0x0] =	vst.idx.msk $0xffff, v61  }
0x1ad: {  	v57 =	vld [tilespmem:s9+$0xFFFFFCC0];
	v58 =	vor.u32 s1, v11;
	[tilespmem:v56+s24+$0x0] =	vst.idx.msk $0xffff, v55  }
0x1ae: {  	v59 =	vld [tilespmem:s9+$0xFFFFFD00];
	v60 =	vor.u32 s2, v15;
	[tilespmem:v52+s24+$0x0] =	vst.idx.msk $0xffff, v51  }
0x1af: {  	v55 =	vld [tilespmem:s9+$0xFFFFFF00];
	v56 =	vor.u32 s17, v15;
	[tilespmem:v54+s24+$0x0] =	vst.idx.msk $0xffff, v53  }
0x1b0: {  	v50 =	vld [tilespmem:s9+$0xFFFFFF70];
	v51 =	vor.u32 s22, v22;
	[tilespmem:v49+s24+$0x0] =	vst.idx.msk $0xffff, v48  }
0x1b1: {  	v52 =	vld [tilespmem:s9+$0xFFFFFFB0];
	v53 =	vor.u32 s23, v26;
	[tilespmem:v45+s24+$0x0] =	vst.idx.msk $0xffff, v63  }
0x1b2: {  	v42 =	vld [tilespmem:s9+$0xFFFFFC30];
	v54 =	vor.u32 s5, v2;
	[tilespmem:v58+s24+$0x0] =	vst.idx.msk $0xffff, v57  }
0x1b3: {  	v47 =	vld [tilespmem:s9+$0xFFFFFE00];
	v48 =	vor.u32 s12, v31;
	[tilespmem:v60+s24+$0x0] =	vst.idx.msk $0xffff, v59  }
0x1b4: {  	v62 =	vor.u32 s7, v19;
	v61 =	vld [tilespmem:s9+$0xFFFFFD40];
	[tilespmem:v56+s24+$0x0] =	vst.idx.msk $0xffff, v55  }
0x1b5: {  	v44 =	vor.u32 s8, v23;
	v63 =	vld [tilespmem:s9+$0xFFFFFD80];
	[tilespmem:v51+s24+$0x0] =	vst.idx.msk $0xffff, v50  }
0x1b6: {  	v46 =	vor.u32 s10, v27;
	v45 =	vld [tilespmem:s9+$0xFFFFFDC0];
	[tilespmem:v53+s24+$0x0] =	vst.idx.msk $0xffff, v52  }
0x1b7: {  	v57 =	vld [tilespmem:s9+$0xFFFFFF40];
	v58 =	vor.u32 s18, v19;
	[tilespmem:v54+s24+$0x0] =	vst.idx.msk $0xffff, v42  }
0x1b8: {  	v49 =	vld [tilespmem:s9+$0xFFFFFE40];
	v50 =	vor.u32 s13, v3;
	[tilespmem:v48+s24+$0x0] =	vst.idx.msk $0xffff, v47  }
0x1b9: {  	v51 =	vld [tilespmem:s9+$0xFFFFFE80];
	v52 =	vor.u32 s14, v7;
	[tilespmem:v62+s24+$0x0] =	vst.idx.msk $0xffff, v61  }
0x1ba: {  	v53 =	vld [tilespmem:s9+$0xFFFFFEC0];
	v54 =	vor.u32 s16, v11;
	[tilespmem:v44+s24+$0x0] =	vst.idx.msk $0xffff, v63  }
0x1bb: {  	v60 =	vor.u32 s22, v23;
	[tilespmem:v46+s24+$0x0] =	vst.idx.msk $0xffff, v45;
	v59 =	vld [tilespmem:s9+$0xFFFFFF80]  }
0x1bc: {  	v61 =	vld [tilespmem:s9+$0xFFFFFFC0];
	v62 =	vor.u32 s23, v27;
	[tilespmem:v58+s24+$0x0] =	vst.idx.msk $0xffff, v57  }
0x1bd: {  	v42 =	vld [tilespmem:s9+$0xFFFFFC40];
	v63 =	vor.u32 s5, v3;
	[tilespmem:v50+s24+$0x0] =	vst.idx.msk $0xffff, v49  }
0x1be: {  	[tilespmem:v52+s24+$0x0] =	vst.idx.msk $0xffff, v51  }
0x1bf: {  	[tilespmem:v54+s24+$0x0] =	vst.idx.msk $0xffff, v53  }
0x1c0: {  	[tilespmem:v60+s24+$0x0] =	vst.idx.msk $0xffff, v59  }
.Ltmp5:
0x1c1: {  	[tilespmem:v62+s24+$0x0] =	vst.idx.msk $0xffff, v61;
	(pc) =	sbr.rel @p1 .LBB2_12-.Ltmp5, $4  }
0x1c2: {  	[tilespmem:v63+s24+$0x0] =	vst.idx.msk $0xffff, v42  }
0x1c3: {  	s30 =	rddreg [dreg:$0x4]  }
0x1c4: {  	s0 =	sadd.s32 s3, s30  }
0x1c5: {  	[hbm4b:s0+s20] =	stream.strided.scatter [tilespmem:s24], [sflag:$0x6], $0x2000, s21, s20, $0x38;
	[tilespmem:$0x16400] =	vst v63  }
.Ltmp6:
0x1c6: {  	(pc) =	sbr.rel .LBB2_13-.Ltmp6, $4  }
0x1c7: {  	s0 =	simm.s32 $0x3  }
0x1c8: {  	_ =	swait.ge [sflag:s0], $0x2000  }
0x1c9: {  	[sflag:s0] =	ssyncset.done $0x0  }
0x1ca: {  	[sflag:s0] =	ssyncadd.s32 $0xFFFFE000  }
.LBB2_12:
0x1cb: {  	s0 =	sshll.u32 s11, $0x9  }
0x1cc: {  	s1 =	simm.s32 $0x80;
	s2 =	simm.s32 $0x8400;
	s0 =	sand.u32 $0x3FFFFE00, s0  }
.Ltmp7:
0x1cd: {  	s30 =	simm.s32 $0x3;
	s0 =	sadd.s32 $0x280, s0;
	(pc) =	sbr.rel @p0 .LBB2_14-.Ltmp7, $4  }
0x1ce: {  	[tilespmem:s2], [sflag:$0x2] =	stream.indirect.gather [hbm4b:s4+s1], $0x40, s0, s1, $0xb8;
	[tilespmem:$0x16400] =	vst v63  }
0x1cf: {  	_ =	swait.ge [sflag:s30], $0x2000  }
0x1d0: {  	[sflag:s30] =	ssyncset.done $0x0  }
0x1d1: {  	[sflag:s30] =	ssyncadd.s32 $0xFFFFE000  }
.LBB2_13:
0x1d2: {  	s0 =	simm.s32 $0x7  }
0x1d3: {  	_ =	swait.ge [sflag:s0], $0x2000  }
0x1d4: {  	[sflag:s0] =	ssyncset.done $0x0  }
0x1d5: {  	[sflag:s0] =	ssyncadd.s32 $0xFFFFE000  }
.LBB2_14:
0x1d6: {  	s0 =	simm.s32 $0xA7F0;
	s25 =	simm.s32 $0xF  }
0x1d7: {  	s1 =	simm.s32 $0x1;
	v32 =	vld [tilespmem:s0+$0xFFFFFFD0];
	v33 =	vor.u32 s25, v28  }
0x1d8: {  	s5 =	simm.s32 $0x2;
	v34 =	vld [tilespmem:s0+$0xFFFFFC50];
	v35 =	vor.u32 s1, v4  }
0x1d9: {  	s7 =	simm.s32 $0x3;
	v36 =	vld [tilespmem:s0+$0xFFFFFC90];
	v37 =	vor.u32 s5, v8  }
0x1da: {  	s8 =	simm.s32 $0x4;
	v38 =	vld [tilespmem:s0+$0xFFFFFCD0];
	v39 =	vor.u32 s7, v12  }
0x1db: {  	s2 =	simm.s32 $0x5;
	v40 =	vld [tilespmem:s0+$0xFFFFFD10];
	v41 =	vor.u32 s8, v16  }
0x1dc: {  	s9 =	simm.s32 $0x6;
	v42 =	vld [tilespmem:s0+$0xFFFFFD50];
	v43 =	vor.u32 s2, v20;
	[tilespmem:v33+s28+$0x0] =	vst.idx.msk $0xffff, v32  }
0x1dd: {  	s10 =	simm.s32 $0x7;
	v60 =	vld [tilespmem:s0+$0xFFFFFD90];
	v61 =	vor.u32 s9, v24;
	[tilespmem:v35+s28+$0x0] =	vst.idx.msk $0xffff, v34  }
0x1de: {  	s12 =	simm.s32 $0x8;
	v62 =	vld [tilespmem:s0+$0xFFFFFDD0];
	v63 =	vor.u32 s10, v28;
	[tilespmem:v37+s28+$0x0] =	vst.idx.msk $0xffff, v36  }
0x1df: {  	s13 =	simm.s32 $0x9;
	v45 =	vld [tilespmem:s0+$0xFFFFFE10];
	v46 =	vor.u32 s12, v0;
	[tilespmem:v39+s28+$0x0] =	vst.idx.msk $0xffff, v38  }
0x1e0: {  	s14 =	simm.s32 $0xA;
	v47 =	vld [tilespmem:s0+$0xFFFFFE50];
	v48 =	vor.u32 s13, v4;
	[tilespmem:v41+s28+$0x0] =	vst.idx.msk $0xffff, v40  }
0x1e1: {  	s16 =	simm.s32 $0xB;
	v49 =	vld [tilespmem:s0+$0xFFFFFE90];
	v50 =	vor.u32 s14, v8;
	[tilespmem:v43+s28+$0x0] =	vst.idx.msk $0xffff, v42  }
0x1e2: {  	s17 =	simm.s32 $0xC;
	v52 =	vld [tilespmem:s0+$0xFFFFFED0];
	v53 =	vor.u32 s16, v12;
	[tilespmem:v61+s28+$0x0] =	vst.idx.msk $0xffff, v60  }
0x1e3: {  	s22 =	simm.s32 $0xD;
	v54 =	vld [tilespmem:s0+$0xFFFFFF10];
	v55 =	vor.u32 s17, v16;
	[tilespmem:v63+s28+$0x0] =	vst.idx.msk $0xffff, v62  }
0x1e4: {  	s18 =	simm.s32 $0x0;
	v56 =	vld [tilespmem:s0+$0xFFFFFF50];
	v57 =	vor.u32 s22, v20;
	[tilespmem:v46+s28+$0x0] =	vst.idx.msk $0xffff, v45  }
0x1e5: {  	[tilespmem:v48+s28+$0x0] =	vst.idx.msk $0xffff, v47;
	v60 =	vld [tilespmem:s0+$0xFFFFFC10];
	v61 =	vor.u32 s18, v0  }
0x1e6: {  	v59 =	vor.u32 s25, v29;
	[tilespmem:v50+s28+$0x0] =	vst.idx.msk $0xffff, v49;
	v32 =	vld [tilespmem:s0+$0xFFFFFFE0]  }
0x1e7: {  	[tilespmem:v53+s28+$0x0] =	vst.idx.msk $0xffff, v52;
	v45 =	vor.u32 s1, v5;
	v63 =	vld [tilespmem:s0+$0xFFFFFC60]  }
0x1e8: {  	[tilespmem:v55+s28+$0x0] =	vst.idx.msk $0xffff, v54;
	v47 =	vor.u32 s5, v9;
	v46 =	vld [tilespmem:s0+$0xFFFFFCA0]  }
0x1e9: {  	[tilespmem:v57+s28+$0x0] =	vst.idx.msk $0xffff, v56;
	v49 =	vor.u32 s7, v13;
	v48 =	vld [tilespmem:s0+$0xFFFFFCE0]  }
0x1ea: {  	v53 =	vor.u32 s2, v21;
	v52 =	vld [tilespmem:s0+$0xFFFFFD60];
	[tilespmem:v61+s28+$0x0] =	vst.idx.msk $0xffff, v60  }
0x1eb: {  	v55 =	vor.u32 s9, v25;
	v54 =	vld [tilespmem:s0+$0xFFFFFDA0];
	[tilespmem:v59+s28+$0x0] =	vst.idx.msk $0xffff, v32  }
0x1ec: {  	v57 =	vor.u32 s10, v29;
	v56 =	vld [tilespmem:s0+$0xFFFFFDE0];
	[tilespmem:v45+s28+$0x0] =	vst.idx.msk $0xffff, v63  }
0x1ed: {  	s23 =	simm.s32 $0xE;
	v60 =	vld [tilespmem:s0+$0xFFFFFE60];
	v61 =	vor.u32 s13, v5;
	[tilespmem:v47+s28+$0x0] =	vst.idx.msk $0xffff, v46  }
0x1ee: {  	v58 =	vld [tilespmem:s0+$0xFFFFFF90];
	v59 =	vor.u32 s23, v24;
	[tilespmem:v49+s28+$0x0] =	vst.idx.msk $0xffff, v48  }
0x1ef: {  	[tilespmem:v53+s28+$0x0] =	vst.idx.msk $0xffff, v52;
	v45 =	vld [tilespmem:s0+$0xFFFFFEE0];
	v46 =	vor.u32 s16, v13  }
0x1f0: {  	[tilespmem:v55+s28+$0x0] =	vst.idx.msk $0xffff, v54;
	v47 =	vld [tilespmem:s0+$0xFFFFFF20];
	v48 =	vor.u32 s17, v17  }
0x1f1: {  	v51 =	vor.u32 s25, v30;
	[tilespmem:v57+s28+$0x0] =	vst.idx.msk $0xffff, v56;
	v32 =	vld [tilespmem:s0+$0xFFFFFFF0]  }
0x1f2: {  	v53 =	vld [tilespmem:s0+$0xFFFFFC20];
	v54 =	vor.u32 s18, v1;
	[tilespmem:v61+s28+$0x0] =	vst.idx.msk $0xffff, v60  }
0x1f3: {  	v56 =	vor.u32 s1, v6;
	v55 =	vld [tilespmem:s0+$0xFFFFFC70];
	[tilespmem:v59+s28+$0x0] =	vst.idx.msk $0xffff, v58  }
0x1f4: {  	v58 =	vld [tilespmem:s0+$0xFFFFFE20];
	v59 =	vor.u32 s12, v1;
	[tilespmem:v46+s28+$0x0] =	vst.idx.msk $0xffff, v45  }
0x1f5: {  	[tilespmem:v48+s28+$0x0] =	vst.idx.msk $0xffff, v47;
	v45 =	vld [tilespmem:s0+$0xFFFFFDB0];
	v46 =	vor.u32 s9, v26  }
0x1f6: {  	v50 =	vld [tilespmem:s0+$0xFFFFFD20];
	[tilespmem:v51+s28+$0x0] =	vst.idx.msk $0xffff, v32;
	v51 =	vor.u32 s8, v17  }
0x1f7: {  	[tilespmem:v54+s28+$0x0] =	vst.idx.msk $0xffff, v53;
	v47 =	vld [tilespmem:s0+$0xFFFFFDF0];
	v48 =	vor.u32 s10, v30  }
0x1f8: {  	[tilespmem:v56+s28+$0x0] =	vst.idx.msk $0xffff, v55;
	v55 =	vld [tilespmem:s0+$0xFFFFFEF0];
	v56 =	vor.u32 s16, v14  }
0x1f9: {  	v62 =	vor.u32 s25, v31;
	v32 =	vld [tilespmem:s0+$0x0];
	[tilespmem:v59+s28+$0x0] =	vst.idx.msk $0xffff, v58  }
0x1fa: {  	v57 =	vld [tilespmem:s0+$0xFFFFFCB0];
	v58 =	vor.u32 s5, v10;
	[tilespmem:v46+s28+$0x0] =	vst.idx.msk $0xffff, v45  }
0x1fb: {  	v49 =	vld [tilespmem:s0+$0xFFFFFF60];
	[tilespmem:v51+s28+$0x0] =	vst.idx.msk $0xffff, v50;
	v50 =	vor.u32 s22, v21  }
0x1fc: {  	v52 =	vor.u32 s23, v25;
	[tilespmem:v48+s28+$0x0] =	vst.idx.msk $0xffff, v47;
	v51 =	vld [tilespmem:s0+$0xFFFFFFA0]  }
0x1fd: {  	v60 =	vor.u32 s7, v14;
	v59 =	vld [tilespmem:s0+$0xFFFFFCF0];
	[tilespmem:v56+s28+$0x0] =	vst.idx.msk $0xffff, v55  }
0x1fe: {  	v63 =	vor.u32 s14, v9;
	[tilespmem:v62+s28+$0x0] =	vst.idx.msk $0xffff, v32;
	v62 =	vld [tilespmem:s0+$0xFFFFFEA0]  }
0x1ff: {  	[tilespmem:v58+s28+$0x0] =	vst.idx.msk $0xffff, v57;
	v57 =	vld [tilespmem:s0+$0xFFFFFF30];
	v58 =	vor.u32 s17, v18  }
0x200: {  	[tilespmem:v50+s28+$0x0] =	vst.idx.msk $0xffff, v49;
	v49 =	vld [tilespmem:s0+$0xFFFFFE30];
	v50 =	vor.u32 s12, v2  }
0x201: {  	[tilespmem:v52+s28+$0x0] =	vst.idx.msk $0xffff, v51;
	v51 =	vld [tilespmem:s0+$0xFFFFFE70];
	v52 =	vor.u32 s13, v6  }
0x202: {  	v47 =	vor.u32 s5, v11;
	[tilespmem:v60+s28+$0x0] =	vst.idx.msk $0xffff, v59;
	v46 =	vld [tilespmem:s0+$0xFFFFFCC0]  }
0x203: {  	v61 =	vld [tilespmem:s0+$0xFFFFFD30];
	[tilespmem:v63+s28+$0x0] =	vst.idx.msk $0xffff, v62;
	v62 =	vor.u32 s8, v18  }
0x204: {  	v44 =	vor.u32 s2, v22;
	v63 =	vld [tilespmem:s0+$0xFFFFFD70];
	[tilespmem:v58+s28+$0x0] =	vst.idx.msk $0xffff, v57  }
0x205: {  	v60 =	vor.u32 s22, v22;
	v59 =	vld [tilespmem:s0+$0xFFFFFF70];
	[tilespmem:v50+s28+$0x0] =	vst.idx.msk $0xffff, v49  }
0x206: {  	v54 =	vor.u32 s14, v10;
	v53 =	vld [tilespmem:s0+$0xFFFFFEB0];
	[tilespmem:v52+s28+$0x0] =	vst.idx.msk $0xffff, v51  }
0x207: {  	v56 =	vld [tilespmem:s0+$0xFFFFFE00];
	v57 =	vor.u32 s10, v31;
	[tilespmem:v47+s28+$0x0] =	vst.idx.msk $0xffff, v46  }
0x208: {  	v48 =	vld [tilespmem:s0+$0xFFFFFD00];
	v49 =	vor.u32 s7, v15;
	[tilespmem:v62+s28+$0x0] =	vst.idx.msk $0xffff, v61  }
0x209: {  	[tilespmem:v44+s28+$0x0] =	vst.idx.msk $0xffff, v63;
	v61 =	vld [tilespmem:s0+$0xFFFFFFB0];
	v62 =	vor.u32 s23, v26  }
0x20a: {  	v42 =	vld [tilespmem:s0+$0xFFFFFC30];
	v63 =	vor.u32 s18, v2;
	[tilespmem:v60+s28+$0x0] =	vst.idx.msk $0xffff, v59  }
0x20b: {  	v45 =	vor.u32 s1, v7;
	v44 =	vld [tilespmem:s0+$0xFFFFFC80];
	[tilespmem:v54+s28+$0x0] =	vst.idx.msk $0xffff, v53  }
0x20c: {  	v58 =	vld [tilespmem:s0+$0xFFFFFE40];
	v59 =	vor.u32 s12, v3;
	[tilespmem:v57+s28+$0x0] =	vst.idx.msk $0xffff, v56  }
0x20d: {  	v51 =	vor.u32 s8, v19;
	v50 =	vld [tilespmem:s0+$0xFFFFFD40];
	[tilespmem:v49+s28+$0x0] =	vst.idx.msk $0xffff, v48  }
0x20e: {  	v52 =	vld [tilespmem:s0+$0xFFFFFD80];
	v53 =	vor.u32 s2, v23;
	[tilespmem:v62+s28+$0x0] =	vst.idx.msk $0xffff, v61  }
0x20f: {  	v55 =	vor.u32 s9, v27;
	v54 =	vld [tilespmem:s0+$0xFFFFFDC0];
	[tilespmem:v63+s28+$0x0] =	vst.idx.msk $0xffff, v42  }
0x210: {  	v60 =	vld [tilespmem:s0+$0xFFFFFE80];
	[tilespmem:v45+s28+$0x0] =	vst.idx.msk $0xffff, v44;
	v61 =	vor.u32 s13, v7  }
0x211: {  	v62 =	vld [tilespmem:s0+$0xFFFFFEC0];
	v63 =	vor.u32 s14, v11;
	[tilespmem:v59+s28+$0x0] =	vst.idx.msk $0xffff, v58  }
0x212: {  	v41 =	vor.u32 s16, v15;
	v39 =	vld [tilespmem:s0+$0xFFFFFF00];
	[tilespmem:v51+s28+$0x0] =	vst.idx.msk $0xffff, v50  }
0x213: {  	v40 =	vor.u32 s17, v19;
	v37 =	vld [tilespmem:s0+$0xFFFFFF40];
	[tilespmem:v53+s28+$0x0] =	vst.idx.msk $0xffff, v52  }
0x214: {  	v38 =	vor.u32 s22, v23;
	v32 =	vld [tilespmem:s0+$0xFFFFFF80];
	[tilespmem:v55+s28+$0x0] =	vst.idx.msk $0xffff, v54  }
0x215: {  	v35 =	vor.u32 s23, v27;
	s25 =	simm.s32 $0x1F;
	v33 =	vld [tilespmem:s0+$0xFFFFFFC0];
	[tilespmem:v61+s28+$0x0] =	vst.idx.msk $0xffff, v60  }
0x216: {  	v36 =	vor.u32 s18, v3;
	s5 =	simm.s32 $0x10;
	s9 =	simm.s32 $0xABF0;
	s12 =	simm.s32 $0x20;
	v34 =	vld [tilespmem:s0+$0xFFFFFC40];
	[tilespmem:v63+s28+$0x0] =	vst.idx.msk $0xffff, v62  }
.LBB2_15:
0x217: {  	p2 =	slt.u32 s12, $0x70;
	s0 =	sadd.s32 $0x1, s5;
	v42 =	vld [tilespmem:s9+$0xFFFFFFD0];
	v43 =	vor.u32 s25, v28;
	[tilespmem:v41+s28+$0x0] =	vst.idx.msk $0xffff, v39;
	s1 =	smov.u32 s5  }
0x218: {  	s5 =	smov.u32 s12;
	v39 =	vld [tilespmem:s9+$0xFFFFFC50];
	v41 =	vor.u32 s0, v4;
	s13 =	sadd.s32 $0x2, s1;
	[tilespmem:v40+s28+$0x0] =	vst.idx.msk $0xffff, v37  }
0x219: {  	s14 =	sadd.s32 $0x3, s1;
	v37 =	vld [tilespmem:s9+$0xFFFFFC90];
	v40 =	vor.u32 s13, v8;
	[tilespmem:v38+s28+$0x0] =	vst.idx.msk $0xffff, v32  }
0x21a: {  	s16 =	sadd.s32 $0x4, s1;
	v38 =	vor.u32 s14, v12;
	v32 =	vld [tilespmem:s9+$0xFFFFFCD0];
	[tilespmem:v35+s28+$0x0] =	vst.idx.msk $0xffff, v33  }
0x21b: {  	s17 =	sadd.s32 $0x5, s1;
	v35 =	vor.u32 s16, v16;
	v33 =	vld [tilespmem:s9+$0xFFFFFD10];
	[tilespmem:v36+s28+$0x0] =	vst.idx.msk $0xffff, v34  }
0x21c: {  	v36 =	vor.u32 s17, v20;
	v34 =	vld [tilespmem:s9+$0xFFFFFD50];
	[tilespmem:v43+s28+$0x0] =	vst.idx.msk $0xffff, v42  }
0x21d: {  	s2 =	sadd.s32 $0x6, s1;
	[tilespmem:v41+s28+$0x0] =	vst.idx.msk $0xffff, v39;
	v39 =	vld [tilespmem:s9+$0xFFFFFFE0];
	v41 =	vor.u32 s25, v29  }
0x21e: {  	s7 =	sadd.s32 $0x7, s1;
	[tilespmem:v40+s28+$0x0] =	vst.idx.msk $0xffff, v37;
	v37 =	vld [tilespmem:s9+$0xFFFFFD90];
	v40 =	vor.u32 s2, v24  }
0x21f: {  	s8 =	sadd.s32 $0x8, s1;
	[tilespmem:v38+s28+$0x0] =	vst.idx.msk $0xffff, v32;
	v32 =	vld [tilespmem:s9+$0xFFFFFDD0];
	v38 =	vor.u32 s7, v28  }
0x220: {  	s23 =	sadd.s32 $0x9, s1;
	[tilespmem:v35+s28+$0x0] =	vst.idx.msk $0xffff, v33;
	v33 =	vld [tilespmem:s9+$0xFFFFFE10];
	v35 =	vor.u32 s8, v0  }
0x221: {  	s26 =	sadd.s32 $0xA, s1;
	[tilespmem:v36+s28+$0x0] =	vst.idx.msk $0xffff, v34;
	v34 =	vld [tilespmem:s9+$0xFFFFFE50];
	v36 =	vor.u32 s23, v4  }
0x222: {  	v43 =	vor.u32 s26, v8;
	v42 =	vld [tilespmem:s9+$0xFFFFFE90];
	[tilespmem:v41+s28+$0x0] =	vst.idx.msk $0xffff, v39  }
0x223: {  	s30 =	sadd.s32 $0xB, s1;
	v39 =	vor.u32 s25, v30;
	[tilespmem:v40+s28+$0x0] =	vst.idx.msk $0xffff, v37;
	v37 =	vld [tilespmem:s9+$0xFFFFFFF0]  }
0x224: {  	s10 =	sadd.s32 $0xC, s1;
	[tilespmem:v38+s28+$0x0] =	vst.idx.msk $0xffff, v32;
	v32 =	vld [tilespmem:s9+$0xFFFFFED0];
	v38 =	vor.u32 s30, v12  }
0x225: {  	s18 =	sadd.s32 $0xD, s1;
	[tilespmem:v35+s28+$0x0] =	vst.idx.msk $0xffff, v33;
	v33 =	vld [tilespmem:s9+$0xFFFFFF10];
	v35 =	vor.u32 s10, v16  }
0x226: {  	s22 =	sadd.s32 $0xE, s1;
	[tilespmem:v36+s28+$0x0] =	vst.idx.msk $0xffff, v34;
	v34 =	vld [tilespmem:s9+$0xFFFFFF50];
	v36 =	vor.u32 s18, v20  }
0x227: {  	v41 =	vor.u32 s22, v24;
	[tilespmem:v43+s28+$0x0] =	vst.idx.msk $0xffff, v42;
	v40 =	vld [tilespmem:s9+$0xFFFFFF90]  }
0x228: {  	v43 =	vor.u32 s1, v0;
	v42 =	vld [tilespmem:s9+$0xFFFFFC10];
	[tilespmem:v39+s28+$0x0] =	vst.idx.msk $0xffff, v37  }
0x229: {  	v37 =	vor.u32 s25, v31;
	[tilespmem:v38+s28+$0x0] =	vst.idx.msk $0xffff, v32;
	v32 =	vld [tilespmem:s9+$0x0]  }
0x22a: {  	v39 =	vor.u32 s0, v5;
	v38 =	vld [tilespmem:s9+$0xFFFFFC60];
	[tilespmem:v35+s28+$0x0] =	vst.idx.msk $0xffff, v33  }
0x22b: {  	v35 =	vor.u32 s13, v9;
	v33 =	vld [tilespmem:s9+$0xFFFFFCA0];
	[tilespmem:v36+s28+$0x0] =	vst.idx.msk $0xffff, v34  }
0x22c: {  	v36 =	vor.u32 s14, v13;
	v34 =	vld [tilespmem:s9+$0xFFFFFCE0];
	[tilespmem:v41+s28+$0x0] =	vst.idx.msk $0xffff, v40  }
0x22d: {  	v41 =	vor.u32 s16, v17;
	[tilespmem:v43+s28+$0x0] =	vst.idx.msk $0xffff, v42;
	v40 =	vld [tilespmem:s9+$0xFFFFFD20]  }
0x22e: {  	v43 =	vor.u32 s17, v21;
	v42 =	vld [tilespmem:s9+$0xFFFFFD60];
	[tilespmem:v37+s28+$0x0] =	vst.idx.msk $0xffff, v32  }
0x22f: {  	v37 =	vor.u32 s2, v25;
	[tilespmem:v39+s28+$0x0] =	vst.idx.msk $0xffff, v38;
	v32 =	vld [tilespmem:s9+$0xFFFFFDA0]  }
0x230: {  	[tilespmem:v35+s28+$0x0] =	vst.idx.msk $0xffff, v33;
	v33 =	vld [tilespmem:s9+$0xFFFFFDE0];
	v35 =	vor.u32 s7, v29  }
0x231: {  	[tilespmem:v36+s28+$0x0] =	vst.idx.msk $0xffff, v34;
	v34 =	vld [tilespmem:s9+$0xFFFFFE20];
	v36 =	vor.u32 s8, v1  }
0x232: {  	v39 =	vor.u32 s23, v5;
	[tilespmem:v41+s28+$0x0] =	vst.idx.msk $0xffff, v40;
	v38 =	vld [tilespmem:s9+$0xFFFFFE60]  }
0x233: {  	v41 =	vor.u32 s26, v9;
	[tilespmem:v43+s28+$0x0] =	vst.idx.msk $0xffff, v42;
	v40 =	vld [tilespmem:s9+$0xFFFFFEA0]  }
0x234: {  	[tilespmem:v37+s28+$0x0] =	vst.idx.msk $0xffff, v32;
	v32 =	vld [tilespmem:s9+$0xFFFFFEE0];
	v37 =	vor.u32 s30, v13  }
0x235: {  	[tilespmem:v35+s28+$0x0] =	vst.idx.msk $0xffff, v33;
	v33 =	vld [tilespmem:s9+$0xFFFFFF20];
	v35 =	vor.u32 s10, v17  }
0x236: {  	[tilespmem:v36+s28+$0x0] =	vst.idx.msk $0xffff, v34;
	v34 =	vld [tilespmem:s9+$0xFFFFFF60];
	v36 =	vor.u32 s18, v21  }
0x237: {  	[tilespmem:v39+s28+$0x0] =	vst.idx.msk $0xffff, v38;
	v38 =	vld [tilespmem:s9+$0xFFFFFFA0];
	v39 =	vor.u32 s22, v25  }
0x238: {  	v43 =	vor.u32 s1, v1;
	v42 =	vld [tilespmem:s9+$0xFFFFFC20];
	[tilespmem:v41+s28+$0x0] =	vst.idx.msk $0xffff, v40  }
0x239: {  	v41 =	vor.u32 s0, v6;
	v40 =	vld [tilespmem:s9+$0xFFFFFC70];
	[tilespmem:v37+s28+$0x0] =	vst.idx.msk $0xffff, v32  }
0x23a: {  	v37 =	vor.u32 s13, v10;
	v32 =	vld [tilespmem:s9+$0xFFFFFCB0];
	[tilespmem:v35+s28+$0x0] =	vst.idx.msk $0xffff, v33  }
0x23b: {  	v35 =	vor.u32 s14, v14;
	v33 =	vld [tilespmem:s9+$0xFFFFFCF0];
	[tilespmem:v36+s28+$0x0] =	vst.idx.msk $0xffff, v34  }
0x23c: {  	v36 =	vor.u32 s16, v18;
	v34 =	vld [tilespmem:s9+$0xFFFFFD30];
	[tilespmem:v39+s28+$0x0] =	vst.idx.msk $0xffff, v38  }
0x23d: {  	v39 =	vor.u32 s17, v22;
	[tilespmem:v43+s28+$0x0] =	vst.idx.msk $0xffff, v42;
	v38 =	vld [tilespmem:s9+$0xFFFFFD70]  }
0x23e: {  	[tilespmem:v41+s28+$0x0] =	vst.idx.msk $0xffff, v40;
	v40 =	vld [tilespmem:s9+$0xFFFFFDB0];
	v41 =	vor.u32 s2, v26  }
0x23f: {  	[tilespmem:v37+s28+$0x0] =	vst.idx.msk $0xffff, v32;
	v32 =	vld [tilespmem:s9+$0xFFFFFDF0];
	v37 =	vor.u32 s7, v30  }
0x240: {  	[tilespmem:v35+s28+$0x0] =	vst.idx.msk $0xffff, v33;
	v33 =	vld [tilespmem:s9+$0xFFFFFE30];
	v35 =	vor.u32 s8, v2  }
0x241: {  	[tilespmem:v36+s28+$0x0] =	vst.idx.msk $0xffff, v34;
	v34 =	vld [tilespmem:s9+$0xFFFFFE70];
	v36 =	vor.u32 s23, v6  }
0x242: {  	[tilespmem:v39+s28+$0x0] =	vst.idx.msk $0xffff, v38;
	v38 =	vld [tilespmem:s9+$0xFFFFFEB0];
	v39 =	vor.u32 s26, v10  }
0x243: {  	[tilespmem:v41+s28+$0x0] =	vst.idx.msk $0xffff, v40;
	v40 =	vld [tilespmem:s9+$0xFFFFFEF0];
	v41 =	vor.u32 s30, v14  }
0x244: {  	[tilespmem:v37+s28+$0x0] =	vst.idx.msk $0xffff, v32;
	v32 =	vld [tilespmem:s9+$0xFFFFFF30];
	v37 =	vor.u32 s10, v18  }
0x245: {  	[tilespmem:v35+s28+$0x0] =	vst.idx.msk $0xffff, v33;
	v33 =	vld [tilespmem:s9+$0xFFFFFF70];
	v35 =	vor.u32 s18, v22  }
0x246: {  	[tilespmem:v36+s28+$0x0] =	vst.idx.msk $0xffff, v34;
	v34 =	vld [tilespmem:s9+$0xFFFFFFB0];
	v36 =	vor.u32 s22, v26  }
0x247: {  	v43 =	vor.u32 s1, v2;
	v42 =	vld [tilespmem:s9+$0xFFFFFC30];
	[tilespmem:v39+s28+$0x0] =	vst.idx.msk $0xffff, v38  }
0x248: {  	v39 =	vor.u32 s0, v7;
	v38 =	vld [tilespmem:s9+$0xFFFFFC80];
	[tilespmem:v41+s28+$0x0] =	vst.idx.msk $0xffff, v40  }
0x249: {  	v41 =	vor.u32 s13, v11;
	v40 =	vld [tilespmem:s9+$0xFFFFFCC0];
	[tilespmem:v37+s28+$0x0] =	vst.idx.msk $0xffff, v32  }
0x24a: {  	v37 =	vor.u32 s14, v15;
	v32 =	vld [tilespmem:s9+$0xFFFFFD00];
	[tilespmem:v35+s28+$0x0] =	vst.idx.msk $0xffff, v33  }
0x24b: {  	v35 =	vor.u32 s16, v19;
	v33 =	vld [tilespmem:s9+$0xFFFFFD40];
	[tilespmem:v36+s28+$0x0] =	vst.idx.msk $0xffff, v34  }
0x24c: {  	v36 =	vor.u32 s17, v23;
	[tilespmem:v43+s28+$0x0] =	vst.idx.msk $0xffff, v42;
	v34 =	vld [tilespmem:s9+$0xFFFFFD80]  }
0x24d: {  	[tilespmem:v39+s28+$0x0] =	vst.idx.msk $0xffff, v38;
	v38 =	vld [tilespmem:s9+$0xFFFFFDC0];
	v39 =	vor.u32 s2, v27  }
0x24e: {  	v42 =	vor.u32 s7, v31;
	[tilespmem:v41+s28+$0x0] =	vst.idx.msk $0xffff, v40;
	v40 =	vld [tilespmem:s9+$0xFFFFFE00]  }
0x24f: {  	v43 =	vor.u32 s8, v3;
	[tilespmem:v37+s28+$0x0] =	vst.idx.msk $0xffff, v32;
	v32 =	vld [tilespmem:s9+$0xFFFFFE40]  }
0x250: {  	[tilespmem:v35+s28+$0x0] =	vst.idx.msk $0xffff, v33;
	v33 =	vld [tilespmem:s9+$0xFFFFFE80];
	v35 =	vor.u32 s23, v7  }
0x251: {  	v45 =	vor.u32 s26, v11;
	[tilespmem:v36+s28+$0x0] =	vst.idx.msk $0xffff, v34;
	v44 =	vld [tilespmem:s9+$0xFFFFFEC0]  }
.Ltmp8:
0x252: {  	v41 =	vor.u32 s30, v15;
	[tilespmem:v39+s28+$0x0] =	vst.idx.msk $0xffff, v38;
	v39 =	vld [tilespmem:s9+$0xFFFFFF00];
	(pc) =	sbr.rel @p2 .LBB2_15-.Ltmp8, $4  }
0x253: {  	[tilespmem:v42+s28+$0x0] =	vst.idx.msk $0xffff, v40;
	v37 =	vld [tilespmem:s9+$0xFFFFFF40];
	v40 =	vor.u32 s10, v19  }
0x254: {  	v38 =	vor.u32 s18, v23;
	[tilespmem:v43+s28+$0x0] =	vst.idx.msk $0xffff, v32;
	v32 =	vld [tilespmem:s9+$0xFFFFFF80]  }
0x255: {  	[tilespmem:v35+s28+$0x0] =	vst.idx.msk $0xffff, v33;
	v33 =	vld [tilespmem:s9+$0xFFFFFFC0];
	v35 =	vor.u32 s22, v27  }
0x256: {  	s12 =	sadd.s32 $0x10, s12;
	s25 =	sadd.s32 $0xF, s5;
	v36 =	vor.u32 s1, v3;
	v34 =	vld [tilespmem:s9+$0xFFFFFC40];
	[tilespmem:v45+s28+$0x0] =	vst.idx.msk $0xffff, v44;
	s9 =	sadd.s32 $0x400, s9  }
0x257: {  	_ =	sdelay $0x3  }
0x258: {  	s0 =	sadd.s32 $0x1, s5;
	v42 =	vld [tilespmem:s9+$0xFFFFFFD0];
	v43 =	vor.u32 s25, v28;
	[tilespmem:v41+s28+$0x0] =	vst.idx.msk $0xffff, v39  }
0x259: {  	v57 =	vld [tilespmem:s9+$0xFFFFFC50];
	s1 =	sadd.s32 $0x2, s5;
	v58 =	vor.u32 s0, v4;
	[tilespmem:v40+s28+$0x0] =	vst.idx.msk $0xffff, v37  }
0x25a: {  	v59 =	vld [tilespmem:s9+$0xFFFFFC90];
	s2 =	sadd.s32 $0x3, s5;
	v60 =	vor.u32 s1, v8;
	[tilespmem:v38+s28+$0x0] =	vst.idx.msk $0xffff, v32  }
0x25b: {  	v61 =	vld [tilespmem:s9+$0xFFFFFCD0];
	s7 =	sadd.s32 $0x4, s5;
	v62 =	vor.u32 s2, v12;
	[tilespmem:v35+s28+$0x0] =	vst.idx.msk $0xffff, v33  }
0x25c: {  	v63 =	vld [tilespmem:s9+$0xFFFFFD10];
	s8 =	sadd.s32 $0x5, s5;
	v44 =	vor.u32 s7, v16;
	[tilespmem:v36+s28+$0x0] =	vst.idx.msk $0xffff, v34  }
0x25d: {  	v45 =	vld [tilespmem:s9+$0xFFFFFD50];
	s10 =	sadd.s32 $0x6, s5;
	v46 =	vor.u32 s8, v20;
	[tilespmem:v43+s28+$0x0] =	vst.idx.msk $0xffff, v42  }
0x25e: {  	v49 =	vld [tilespmem:s9+$0xFFFFFD90];
	s12 =	sadd.s32 $0x7, s5;
	v50 =	vor.u32 s10, v24;
	[tilespmem:v58+s28+$0x0] =	vst.idx.msk $0xffff, v57  }
0x25f: {  	v51 =	vld [tilespmem:s9+$0xFFFFFDD0];
	s13 =	sadd.s32 $0x8, s5;
	v52 =	vor.u32 s12, v28;
	[tilespmem:v60+s28+$0x0] =	vst.idx.msk $0xffff, v59  }
0x260: {  	v53 =	vld [tilespmem:s9+$0xFFFFFE10];
	s14 =	sadd.s32 $0x9, s5;
	v54 =	vor.u32 s13, v0;
	[tilespmem:v62+s28+$0x0] =	vst.idx.msk $0xffff, v61  }
0x261: {  	v55 =	vld [tilespmem:s9+$0xFFFFFE50];
	v56 =	vor.u32 s14, v4;
	[tilespmem:v44+s28+$0x0] =	vst.idx.msk $0xffff, v63  }
0x262: {  	v48 =	vor.u32 s25, v29;
	s16 =	sadd.s32 $0xA, s5;
	v47 =	vld [tilespmem:s9+$0xFFFFFFE0];
	[tilespmem:v46+s28+$0x0] =	vst.idx.msk $0xffff, v45  }
0x263: {  	s17 =	sadd.s32 $0xB, s5;
	v57 =	vld [tilespmem:s9+$0xFFFFFE90];
	v58 =	vor.u32 s16, v8;
	[tilespmem:v50+s28+$0x0] =	vst.idx.msk $0xffff, v49  }
0x264: {  	s18 =	sadd.s32 $0xC, s5;
	[tilespmem:v52+s28+$0x0] =	vst.idx.msk $0xffff, v51;
	v61 =	vld [tilespmem:s9+$0xFFFFFED0];
	v62 =	vor.u32 s17, v12  }
0x265: {  	[tilespmem:v54+s28+$0x0] =	vst.idx.msk $0xffff, v53;
	v63 =	vld [tilespmem:s9+$0xFFFFFF10];
	v45 =	vor.u32 s18, v16  }
0x266: {  	[tilespmem:v56+s28+$0x0] =	vst.idx.msk $0xffff, v55;
	v50 =	vld [tilespmem:s9+$0xFFFFFC10];
	v51 =	vor.u32 s5, v0  }
0x267: {  	s22 =	sadd.s32 $0xD, s5;
	v55 =	vor.u32 s0, v5;
	v54 =	vld [tilespmem:s9+$0xFFFFFC60];
	[tilespmem:v48+s28+$0x0] =	vst.idx.msk $0xffff, v47  }
0x268: {  	s23 =	sadd.s32 $0xE, s5;
	v46 =	vld [tilespmem:s9+$0xFFFFFF50];
	v47 =	vor.u32 s22, v20;
	[tilespmem:v58+s28+$0x0] =	vst.idx.msk $0xffff, v57  }
0x269: {  	v49 =	vor.u32 s23, v24;
	v48 =	vld [tilespmem:s9+$0xFFFFFF90];
	[tilespmem:v62+s28+$0x0] =	vst.idx.msk $0xffff, v61  }
0x26a: {  	v56 =	vld [tilespmem:s9+$0xFFFFFCA0];
	[tilespmem:v45+s28+$0x0] =	vst.idx.msk $0xffff, v63;
	v57 =	vor.u32 s1, v9  }
0x26b: {  	[tilespmem:v51+s28+$0x0] =	vst.idx.msk $0xffff, v50;
	v62 =	vld [tilespmem:s9+$0xFFFFFD60];
	v63 =	vor.u32 s8, v21  }
0x26c: {  	v44 =	vld [tilespmem:s9+$0xFFFFFDA0];
	v45 =	vor.u32 s10, v25;
	[tilespmem:v55+s28+$0x0] =	vst.idx.msk $0xffff, v54  }
0x26d: {  	v50 =	vld [tilespmem:s9+$0xFFFFFE60];
	v51 =	vor.u32 s14, v5;
	[tilespmem:v47+s28+$0x0] =	vst.idx.msk $0xffff, v46  }
0x26e: {  	v60 =	vor.u32 s25, v30;
	v59 =	vld [tilespmem:s9+$0xFFFFFFF0];
	[tilespmem:v49+s28+$0x0] =	vst.idx.msk $0xffff, v48  }
0x26f: {  	v54 =	vld [tilespmem:s9+$0xFFFFFEE0];
	v55 =	vor.u32 s17, v13;
	[tilespmem:v57+s28+$0x0] =	vst.idx.msk $0xffff, v56  }
0x270: {  	v46 =	vld [tilespmem:s9+$0xFFFFFDE0];
	v47 =	vor.u32 s12, v29;
	[tilespmem:v63+s28+$0x0] =	vst.idx.msk $0xffff, v62  }
0x271: {  	v48 =	vld [tilespmem:s9+$0xFFFFFE20];
	v49 =	vor.u32 s13, v1;
	[tilespmem:v45+s28+$0x0] =	vst.idx.msk $0xffff, v44  }
0x272: {  	v56 =	vld [tilespmem:s9+$0xFFFFFF20];
	v57 =	vor.u32 s18, v17;
	[tilespmem:v51+s28+$0x0] =	vst.idx.msk $0xffff, v50  }
0x273: {  	v62 =	vld [tilespmem:s9+$0xFFFFFC20];
	v63 =	vor.u32 s5, v1;
	[tilespmem:v60+s28+$0x0] =	vst.idx.msk $0xffff, v59  }
0x274: {  	v58 =	vld [tilespmem:s9+$0xFFFFFCE0];
	v59 =	vor.u32 s2, v13;
	[tilespmem:v55+s28+$0x0] =	vst.idx.msk $0xffff, v54  }
0x275: {  	v61 =	vor.u32 s7, v17;
	v60 =	vld [tilespmem:s9+$0xFFFFFD20];
	[tilespmem:v47+s28+$0x0] =	vst.idx.msk $0xffff, v46  }
0x276: {  	v53 =	vor.u32 s25, v31;
	v52 =	vld [tilespmem:s9+$0x0];
	[tilespmem:v49+s28+$0x0] =	vst.idx.msk $0xffff, v48  }
0x277: {  	v45 =	vld [tilespmem:s9+$0xFFFFFC70];
	v46 =	vor.u32 s0, v6;
	[tilespmem:v57+s28+$0x0] =	vst.idx.msk $0xffff, v56  }
0x278: {  	v47 =	vld [tilespmem:s9+$0xFFFFFCB0];
	v48 =	vor.u32 s1, v10;
	[tilespmem:v63+s28+$0x0] =	vst.idx.msk $0xffff, v62  }
0x279: {  	v55 =	vld [tilespmem:s9+$0xFFFFFDB0];
	v56 =	vor.u32 s10, v26;
	[tilespmem:v59+s28+$0x0] =	vst.idx.msk $0xffff, v58  }
0x27a: {  	[tilespmem:v61+s28+$0x0] =	vst.idx.msk $0xffff, v60;
	v58 =	vld [tilespmem:s9+$0xFFFFFF60];
	v59 =	vor.u32 s22, v21  }
0x27b: {  	v60 =	vld [tilespmem:s9+$0xFFFFFFA0];
	v61 =	vor.u32 s23, v25;
	[tilespmem:v53+s28+$0x0] =	vst.idx.msk $0xffff, v52  }
0x27c: {  	v52 =	vld [tilespmem:s9+$0xFFFFFEA0];
	v53 =	vor.u32 s16, v9;
	[tilespmem:v46+s28+$0x0] =	vst.idx.msk $0xffff, v45  }
0x27d: {  	v50 =	vor.u32 s2, v14;
	v49 =	vld [tilespmem:s9+$0xFFFFFCF0];
	[tilespmem:v48+s28+$0x0] =	vst.idx.msk $0xffff, v47  }
0x27e: {  	[tilespmem:v56+s28+$0x0] =	vst.idx.msk $0xffff, v55;
	v46 =	vld [tilespmem:s9+$0xFFFFFEF0];
	v47 =	vor.u32 s17, v14  }
0x27f: {  	v57 =	vld [tilespmem:s9+$0xFFFFFDF0];
	[tilespmem:v59+s28+$0x0] =	vst.idx.msk $0xffff, v58;
	v58 =	vor.u32 s12, v30  }
0x280: {  	[tilespmem:v61+s28+$0x0] =	vst.idx.msk $0xffff, v60;
	v59 =	vld [tilespmem:s9+$0xFFFFFE30];
	v60 =	vor.u32 s13, v2  }
0x281: {  	v62 =	vor.u32 s14, v6;
	v61 =	vld [tilespmem:s9+$0xFFFFFE70];
	[tilespmem:v53+s28+$0x0] =	vst.idx.msk $0xffff, v52  }
0x282: {  	v56 =	vor.u32 s0, v7;
	v55 =	vld [tilespmem:s9+$0xFFFFFC80];
	[tilespmem:v50+s28+$0x0] =	vst.idx.msk $0xffff, v49  }
0x283: {  	v51 =	vld [tilespmem:s9+$0xFFFFFD30];
	v52 =	vor.u32 s7, v18;
	[tilespmem:v47+s28+$0x0] =	vst.idx.msk $0xffff, v46  }
0x284: {  	v54 =	vor.u32 s8, v22;
	v53 =	vld [tilespmem:s9+$0xFFFFFD70];
	[tilespmem:v58+s28+$0x0] =	vst.idx.msk $0xffff, v57  }
0x285: {  	v48 =	vld [tilespmem:s9+$0xFFFFFF30];
	v49 =	vor.u32 s18, v18;
	[tilespmem:v60+s28+$0x0] =	vst.idx.msk $0xffff, v59  }
0x286: {  	v45 =	vor.u32 s16, v10;
	v63 =	vld [tilespmem:s9+$0xFFFFFEB0];
	[tilespmem:v62+s28+$0x0] =	vst.idx.msk $0xffff, v61  }
0x287: {  	v57 =	vld [tilespmem:s9+$0xFFFFFCC0];
	v58 =	vor.u32 s1, v11;
	[tilespmem:v56+s28+$0x0] =	vst.idx.msk $0xffff, v55  }
0x288: {  	v59 =	vld [tilespmem:s9+$0xFFFFFD00];
	v60 =	vor.u32 s2, v15;
	[tilespmem:v52+s28+$0x0] =	vst.idx.msk $0xffff, v51  }
0x289: {  	v55 =	vld [tilespmem:s9+$0xFFFFFF00];
	v56 =	vor.u32 s17, v15;
	[tilespmem:v54+s28+$0x0] =	vst.idx.msk $0xffff, v53  }
0x28a: {  	v50 =	vld [tilespmem:s9+$0xFFFFFF70];
	v51 =	vor.u32 s22, v22;
	[tilespmem:v49+s28+$0x0] =	vst.idx.msk $0xffff, v48  }
0x28b: {  	v52 =	vld [tilespmem:s9+$0xFFFFFFB0];
	v53 =	vor.u32 s23, v26;
	[tilespmem:v45+s28+$0x0] =	vst.idx.msk $0xffff, v63  }
0x28c: {  	v42 =	vld [tilespmem:s9+$0xFFFFFC30];
	v54 =	vor.u32 s5, v2;
	[tilespmem:v58+s28+$0x0] =	vst.idx.msk $0xffff, v57  }
0x28d: {  	v47 =	vld [tilespmem:s9+$0xFFFFFE00];
	v48 =	vor.u32 s12, v31;
	[tilespmem:v60+s28+$0x0] =	vst.idx.msk $0xffff, v59  }
0x28e: {  	v62 =	vor.u32 s7, v19;
	v61 =	vld [tilespmem:s9+$0xFFFFFD40];
	[tilespmem:v56+s28+$0x0] =	vst.idx.msk $0xffff, v55  }
0x28f: {  	v44 =	vor.u32 s8, v23;
	v63 =	vld [tilespmem:s9+$0xFFFFFD80];
	[tilespmem:v51+s28+$0x0] =	vst.idx.msk $0xffff, v50  }
0x290: {  	v46 =	vor.u32 s10, v27;
	v45 =	vld [tilespmem:s9+$0xFFFFFDC0];
	[tilespmem:v53+s28+$0x0] =	vst.idx.msk $0xffff, v52  }
0x291: {  	v57 =	vld [tilespmem:s9+$0xFFFFFF40];
	v58 =	vor.u32 s18, v19;
	[tilespmem:v54+s28+$0x0] =	vst.idx.msk $0xffff, v42  }
0x292: {  	v49 =	vld [tilespmem:s9+$0xFFFFFE40];
	v50 =	vor.u32 s13, v3;
	[tilespmem:v48+s28+$0x0] =	vst.idx.msk $0xffff, v47  }
0x293: {  	v51 =	vld [tilespmem:s9+$0xFFFFFE80];
	v52 =	vor.u32 s14, v7;
	[tilespmem:v62+s28+$0x0] =	vst.idx.msk $0xffff, v61  }
0x294: {  	v53 =	vld [tilespmem:s9+$0xFFFFFEC0];
	v54 =	vor.u32 s16, v11;
	[tilespmem:v44+s28+$0x0] =	vst.idx.msk $0xffff, v63  }
0x295: {  	v60 =	vor.u32 s22, v23;
	[tilespmem:v46+s28+$0x0] =	vst.idx.msk $0xffff, v45;
	v59 =	vld [tilespmem:s9+$0xFFFFFF80]  }
0x296: {  	v61 =	vld [tilespmem:s9+$0xFFFFFFC0];
	v62 =	vor.u32 s23, v27;
	[tilespmem:v58+s28+$0x0] =	vst.idx.msk $0xffff, v57  }
0x297: {  	v42 =	vld [tilespmem:s9+$0xFFFFFC40];
	v63 =	vor.u32 s5, v3;
	[tilespmem:v50+s28+$0x0] =	vst.idx.msk $0xffff, v49  }
0x298: {  	[tilespmem:v52+s28+$0x0] =	vst.idx.msk $0xffff, v51  }
0x299: {  	[tilespmem:v54+s28+$0x0] =	vst.idx.msk $0xffff, v53  }
0x29a: {  	[tilespmem:v60+s28+$0x0] =	vst.idx.msk $0xffff, v59  }
.Ltmp9:
0x29b: {  	[tilespmem:v62+s28+$0x0] =	vst.idx.msk $0xffff, v61;
	(pc) =	sbr.rel @p1 .LBB2_18-.Ltmp9, $4  }
0x29c: {  	[tilespmem:v63+s28+$0x0] =	vst.idx.msk $0xffff, v42  }
0x29d: {  	s30 =	rddreg [dreg:$0x5]  }
0x29e: {  	s0 =	sadd.s32 s3, s30  }
0x29f: {  	[hbm4b:s0+s20] =	stream.strided.scatter [tilespmem:s28], [sflag:$0x7], $0x2000, s21, s20, $0x38;
	[tilespmem:$0x16400] =	vst v63  }
.Ltmp10:
0x2a0: {  	(pc) =	sbr.rel .LBB2_19-.Ltmp10, $4  }
0x2a1: {  	_ = 	snop  }
0x2a2: {  	_ =	swait.ge [sflag:s29], $0x2000  }
0x2a3: {  	[sflag:s29] =	ssyncset.done $0x0  }
0x2a4: {  	[sflag:s29] =	ssyncadd.s32 $0xFFFFE000  }
.LBB2_18:
0x2a5: {  	s0 =	sshll.u32 s11, $0x9  }
0x2a6: {  	s1 =	simm.s32 $0x80;
	s0 =	sand.u32 $0x3FFFFE00, s0  }
.Ltmp11:
0x2a7: {  	s2 =	simm.s32 $0xA400;
	s0 =	sadd.s32 $0x300, s0;
	(pc) =	sbr.rel @p0 .LBB2_20-.Ltmp11, $4  }
0x2a8: {  	[tilespmem:s2], [sflag:$0x3] =	stream.indirect.gather [hbm4b:s4+s1], $0x40, s0, s1, $0xb8;
	[tilespmem:$0x16400] =	vst v63  }
0x2a9: {  	_ =	swait.ge [sflag:s29], $0x2000  }
0x2aa: {  	[sflag:s29] =	ssyncset.done $0x0  }
0x2ab: {  	[sflag:s29] =	ssyncadd.s32 $0xFFFFE000  }
.LBB2_19:
0x2ac: {  	s0 =	simm.s32 $0x8  }
0x2ad: {  	_ =	swait.ge [sflag:s0], $0x2000  }
0x2ae: {  	[sflag:s0] =	ssyncset.done $0x0  }
0x2af: {  	[sflag:s0] =	ssyncadd.s32 $0xFFFFE000  }
.LBB2_20:
0x2b0: {  	s0 =	simm.s32 $0xC7F0;
	s23 =	simm.s32 $0xF  }
0x2b1: {  	s1 =	simm.s32 $0x1;
	v32 =	vld [tilespmem:s0+$0xFFFFFFD0];
	v33 =	vor.u32 s23, v28  }
0x2b2: {  	s3 =	simm.s32 $0x2;
	v34 =	vld [tilespmem:s0+$0xFFFFFC50];
	v35 =	vor.u32 s1, v4  }
0x2b3: {  	s5 =	simm.s32 $0x3;
	v36 =	vld [tilespmem:s0+$0xFFFFFC90];
	v37 =	vor.u32 s3, v8  }
0x2b4: {  	s7 =	simm.s32 $0x4;
	v38 =	vld [tilespmem:s0+$0xFFFFFCD0];
	v39 =	vor.u32 s5, v12  }
0x2b5: {  	s2 =	simm.s32 $0x5;
	v40 =	vld [tilespmem:s0+$0xFFFFFD10];
	v41 =	vor.u32 s7, v16  }
0x2b6: {  	s8 =	simm.s32 $0x6;
	v42 =	vld [tilespmem:s0+$0xFFFFFD50];
	v43 =	vor.u32 s2, v20;
	[tilespmem:v33+s31+$0x0] =	vst.idx.msk $0xffff, v32  }
0x2b7: {  	s9 =	simm.s32 $0x7;
	v60 =	vld [tilespmem:s0+$0xFFFFFD90];
	v61 =	vor.u32 s8, v24;
	[tilespmem:v35+s31+$0x0] =	vst.idx.msk $0xffff, v34  }
0x2b8: {  	s10 =	simm.s32 $0x8;
	v62 =	vld [tilespmem:s0+$0xFFFFFDD0];
	v63 =	vor.u32 s9, v28;
	[tilespmem:v37+s31+$0x0] =	vst.idx.msk $0xffff, v36  }
0x2b9: {  	s12 =	simm.s32 $0x9;
	v45 =	vld [tilespmem:s0+$0xFFFFFE10];
	v46 =	vor.u32 s10, v0;
	[tilespmem:v39+s31+$0x0] =	vst.idx.msk $0xffff, v38  }
0x2ba: {  	s13 =	simm.s32 $0xA;
	v47 =	vld [tilespmem:s0+$0xFFFFFE50];
	v48 =	vor.u32 s12, v4;
	[tilespmem:v41+s31+$0x0] =	vst.idx.msk $0xffff, v40  }
0x2bb: {  	s14 =	simm.s32 $0xB;
	v49 =	vld [tilespmem:s0+$0xFFFFFE90];
	v50 =	vor.u32 s13, v8;
	[tilespmem:v43+s31+$0x0] =	vst.idx.msk $0xffff, v42  }
0x2bc: {  	s16 =	simm.s32 $0xC;
	v52 =	vld [tilespmem:s0+$0xFFFFFED0];
	v53 =	vor.u32 s14, v12;
	[tilespmem:v61+s31+$0x0] =	vst.idx.msk $0xffff, v60  }
0x2bd: {  	s18 =	simm.s32 $0xD;
	v54 =	vld [tilespmem:s0+$0xFFFFFF10];
	v55 =	vor.u32 s16, v16;
	[tilespmem:v63+s31+$0x0] =	vst.idx.msk $0xffff, v62  }
0x2be: {  	s17 =	simm.s32 $0x0;
	v56 =	vld [tilespmem:s0+$0xFFFFFF50];
	v57 =	vor.u32 s18, v20;
	[tilespmem:v46+s31+$0x0] =	vst.idx.msk $0xffff, v45  }
0x2bf: {  	[tilespmem:v48+s31+$0x0] =	vst.idx.msk $0xffff, v47;
	v60 =	vld [tilespmem:s0+$0xFFFFFC10];
	v61 =	vor.u32 s17, v0  }
0x2c0: {  	v59 =	vor.u32 s23, v29;
	[tilespmem:v50+s31+$0x0] =	vst.idx.msk $0xffff, v49;
	v32 =	vld [tilespmem:s0+$0xFFFFFFE0]  }
0x2c1: {  	[tilespmem:v53+s31+$0x0] =	vst.idx.msk $0xffff, v52;
	v45 =	vor.u32 s1, v5;
	v63 =	vld [tilespmem:s0+$0xFFFFFC60]  }
0x2c2: {  	[tilespmem:v55+s31+$0x0] =	vst.idx.msk $0xffff, v54;
	v47 =	vor.u32 s3, v9;
	v46 =	vld [tilespmem:s0+$0xFFFFFCA0]  }
0x2c3: {  	[tilespmem:v57+s31+$0x0] =	vst.idx.msk $0xffff, v56;
	v49 =	vor.u32 s5, v13;
	v48 =	vld [tilespmem:s0+$0xFFFFFCE0]  }
0x2c4: {  	v53 =	vor.u32 s2, v21;
	v52 =	vld [tilespmem:s0+$0xFFFFFD60];
	[tilespmem:v61+s31+$0x0] =	vst.idx.msk $0xffff, v60  }
0x2c5: {  	v55 =	vor.u32 s8, v25;
	v54 =	vld [tilespmem:s0+$0xFFFFFDA0];
	[tilespmem:v59+s31+$0x0] =	vst.idx.msk $0xffff, v32  }
0x2c6: {  	v57 =	vor.u32 s9, v29;
	v56 =	vld [tilespmem:s0+$0xFFFFFDE0];
	[tilespmem:v45+s31+$0x0] =	vst.idx.msk $0xffff, v63  }
0x2c7: {  	s22 =	simm.s32 $0xE;
	v60 =	vld [tilespmem:s0+$0xFFFFFE60];
	v61 =	vor.u32 s12, v5;
	[tilespmem:v47+s31+$0x0] =	vst.idx.msk $0xffff, v46  }
0x2c8: {  	v58 =	vld [tilespmem:s0+$0xFFFFFF90];
	v59 =	vor.u32 s22, v24;
	[tilespmem:v49+s31+$0x0] =	vst.idx.msk $0xffff, v48  }
0x2c9: {  	[tilespmem:v53+s31+$0x0] =	vst.idx.msk $0xffff, v52;
	v45 =	vld [tilespmem:s0+$0xFFFFFEE0];
	v46 =	vor.u32 s14, v13  }
0x2ca: {  	[tilespmem:v55+s31+$0x0] =	vst.idx.msk $0xffff, v54;
	v47 =	vld [tilespmem:s0+$0xFFFFFF20];
	v48 =	vor.u32 s16, v17  }
0x2cb: {  	v51 =	vor.u32 s23, v30;
	[tilespmem:v57+s31+$0x0] =	vst.idx.msk $0xffff, v56;
	v32 =	vld [tilespmem:s0+$0xFFFFFFF0]  }
0x2cc: {  	v53 =	vld [tilespmem:s0+$0xFFFFFC20];
	v54 =	vor.u32 s17, v1;
	[tilespmem:v61+s31+$0x0] =	vst.idx.msk $0xffff, v60  }
0x2cd: {  	v56 =	vor.u32 s1, v6;
	v55 =	vld [tilespmem:s0+$0xFFFFFC70];
	[tilespmem:v59+s31+$0x0] =	vst.idx.msk $0xffff, v58  }
0x2ce: {  	v58 =	vld [tilespmem:s0+$0xFFFFFE20];
	v59 =	vor.u32 s10, v1;
	[tilespmem:v46+s31+$0x0] =	vst.idx.msk $0xffff, v45  }
0x2cf: {  	[tilespmem:v48+s31+$0x0] =	vst.idx.msk $0xffff, v47;
	v45 =	vld [tilespmem:s0+$0xFFFFFDB0];
	v46 =	vor.u32 s8, v26  }
0x2d0: {  	v50 =	vld [tilespmem:s0+$0xFFFFFD20];
	[tilespmem:v51+s31+$0x0] =	vst.idx.msk $0xffff, v32;
	v51 =	vor.u32 s7, v17  }
0x2d1: {  	[tilespmem:v54+s31+$0x0] =	vst.idx.msk $0xffff, v53;
	v47 =	vld [tilespmem:s0+$0xFFFFFDF0];
	v48 =	vor.u32 s9, v30  }
0x2d2: {  	[tilespmem:v56+s31+$0x0] =	vst.idx.msk $0xffff, v55;
	v55 =	vld [tilespmem:s0+$0xFFFFFEF0];
	v56 =	vor.u32 s14, v14  }
0x2d3: {  	v62 =	vor.u32 s23, v31;
	v32 =	vld [tilespmem:s0+$0x0];
	[tilespmem:v59+s31+$0x0] =	vst.idx.msk $0xffff, v58  }
0x2d4: {  	v57 =	vld [tilespmem:s0+$0xFFFFFCB0];
	v58 =	vor.u32 s3, v10;
	[tilespmem:v46+s31+$0x0] =	vst.idx.msk $0xffff, v45  }
0x2d5: {  	v49 =	vld [tilespmem:s0+$0xFFFFFF60];
	[tilespmem:v51+s31+$0x0] =	vst.idx.msk $0xffff, v50;
	v50 =	vor.u32 s18, v21  }
0x2d6: {  	v52 =	vor.u32 s22, v25;
	[tilespmem:v48+s31+$0x0] =	vst.idx.msk $0xffff, v47;
	v51 =	vld [tilespmem:s0+$0xFFFFFFA0]  }
0x2d7: {  	v60 =	vor.u32 s5, v14;
	v59 =	vld [tilespmem:s0+$0xFFFFFCF0];
	[tilespmem:v56+s31+$0x0] =	vst.idx.msk $0xffff, v55  }
0x2d8: {  	v63 =	vor.u32 s13, v9;
	[tilespmem:v62+s31+$0x0] =	vst.idx.msk $0xffff, v32;
	v62 =	vld [tilespmem:s0+$0xFFFFFEA0]  }
0x2d9: {  	[tilespmem:v58+s31+$0x0] =	vst.idx.msk $0xffff, v57;
	v57 =	vld [tilespmem:s0+$0xFFFFFF30];
	v58 =	vor.u32 s16, v18  }
0x2da: {  	[tilespmem:v50+s31+$0x0] =	vst.idx.msk $0xffff, v49;
	v49 =	vld [tilespmem:s0+$0xFFFFFE30];
	v50 =	vor.u32 s10, v2  }
0x2db: {  	[tilespmem:v52+s31+$0x0] =	vst.idx.msk $0xffff, v51;
	v51 =	vld [tilespmem:s0+$0xFFFFFE70];
	v52 =	vor.u32 s12, v6  }
0x2dc: {  	v47 =	vor.u32 s3, v11;
	[tilespmem:v60+s31+$0x0] =	vst.idx.msk $0xffff, v59;
	v46 =	vld [tilespmem:s0+$0xFFFFFCC0]  }
0x2dd: {  	v61 =	vld [tilespmem:s0+$0xFFFFFD30];
	[tilespmem:v63+s31+$0x0] =	vst.idx.msk $0xffff, v62;
	v62 =	vor.u32 s7, v18  }
0x2de: {  	v44 =	vor.u32 s2, v22;
	v63 =	vld [tilespmem:s0+$0xFFFFFD70];
	[tilespmem:v58+s31+$0x0] =	vst.idx.msk $0xffff, v57  }
0x2df: {  	v60 =	vor.u32 s18, v22;
	v59 =	vld [tilespmem:s0+$0xFFFFFF70];
	[tilespmem:v50+s31+$0x0] =	vst.idx.msk $0xffff, v49  }
0x2e0: {  	v54 =	vor.u32 s13, v10;
	v53 =	vld [tilespmem:s0+$0xFFFFFEB0];
	[tilespmem:v52+s31+$0x0] =	vst.idx.msk $0xffff, v51  }
0x2e1: {  	v56 =	vld [tilespmem:s0+$0xFFFFFE00];
	v57 =	vor.u32 s9, v31;
	[tilespmem:v47+s31+$0x0] =	vst.idx.msk $0xffff, v46  }
0x2e2: {  	v48 =	vld [tilespmem:s0+$0xFFFFFD00];
	v49 =	vor.u32 s5, v15;
	[tilespmem:v62+s31+$0x0] =	vst.idx.msk $0xffff, v61  }
0x2e3: {  	[tilespmem:v44+s31+$0x0] =	vst.idx.msk $0xffff, v63;
	v61 =	vld [tilespmem:s0+$0xFFFFFFB0];
	v62 =	vor.u32 s22, v26  }
0x2e4: {  	v42 =	vld [tilespmem:s0+$0xFFFFFC30];
	v63 =	vor.u32 s17, v2;
	[tilespmem:v60+s31+$0x0] =	vst.idx.msk $0xffff, v59  }
0x2e5: {  	v45 =	vor.u32 s1, v7;
	v44 =	vld [tilespmem:s0+$0xFFFFFC80];
	[tilespmem:v54+s31+$0x0] =	vst.idx.msk $0xffff, v53  }
0x2e6: {  	v58 =	vld [tilespmem:s0+$0xFFFFFE40];
	v59 =	vor.u32 s10, v3;
	[tilespmem:v57+s31+$0x0] =	vst.idx.msk $0xffff, v56  }
0x2e7: {  	v51 =	vor.u32 s7, v19;
	v50 =	vld [tilespmem:s0+$0xFFFFFD40];
	[tilespmem:v49+s31+$0x0] =	vst.idx.msk $0xffff, v48  }
0x2e8: {  	v52 =	vld [tilespmem:s0+$0xFFFFFD80];
	v53 =	vor.u32 s2, v23;
	[tilespmem:v62+s31+$0x0] =	vst.idx.msk $0xffff, v61  }
0x2e9: {  	v55 =	vor.u32 s8, v27;
	v54 =	vld [tilespmem:s0+$0xFFFFFDC0];
	[tilespmem:v63+s31+$0x0] =	vst.idx.msk $0xffff, v42  }
0x2ea: {  	v60 =	vld [tilespmem:s0+$0xFFFFFE80];
	[tilespmem:v45+s31+$0x0] =	vst.idx.msk $0xffff, v44;
	v61 =	vor.u32 s12, v7  }
0x2eb: {  	v62 =	vld [tilespmem:s0+$0xFFFFFEC0];
	v63 =	vor.u32 s13, v11;
	[tilespmem:v59+s31+$0x0] =	vst.idx.msk $0xffff, v58  }
0x2ec: {  	v41 =	vor.u32 s14, v15;
	v39 =	vld [tilespmem:s0+$0xFFFFFF00];
	[tilespmem:v51+s31+$0x0] =	vst.idx.msk $0xffff, v50  }
0x2ed: {  	v40 =	vor.u32 s16, v19;
	v37 =	vld [tilespmem:s0+$0xFFFFFF40];
	[tilespmem:v53+s31+$0x0] =	vst.idx.msk $0xffff, v52  }
0x2ee: {  	v38 =	vor.u32 s18, v23;
	v32 =	vld [tilespmem:s0+$0xFFFFFF80];
	[tilespmem:v55+s31+$0x0] =	vst.idx.msk $0xffff, v54  }
0x2ef: {  	s25 =	simm.s32 $0x1F;
	v35 =	vor.u32 s22, v27;
	v33 =	vld [tilespmem:s0+$0xFFFFFFC0];
	[tilespmem:v61+s31+$0x0] =	vst.idx.msk $0xffff, v60  }
0x2f0: {  	v36 =	vor.u32 s17, v3;
	s3 =	simm.s32 $0x10;
	s9 =	simm.s32 $0x20;
	s5 =	simm.s32 $0xCBF0;
	v34 =	vld [tilespmem:s0+$0xFFFFFC40];
	[tilespmem:v63+s31+$0x0] =	vst.idx.msk $0xffff, v62  }
.LBB2_21:
0x2f1: {  	p0 =	slt.u32 s9, $0x70;
	s0 =	sadd.s32 $0x1, s3;
	v42 =	vld [tilespmem:s5+$0xFFFFFFD0];
	v43 =	vor.u32 s25, v28;
	[tilespmem:v41+s31+$0x0] =	vst.idx.msk $0xffff, v39;
	s1 =	smov.u32 s3  }
0x2f2: {  	s3 =	smov.u32 s9;
	v39 =	vld [tilespmem:s5+$0xFFFFFC50];
	v41 =	vor.u32 s0, v4;
	s12 =	sadd.s32 $0x2, s1;
	[tilespmem:v40+s31+$0x0] =	vst.idx.msk $0xffff, v37  }
0x2f3: {  	s13 =	sadd.s32 $0x3, s1;
	v37 =	vld [tilespmem:s5+$0xFFFFFC90];
	v40 =	vor.u32 s12, v8;
	[tilespmem:v38+s31+$0x0] =	vst.idx.msk $0xffff, v32  }
0x2f4: {  	s14 =	sadd.s32 $0x4, s1;
	v38 =	vor.u32 s13, v12;
	v32 =	vld [tilespmem:s5+$0xFFFFFCD0];
	[tilespmem:v35+s31+$0x0] =	vst.idx.msk $0xffff, v33  }
0x2f5: {  	s16 =	sadd.s32 $0x5, s1;
	v35 =	vor.u32 s14, v16;
	v33 =	vld [tilespmem:s5+$0xFFFFFD10];
	[tilespmem:v36+s31+$0x0] =	vst.idx.msk $0xffff, v34  }
0x2f6: {  	v36 =	vor.u32 s16, v20;
	v34 =	vld [tilespmem:s5+$0xFFFFFD50];
	[tilespmem:v43+s31+$0x0] =	vst.idx.msk $0xffff, v42  }
0x2f7: {  	s2 =	sadd.s32 $0x6, s1;
	[tilespmem:v41+s31+$0x0] =	vst.idx.msk $0xffff, v39;
	v39 =	vld [tilespmem:s5+$0xFFFFFFE0];
	v41 =	vor.u32 s25, v29  }
0x2f8: {  	s7 =	sadd.s32 $0x7, s1;
	[tilespmem:v40+s31+$0x0] =	vst.idx.msk $0xffff, v37;
	v37 =	vld [tilespmem:s5+$0xFFFFFD90];
	v40 =	vor.u32 s2, v24  }
0x2f9: {  	s8 =	sadd.s32 $0x8, s1;
	[tilespmem:v38+s31+$0x0] =	vst.idx.msk $0xffff, v32;
	v32 =	vld [tilespmem:s5+$0xFFFFFDD0];
	v38 =	vor.u32 s7, v28  }
0x2fa: {  	s17 =	sadd.s32 $0x9, s1;
	[tilespmem:v35+s31+$0x0] =	vst.idx.msk $0xffff, v33;
	v33 =	vld [tilespmem:s5+$0xFFFFFE10];
	v35 =	vor.u32 s8, v0  }
0x2fb: {  	s23 =	sadd.s32 $0xA, s1;
	[tilespmem:v36+s31+$0x0] =	vst.idx.msk $0xffff, v34;
	v34 =	vld [tilespmem:s5+$0xFFFFFE50];
	v36 =	vor.u32 s17, v4  }
0x2fc: {  	v43 =	vor.u32 s23, v8;
	v42 =	vld [tilespmem:s5+$0xFFFFFE90];
	[tilespmem:v41+s31+$0x0] =	vst.idx.msk $0xffff, v39  }
0x2fd: {  	s26 =	sadd.s32 $0xB, s1;
	v39 =	vor.u32 s25, v30;
	[tilespmem:v40+s31+$0x0] =	vst.idx.msk $0xffff, v37;
	v37 =	vld [tilespmem:s5+$0xFFFFFFF0]  }
0x2fe: {  	s10 =	sadd.s32 $0xC, s1;
	[tilespmem:v38+s31+$0x0] =	vst.idx.msk $0xffff, v32;
	v32 =	vld [tilespmem:s5+$0xFFFFFED0];
	v38 =	vor.u32 s26, v12  }
0x2ff: {  	s18 =	sadd.s32 $0xD, s1;
	[tilespmem:v35+s31+$0x0] =	vst.idx.msk $0xffff, v33;
	v33 =	vld [tilespmem:s5+$0xFFFFFF10];
	v35 =	vor.u32 s10, v16  }
0x300: {  	s22 =	sadd.s32 $0xE, s1;
	[tilespmem:v36+s31+$0x0] =	vst.idx.msk $0xffff, v34;
	v34 =	vld [tilespmem:s5+$0xFFFFFF50];
	v36 =	vor.u32 s18, v20  }
0x301: {  	v41 =	vor.u32 s22, v24;
	[tilespmem:v43+s31+$0x0] =	vst.idx.msk $0xffff, v42;
	v40 =	vld [tilespmem:s5+$0xFFFFFF90]  }
0x302: {  	v43 =	vor.u32 s1, v0;
	v42 =	vld [tilespmem:s5+$0xFFFFFC10];
	[tilespmem:v39+s31+$0x0] =	vst.idx.msk $0xffff, v37  }
0x303: {  	v37 =	vor.u32 s25, v31;
	[tilespmem:v38+s31+$0x0] =	vst.idx.msk $0xffff, v32;
	v32 =	vld [tilespmem:s5+$0x0]  }
0x304: {  	v39 =	vor.u32 s0, v5;
	v38 =	vld [tilespmem:s5+$0xFFFFFC60];
	[tilespmem:v35+s31+$0x0] =	vst.idx.msk $0xffff, v33  }
0x305: {  	v35 =	vor.u32 s12, v9;
	v33 =	vld [tilespmem:s5+$0xFFFFFCA0];
	[tilespmem:v36+s31+$0x0] =	vst.idx.msk $0xffff, v34  }
0x306: {  	v36 =	vor.u32 s13, v13;
	v34 =	vld [tilespmem:s5+$0xFFFFFCE0];
	[tilespmem:v41+s31+$0x0] =	vst.idx.msk $0xffff, v40  }
0x307: {  	v41 =	vor.u32 s14, v17;
	[tilespmem:v43+s31+$0x0] =	vst.idx.msk $0xffff, v42;
	v40 =	vld [tilespmem:s5+$0xFFFFFD20]  }
0x308: {  	v43 =	vor.u32 s16, v21;
	v42 =	vld [tilespmem:s5+$0xFFFFFD60];
	[tilespmem:v37+s31+$0x0] =	vst.idx.msk $0xffff, v32  }
0x309: {  	v37 =	vor.u32 s2, v25;
	[tilespmem:v39+s31+$0x0] =	vst.idx.msk $0xffff, v38;
	v32 =	vld [tilespmem:s5+$0xFFFFFDA0]  }
0x30a: {  	[tilespmem:v35+s31+$0x0] =	vst.idx.msk $0xffff, v33;
	v33 =	vld [tilespmem:s5+$0xFFFFFDE0];
	v35 =	vor.u32 s7, v29  }
0x30b: {  	[tilespmem:v36+s31+$0x0] =	vst.idx.msk $0xffff, v34;
	v34 =	vld [tilespmem:s5+$0xFFFFFE20];
	v36 =	vor.u32 s8, v1  }
0x30c: {  	v39 =	vor.u32 s17, v5;
	[tilespmem:v41+s31+$0x0] =	vst.idx.msk $0xffff, v40;
	v38 =	vld [tilespmem:s5+$0xFFFFFE60]  }
0x30d: {  	v41 =	vor.u32 s23, v9;
	[tilespmem:v43+s31+$0x0] =	vst.idx.msk $0xffff, v42;
	v40 =	vld [tilespmem:s5+$0xFFFFFEA0]  }
0x30e: {  	[tilespmem:v37+s31+$0x0] =	vst.idx.msk $0xffff, v32;
	v32 =	vld [tilespmem:s5+$0xFFFFFEE0];
	v37 =	vor.u32 s26, v13  }
0x30f: {  	[tilespmem:v35+s31+$0x0] =	vst.idx.msk $0xffff, v33;
	v33 =	vld [tilespmem:s5+$0xFFFFFF20];
	v35 =	vor.u32 s10, v17  }
0x310: {  	[tilespmem:v36+s31+$0x0] =	vst.idx.msk $0xffff, v34;
	v34 =	vld [tilespmem:s5+$0xFFFFFF60];
	v36 =	vor.u32 s18, v21  }
0x311: {  	[tilespmem:v39+s31+$0x0] =	vst.idx.msk $0xffff, v38;
	v38 =	vld [tilespmem:s5+$0xFFFFFFA0];
	v39 =	vor.u32 s22, v25  }
0x312: {  	v43 =	vor.u32 s1, v1;
	v42 =	vld [tilespmem:s5+$0xFFFFFC20];
	[tilespmem:v41+s31+$0x0] =	vst.idx.msk $0xffff, v40  }
0x313: {  	v41 =	vor.u32 s0, v6;
	v40 =	vld [tilespmem:s5+$0xFFFFFC70];
	[tilespmem:v37+s31+$0x0] =	vst.idx.msk $0xffff, v32  }
0x314: {  	v37 =	vor.u32 s12, v10;
	v32 =	vld [tilespmem:s5+$0xFFFFFCB0];
	[tilespmem:v35+s31+$0x0] =	vst.idx.msk $0xffff, v33  }
0x315: {  	v35 =	vor.u32 s13, v14;
	v33 =	vld [tilespmem:s5+$0xFFFFFCF0];
	[tilespmem:v36+s31+$0x0] =	vst.idx.msk $0xffff, v34  }
0x316: {  	v36 =	vor.u32 s14, v18;
	v34 =	vld [tilespmem:s5+$0xFFFFFD30];
	[tilespmem:v39+s31+$0x0] =	vst.idx.msk $0xffff, v38  }
0x317: {  	v39 =	vor.u32 s16, v22;
	[tilespmem:v43+s31+$0x0] =	vst.idx.msk $0xffff, v42;
	v38 =	vld [tilespmem:s5+$0xFFFFFD70]  }
0x318: {  	[tilespmem:v41+s31+$0x0] =	vst.idx.msk $0xffff, v40;
	v40 =	vld [tilespmem:s5+$0xFFFFFDB0];
	v41 =	vor.u32 s2, v26  }
0x319: {  	[tilespmem:v37+s31+$0x0] =	vst.idx.msk $0xffff, v32;
	v32 =	vld [tilespmem:s5+$0xFFFFFDF0];
	v37 =	vor.u32 s7, v30  }
0x31a: {  	[tilespmem:v35+s31+$0x0] =	vst.idx.msk $0xffff, v33;
	v33 =	vld [tilespmem:s5+$0xFFFFFE30];
	v35 =	vor.u32 s8, v2  }
0x31b: {  	[tilespmem:v36+s31+$0x0] =	vst.idx.msk $0xffff, v34;
	v34 =	vld [tilespmem:s5+$0xFFFFFE70];
	v36 =	vor.u32 s17, v6  }
0x31c: {  	[tilespmem:v39+s31+$0x0] =	vst.idx.msk $0xffff, v38;
	v38 =	vld [tilespmem:s5+$0xFFFFFEB0];
	v39 =	vor.u32 s23, v10  }
0x31d: {  	[tilespmem:v41+s31+$0x0] =	vst.idx.msk $0xffff, v40;
	v40 =	vld [tilespmem:s5+$0xFFFFFEF0];
	v41 =	vor.u32 s26, v14  }
0x31e: {  	[tilespmem:v37+s31+$0x0] =	vst.idx.msk $0xffff, v32;
	v32 =	vld [tilespmem:s5+$0xFFFFFF30];
	v37 =	vor.u32 s10, v18  }
0x31f: {  	[tilespmem:v35+s31+$0x0] =	vst.idx.msk $0xffff, v33;
	v33 =	vld [tilespmem:s5+$0xFFFFFF70];
	v35 =	vor.u32 s18, v22  }
0x320: {  	[tilespmem:v36+s31+$0x0] =	vst.idx.msk $0xffff, v34;
	v34 =	vld [tilespmem:s5+$0xFFFFFFB0];
	v36 =	vor.u32 s22, v26  }
0x321: {  	v43 =	vor.u32 s1, v2;
	v42 =	vld [tilespmem:s5+$0xFFFFFC30];
	[tilespmem:v39+s31+$0x0] =	vst.idx.msk $0xffff, v38  }
0x322: {  	v39 =	vor.u32 s0, v7;
	v38 =	vld [tilespmem:s5+$0xFFFFFC80];
	[tilespmem:v41+s31+$0x0] =	vst.idx.msk $0xffff, v40  }
0x323: {  	v41 =	vor.u32 s12, v11;
	v40 =	vld [tilespmem:s5+$0xFFFFFCC0];
	[tilespmem:v37+s31+$0x0] =	vst.idx.msk $0xffff, v32  }
0x324: {  	v37 =	vor.u32 s13, v15;
	v32 =	vld [tilespmem:s5+$0xFFFFFD00];
	[tilespmem:v35+s31+$0x0] =	vst.idx.msk $0xffff, v33  }
0x325: {  	v35 =	vor.u32 s14, v19;
	v33 =	vld [tilespmem:s5+$0xFFFFFD40];
	[tilespmem:v36+s31+$0x0] =	vst.idx.msk $0xffff, v34  }
0x326: {  	v36 =	vor.u32 s16, v23;
	[tilespmem:v43+s31+$0x0] =	vst.idx.msk $0xffff, v42;
	v34 =	vld [tilespmem:s5+$0xFFFFFD80]  }
0x327: {  	[tilespmem:v39+s31+$0x0] =	vst.idx.msk $0xffff, v38;
	v38 =	vld [tilespmem:s5+$0xFFFFFDC0];
	v39 =	vor.u32 s2, v27  }
0x328: {  	v42 =	vor.u32 s7, v31;
	[tilespmem:v41+s31+$0x0] =	vst.idx.msk $0xffff, v40;
	v40 =	vld [tilespmem:s5+$0xFFFFFE00]  }
0x329: {  	v43 =	vor.u32 s8, v3;
	[tilespmem:v37+s31+$0x0] =	vst.idx.msk $0xffff, v32;
	v32 =	vld [tilespmem:s5+$0xFFFFFE40]  }
0x32a: {  	[tilespmem:v35+s31+$0x0] =	vst.idx.msk $0xffff, v33;
	v33 =	vld [tilespmem:s5+$0xFFFFFE80];
	v35 =	vor.u32 s17, v7  }
0x32b: {  	v45 =	vor.u32 s23, v11;
	[tilespmem:v36+s31+$0x0] =	vst.idx.msk $0xffff, v34;
	v44 =	vld [tilespmem:s5+$0xFFFFFEC0]  }
.Ltmp12:
0x32c: {  	v41 =	vor.u32 s26, v15;
	[tilespmem:v39+s31+$0x0] =	vst.idx.msk $0xffff, v38;
	v39 =	vld [tilespmem:s5+$0xFFFFFF00];
	(pc) =	sbr.rel @p0 .LBB2_21-.Ltmp12, $4  }
0x32d: {  	[tilespmem:v42+s31+$0x0] =	vst.idx.msk $0xffff, v40;
	v37 =	vld [tilespmem:s5+$0xFFFFFF40];
	v40 =	vor.u32 s10, v19  }
0x32e: {  	v38 =	vor.u32 s18, v23;
	[tilespmem:v43+s31+$0x0] =	vst.idx.msk $0xffff, v32;
	v32 =	vld [tilespmem:s5+$0xFFFFFF80]  }
0x32f: {  	[tilespmem:v35+s31+$0x0] =	vst.idx.msk $0xffff, v33;
	v33 =	vld [tilespmem:s5+$0xFFFFFFC0];
	v35 =	vor.u32 s22, v27  }
0x330: {  	s9 =	sadd.s32 $0x10, s9;
	s25 =	sadd.s32 $0xF, s3;
	v36 =	vor.u32 s1, v3;
	v34 =	vld [tilespmem:s5+$0xFFFFFC40];
	[tilespmem:v45+s31+$0x0] =	vst.idx.msk $0xffff, v44;
	s5 =	sadd.s32 $0x400, s5  }
0x331: {  	_ =	sdelay $0x3  }
0x332: {  	s0 =	sadd.s32 $0x1, s3;
	v42 =	vld [tilespmem:s5+$0xFFFFFFD0];
	v43 =	vor.u32 s25, v28;
	[tilespmem:v41+s31+$0x0] =	vst.idx.msk $0xffff, v39  }
0x333: {  	v57 =	vld [tilespmem:s5+$0xFFFFFC50];
	s1 =	sadd.s32 $0x2, s3;
	v58 =	vor.u32 s0, v4;
	[tilespmem:v40+s31+$0x0] =	vst.idx.msk $0xffff, v37  }
0x334: {  	v59 =	vld [tilespmem:s5+$0xFFFFFC90];
	s2 =	sadd.s32 $0x3, s3;
	v60 =	vor.u32 s1, v8;
	[tilespmem:v38+s31+$0x0] =	vst.idx.msk $0xffff, v32  }
0x335: {  	v61 =	vld [tilespmem:s5+$0xFFFFFCD0];
	s7 =	sadd.s32 $0x4, s3;
	v62 =	vor.u32 s2, v12;
	[tilespmem:v35+s31+$0x0] =	vst.idx.msk $0xffff, v33  }
0x336: {  	v63 =	vld [tilespmem:s5+$0xFFFFFD10];
	s8 =	sadd.s32 $0x5, s3;
	v44 =	vor.u32 s7, v16;
	[tilespmem:v36+s31+$0x0] =	vst.idx.msk $0xffff, v34  }
0x337: {  	v45 =	vld [tilespmem:s5+$0xFFFFFD50];
	s9 =	sadd.s32 $0x6, s3;
	v46 =	vor.u32 s8, v20;
	[tilespmem:v43+s31+$0x0] =	vst.idx.msk $0xffff, v42  }
0x338: {  	v49 =	vld [tilespmem:s5+$0xFFFFFD90];
	s10 =	sadd.s32 $0x7, s3;
	v50 =	vor.u32 s9, v24;
	[tilespmem:v58+s31+$0x0] =	vst.idx.msk $0xffff, v57  }
0x339: {  	v51 =	vld [tilespmem:s5+$0xFFFFFDD0];
	s12 =	sadd.s32 $0x8, s3;
	v52 =	vor.u32 s10, v28;
	[tilespmem:v60+s31+$0x0] =	vst.idx.msk $0xffff, v59  }
0x33a: {  	v53 =	vld [tilespmem:s5+$0xFFFFFE10];
	s13 =	sadd.s32 $0x9, s3;
	v54 =	vor.u32 s12, v0;
	[tilespmem:v62+s31+$0x0] =	vst.idx.msk $0xffff, v61  }
0x33b: {  	v55 =	vld [tilespmem:s5+$0xFFFFFE50];
	v56 =	vor.u32 s13, v4;
	[tilespmem:v44+s31+$0x0] =	vst.idx.msk $0xffff, v63  }
0x33c: {  	v48 =	vor.u32 s25, v29;
	s14 =	sadd.s32 $0xA, s3;
	v47 =	vld [tilespmem:s5+$0xFFFFFFE0];
	[tilespmem:v46+s31+$0x0] =	vst.idx.msk $0xffff, v45  }
0x33d: {  	s16 =	sadd.s32 $0xB, s3;
	v57 =	vld [tilespmem:s5+$0xFFFFFE90];
	v58 =	vor.u32 s14, v8;
	[tilespmem:v50+s31+$0x0] =	vst.idx.msk $0xffff, v49  }
0x33e: {  	s17 =	sadd.s32 $0xC, s3;
	[tilespmem:v52+s31+$0x0] =	vst.idx.msk $0xffff, v51;
	v61 =	vld [tilespmem:s5+$0xFFFFFED0];
	v62 =	vor.u32 s16, v12  }
0x33f: {  	[tilespmem:v54+s31+$0x0] =	vst.idx.msk $0xffff, v53;
	v63 =	vld [tilespmem:s5+$0xFFFFFF10];
	v45 =	vor.u32 s17, v16  }
0x340: {  	[tilespmem:v56+s31+$0x0] =	vst.idx.msk $0xffff, v55;
	v50 =	vld [tilespmem:s5+$0xFFFFFC10];
	v51 =	vor.u32 s3, v0  }
0x341: {  	s18 =	sadd.s32 $0xD, s3;
	v55 =	vor.u32 s0, v5;
	v54 =	vld [tilespmem:s5+$0xFFFFFC60];
	[tilespmem:v48+s31+$0x0] =	vst.idx.msk $0xffff, v47  }
0x342: {  	s22 =	sadd.s32 $0xE, s3;
	v46 =	vld [tilespmem:s5+$0xFFFFFF50];
	v47 =	vor.u32 s18, v20;
	[tilespmem:v58+s31+$0x0] =	vst.idx.msk $0xffff, v57  }
0x343: {  	v49 =	vor.u32 s22, v24;
	v48 =	vld [tilespmem:s5+$0xFFFFFF90];
	[tilespmem:v62+s31+$0x0] =	vst.idx.msk $0xffff, v61  }
0x344: {  	v56 =	vld [tilespmem:s5+$0xFFFFFCA0];
	[tilespmem:v45+s31+$0x0] =	vst.idx.msk $0xffff, v63;
	v57 =	vor.u32 s1, v9  }
0x345: {  	[tilespmem:v51+s31+$0x0] =	vst.idx.msk $0xffff, v50;
	v62 =	vld [tilespmem:s5+$0xFFFFFD60];
	v63 =	vor.u32 s8, v21  }
0x346: {  	v44 =	vld [tilespmem:s5+$0xFFFFFDA0];
	v45 =	vor.u32 s9, v25;
	[tilespmem:v55+s31+$0x0] =	vst.idx.msk $0xffff, v54  }
0x347: {  	v50 =	vld [tilespmem:s5+$0xFFFFFE60];
	v51 =	vor.u32 s13, v5;
	[tilespmem:v47+s31+$0x0] =	vst.idx.msk $0xffff, v46  }
0x348: {  	v60 =	vor.u32 s25, v30;
	v59 =	vld [tilespmem:s5+$0xFFFFFFF0];
	[tilespmem:v49+s31+$0x0] =	vst.idx.msk $0xffff, v48  }
0x349: {  	v54 =	vld [tilespmem:s5+$0xFFFFFEE0];
	v55 =	vor.u32 s16, v13;
	[tilespmem:v57+s31+$0x0] =	vst.idx.msk $0xffff, v56  }
0x34a: {  	v46 =	vld [tilespmem:s5+$0xFFFFFDE0];
	v47 =	vor.u32 s10, v29;
	[tilespmem:v63+s31+$0x0] =	vst.idx.msk $0xffff, v62  }
0x34b: {  	v48 =	vld [tilespmem:s5+$0xFFFFFE20];
	v49 =	vor.u32 s12, v1;
	[tilespmem:v45+s31+$0x0] =	vst.idx.msk $0xffff, v44  }
0x34c: {  	v56 =	vld [tilespmem:s5+$0xFFFFFF20];
	v57 =	vor.u32 s17, v17;
	[tilespmem:v51+s31+$0x0] =	vst.idx.msk $0xffff, v50  }
0x34d: {  	v62 =	vld [tilespmem:s5+$0xFFFFFC20];
	v63 =	vor.u32 s3, v1;
	[tilespmem:v60+s31+$0x0] =	vst.idx.msk $0xffff, v59  }
0x34e: {  	v58 =	vld [tilespmem:s5+$0xFFFFFCE0];
	v59 =	vor.u32 s2, v13;
	[tilespmem:v55+s31+$0x0] =	vst.idx.msk $0xffff, v54  }
0x34f: {  	v61 =	vor.u32 s7, v17;
	v60 =	vld [tilespmem:s5+$0xFFFFFD20];
	[tilespmem:v47+s31+$0x0] =	vst.idx.msk $0xffff, v46  }
0x350: {  	v53 =	vor.u32 s25, v31;
	v52 =	vld [tilespmem:s5+$0x0];
	[tilespmem:v49+s31+$0x0] =	vst.idx.msk $0xffff, v48  }
0x351: {  	v45 =	vld [tilespmem:s5+$0xFFFFFC70];
	v46 =	vor.u32 s0, v6;
	[tilespmem:v57+s31+$0x0] =	vst.idx.msk $0xffff, v56  }
0x352: {  	v47 =	vld [tilespmem:s5+$0xFFFFFCB0];
	v48 =	vor.u32 s1, v10;
	[tilespmem:v63+s31+$0x0] =	vst.idx.msk $0xffff, v62  }
0x353: {  	v55 =	vld [tilespmem:s5+$0xFFFFFDB0];
	v56 =	vor.u32 s9, v26;
	[tilespmem:v59+s31+$0x0] =	vst.idx.msk $0xffff, v58  }
0x354: {  	[tilespmem:v61+s31+$0x0] =	vst.idx.msk $0xffff, v60;
	v58 =	vld [tilespmem:s5+$0xFFFFFF60];
	v59 =	vor.u32 s18, v21  }
0x355: {  	v60 =	vld [tilespmem:s5+$0xFFFFFFA0];
	v61 =	vor.u32 s22, v25;
	[tilespmem:v53+s31+$0x0] =	vst.idx.msk $0xffff, v52  }
0x356: {  	v52 =	vld [tilespmem:s5+$0xFFFFFEA0];
	v53 =	vor.u32 s14, v9;
	[tilespmem:v46+s31+$0x0] =	vst.idx.msk $0xffff, v45  }
0x357: {  	v50 =	vor.u32 s2, v14;
	v49 =	vld [tilespmem:s5+$0xFFFFFCF0];
	[tilespmem:v48+s31+$0x0] =	vst.idx.msk $0xffff, v47  }
0x358: {  	[tilespmem:v56+s31+$0x0] =	vst.idx.msk $0xffff, v55;
	v46 =	vld [tilespmem:s5+$0xFFFFFEF0];
	v47 =	vor.u32 s16, v14  }
0x359: {  	v57 =	vld [tilespmem:s5+$0xFFFFFDF0];
	[tilespmem:v59+s31+$0x0] =	vst.idx.msk $0xffff, v58;
	v58 =	vor.u32 s10, v30  }
0x35a: {  	[tilespmem:v61+s31+$0x0] =	vst.idx.msk $0xffff, v60;
	v59 =	vld [tilespmem:s5+$0xFFFFFE30];
	v60 =	vor.u32 s12, v2  }
0x35b: {  	v62 =	vor.u32 s13, v6;
	v61 =	vld [tilespmem:s5+$0xFFFFFE70];
	[tilespmem:v53+s31+$0x0] =	vst.idx.msk $0xffff, v52  }
0x35c: {  	v56 =	vor.u32 s0, v7;
	v55 =	vld [tilespmem:s5+$0xFFFFFC80];
	[tilespmem:v50+s31+$0x0] =	vst.idx.msk $0xffff, v49  }
0x35d: {  	v51 =	vld [tilespmem:s5+$0xFFFFFD30];
	v52 =	vor.u32 s7, v18;
	[tilespmem:v47+s31+$0x0] =	vst.idx.msk $0xffff, v46  }
0x35e: {  	v54 =	vor.u32 s8, v22;
	v53 =	vld [tilespmem:s5+$0xFFFFFD70];
	[tilespmem:v58+s31+$0x0] =	vst.idx.msk $0xffff, v57  }
0x35f: {  	v48 =	vld [tilespmem:s5+$0xFFFFFF30];
	v49 =	vor.u32 s17, v18;
	[tilespmem:v60+s31+$0x0] =	vst.idx.msk $0xffff, v59  }
0x360: {  	v45 =	vor.u32 s14, v10;
	v63 =	vld [tilespmem:s5+$0xFFFFFEB0];
	[tilespmem:v62+s31+$0x0] =	vst.idx.msk $0xffff, v61  }
0x361: {  	v57 =	vld [tilespmem:s5+$0xFFFFFCC0];
	v58 =	vor.u32 s1, v11;
	[tilespmem:v56+s31+$0x0] =	vst.idx.msk $0xffff, v55  }
0x362: {  	v59 =	vld [tilespmem:s5+$0xFFFFFD00];
	v60 =	vor.u32 s2, v15;
	[tilespmem:v52+s31+$0x0] =	vst.idx.msk $0xffff, v51  }
0x363: {  	v55 =	vld [tilespmem:s5+$0xFFFFFF00];
	v56 =	vor.u32 s16, v15;
	[tilespmem:v54+s31+$0x0] =	vst.idx.msk $0xffff, v53  }
0x364: {  	v50 =	vld [tilespmem:s5+$0xFFFFFF70];
	v51 =	vor.u32 s18, v22;
	[tilespmem:v49+s31+$0x0] =	vst.idx.msk $0xffff, v48  }
0x365: {  	v52 =	vld [tilespmem:s5+$0xFFFFFFB0];
	v53 =	vor.u32 s22, v26;
	[tilespmem:v45+s31+$0x0] =	vst.idx.msk $0xffff, v63  }
0x366: {  	v42 =	vld [tilespmem:s5+$0xFFFFFC30];
	v54 =	vor.u32 s3, v2;
	[tilespmem:v58+s31+$0x0] =	vst.idx.msk $0xffff, v57  }
0x367: {  	v47 =	vld [tilespmem:s5+$0xFFFFFE00];
	v48 =	vor.u32 s10, v31;
	[tilespmem:v60+s31+$0x0] =	vst.idx.msk $0xffff, v59  }
0x368: {  	v62 =	vor.u32 s7, v19;
	v61 =	vld [tilespmem:s5+$0xFFFFFD40];
	[tilespmem:v56+s31+$0x0] =	vst.idx.msk $0xffff, v55  }
0x369: {  	v44 =	vor.u32 s8, v23;
	v63 =	vld [tilespmem:s5+$0xFFFFFD80];
	[tilespmem:v51+s31+$0x0] =	vst.idx.msk $0xffff, v50  }
0x36a: {  	v46 =	vor.u32 s9, v27;
	v45 =	vld [tilespmem:s5+$0xFFFFFDC0];
	[tilespmem:v53+s31+$0x0] =	vst.idx.msk $0xffff, v52  }
0x36b: {  	v57 =	vld [tilespmem:s5+$0xFFFFFF40];
	v58 =	vor.u32 s17, v19;
	[tilespmem:v54+s31+$0x0] =	vst.idx.msk $0xffff, v42  }
0x36c: {  	v49 =	vld [tilespmem:s5+$0xFFFFFE40];
	v50 =	vor.u32 s12, v3;
	[tilespmem:v48+s31+$0x0] =	vst.idx.msk $0xffff, v47  }
0x36d: {  	v51 =	vld [tilespmem:s5+$0xFFFFFE80];
	v52 =	vor.u32 s13, v7;
	[tilespmem:v62+s31+$0x0] =	vst.idx.msk $0xffff, v61  }
0x36e: {  	v53 =	vld [tilespmem:s5+$0xFFFFFEC0];
	v54 =	vor.u32 s14, v11;
	[tilespmem:v44+s31+$0x0] =	vst.idx.msk $0xffff, v63  }
0x36f: {  	v60 =	vor.u32 s18, v23;
	[tilespmem:v46+s31+$0x0] =	vst.idx.msk $0xffff, v45;
	v59 =	vld [tilespmem:s5+$0xFFFFFF80]  }
0x370: {  	v61 =	vld [tilespmem:s5+$0xFFFFFFC0];
	v62 =	vor.u32 s22, v27;
	[tilespmem:v58+s31+$0x0] =	vst.idx.msk $0xffff, v57  }
0x371: {  	s11 =	sadd.s32 $0x1, s11;
	v42 =	vld [tilespmem:s5+$0xFFFFFC40];
	v63 =	vor.u32 s3, v3;
	[tilespmem:v50+s31+$0x0] =	vst.idx.msk $0xffff, v49  }
0x372: {  	p0 =	sne.s32 s11, $0x32;
	[tilespmem:v52+s31+$0x0] =	vst.idx.msk $0xffff, v51  }
.Ltmp13:
0x373: {  	s30 =	sshll.u32 s15, $0x12;
	[tilespmem:v54+s31+$0x0] =	vst.idx.msk $0xffff, v53;
	(pc) =	sbr.rel @p0 .LBB2_2-.Ltmp13, $4  }
0x374: {  	s0 =	sor.u32 s6, s30;
	[tilespmem:v60+s31+$0x0] =	vst.idx.msk $0xffff, v59  }
0x375: {  	s25 =	rddreg [dreg:$0x1];
	s0 =	sshrl.u32 s0, $0x3;
	[tilespmem:v62+s31+$0x0] =	vst.idx.msk $0xffff, v61  }
0x376: {  	s0 =	sadd.s32 s25, s0;
	[tilespmem:v63+s31+$0x0] =	vst.idx.msk $0xffff, v42  }
0x377: {  	[hbm4b:s0+s20] =	stream.strided.scatter [tilespmem:s31], [sflag:$0x8], $0x2000, s21, s20, $0x38;
	[tilespmem:$0x16400] =	vst v63  }
0x378: {  	s0 =	simm.s32 $0x5  }
0x379: {  	_ =	swait.ge [sflag:s0], $0x2000  }
0x37a: {  	[sflag:s0] =	ssyncset.done $0x0  }
0x37b: {  	s23 =	simm.s32 $0x6;
	[sflag:s0] =	ssyncadd.s32 $0xFFFFE000  }
0x37c: {  	_ =	swait.ge [sflag:s23], $0x2000  }
0x37d: {  	[sflag:s23] =	ssyncset.done $0x0  }
0x37e: {  	s26 =	simm.s32 $0x7;
	[sflag:s23] =	ssyncadd.s32 $0xFFFFE000  }
0x37f: {  	_ =	swait.ge [sflag:s26], $0x2000  }
0x380: {  	[sflag:s26] =	ssyncset.done $0x0  }
0x381: {  	s1 =	simm.s32 $0x8;
	[sflag:s26] =	ssyncadd.s32 $0xFFFFE000  }
0x382: {  	_ =	swait.ge [sflag:s1], $0x2000  }
0x383: {  	s2 =	rddreg [dreg:$0x7]  }
0x384: {  	s30 =	rddreg [dreg:$0x6];
	s2 =	sadd.s32 $0x1, s2  }
0x385: {  	p0 =	sne.s32 s2, s30  }
.Ltmp14:
0x386: {  	_ = 	snop;
	(pc) =	sbr.rel @p0 .LBB2_1-.Ltmp14, $3  }
0x387: {  	_ =	sdelay $0x1  }
0x388: {  	[sflag:s1] =	ssyncset.done $0x0  }
0x389: {  	[sflag:s1] =	ssyncadd.s32 $0xFFFFE000  }
0x38a: {  	_ =	sfence.sel $0x180000  }
0x38b: {  	[bflag:$0x0] =	sbarrier.arrive $0xFFFF  }
0x38c: {  	_ =	strace $0x9000004A  }
0x38d: {  	s0 =	stileid.u32;
	[bflag:$0x2] =	sbarrier.arrive $0xFFFF  }
0x38e: {  	p0 =	sne.s32 s0, $0x0;
	s0 =	rddreg [dreg:$0x2]  }
0x38f: {  	s0 =	sadd.s32 @!p0 $0x100000, s0  }
0x390: {  	[sflag:s0] =	ssyncadd.tile.s32 @!p0 $0x1;
	_ =	shalt  }
.Lfunc_end2:
_tile_overlayer_lowered:
.L_overlay_start_2:
0x391: {  	(tag) =	ssettag $0x2  }
0x392: {  	s0 =	rddreg [dreg:$0x0];
	s2 =	stileid.u32  }
0x393: {  	s1 =	rddreg [dreg:$0x1];
	p0 =	sne.s32 s2, $0x0  }
0x394: {  	s3 =	rddreg [dreg:$0x2];
	[bflag:$0x3] =	sbarrier.arrive $0xFFFF;
	s2 =	simm.s32 @!p0 $0x1C09  }
0x395: {  	[timem:s3], [sflag:s2] =	dma.local @!p0 [hbm:s0], s1  }
0x396: {  	s0 =	simm.s32 @!p0 $0x9  }
0x397: {  	_ =	swait.ge @!p0 [sflag:s0], s1  }
0x398: {  	s1 =	ssub.s32 @!p0 $0x0, s1;
	[sflag:s0] =	ssyncset.done @!p0 $0x0  }
0x399: {  	[sflag:s0] =	ssyncadd.s32 @!p0 s1  }
0x39a: {  	[bflag:$0x3] =	sbarrier.arrive $0xFFFF  }
0x39b: {  	_ =	shalt  }

// kernel: sparse-core-data-format-call.cloned.1.call-start
scs
called_computation_lowered:
.L_overlay_start_0:
0x0: {  	s2 =	sld [smem:$0x3FD9]  }
0x1: {  	s3 =	sld [smem:$0x3FFE];
	_ =	sdelay $0x1  }
0x2: {  	s1 =	srdreg.scid  }
0x3: {  	s0 =	sand.u32 $0x1, s1  }
0x4: {  	s18 =	sshll.u32 s0, $0xA;
	s2 =	sadd.s32 s3, s2  }
0x5: {  	s2 =	sadd.s32 s2, s18  }
0x6: {  	[smem:$0x3FC6] =	sst s2  }
0x7: {  	_ = 	snop  }
0x8: {  	s2 =	sld [smem:$0x3FC8];
	(tm) =	ssettm $0x1  }
0x9: {  	s19 =	sld [smem:$0x3FFB];
	_ =	sdelay $0x3  }
0xa: {  	_ =	strace s19  }
0xb: {  	s3 =	sld [smem:$0x3FFC];
	_ =	sdelay $0x3  }
0xc: {  	_ =	strace s3  }
0xd: {  	s3 =	sld [smem:$0x3FFD];
	_ =	sdelay $0x3  }
0xe: {  	_ =	strace s3  }
0xf: {  	_ =	strace $0x8FFFFFFF  }
0x10: {  	s20 =	sld [smem:$0x3FDB];
	_ =	sdelay $0x1  }
0x11: {  	s4 =	simm.s32 $_scs_section_size  }
0x12: {  	s5 =	simm.s32 $_size__tile_overlayer_lowered;
	s6 =	simm.s32 $_tile_overlayer_lowered  }
0x13: {  	s23 =	simm.s32 $0x1BFF;
	s22 =	sshll.u32 s6, $0x1;
	s3 =	sadd.s32 s4, s20  }
0x14: {  	s7 =	simm.s32 $0x0;
	s21 =	sshll.u32 s5, $0x1;
	s5 =	sadd.s32 s22, s3  }
0x15: {  	[timem:s7], [sflag:s23] =	dma.local [hbm:s5], s21  }
0x16: {  	_ =	swait.ge [sflag:s23], s21  }
0x17: {  	s4 =	ssub.s32 $0x0, s21;
	[sflag:s23] =	ssyncset.done $0x0  }
0x18: {  	[sflag:s23] =	ssyncadd.s32 s4;
	_ =	sdelay $0x1  }
0x19: {  	s24 =	simm.s32 $0x1B8B  }
0x1a: {  	_ =	swait.ge [sflag:s24], $0x1  }
0x1b: {  	[sflag:s24] =	ssyncset.done $0x0  }
0x1c: {  	s26 =	simm.s32 $0x1B8E;
	s25 =	sld [smem:$0x3FFE];
	[sflag:s24] =	ssyncadd.s32 $0xFFFFFFFF  }
0x1d: {  	s27 =	simm.s32 $execute0_lowered;
	[smem:$0x3FD2] =	sst s26  }
0x1e: {  	s5 =	sshll.u32 s27, $0x1;
	_ =	strace $0x80000046;
	[dreg:$0x1] =	wrdreg $0xFFFFFFFF  }
0x1f: {  	s28 =	simm.s32 $_size_execute0_lowered;
	s3 =	sadd.s32 s3, s5;
	[dreg:$0x0] =	wrdreg $0x0  }
0x20: {  	s5 =	sshll.u32 s28, $0x1;
	[dreg:$0x2] =	wrdreg s3  }
0x21: {  	[dreg:$0x3] =	wrdreg s5  }
0x22: {  	[dreg:$0x4] =	wrdreg $0xC0  }
0x23: {  	_ =	task [dreg:s7], $0x5FFFF  }
0x24: {  	[dreg:$0x1] =	wrdreg $0xFFFFFFFF  }
0x25: {  	[dreg:$0x0] =	wrdreg $0x60  }
0x26: {  	[dreg:$0x2] =	wrdreg s2  }
0x27: {  	[dreg:$0x3] =	wrdreg s25  }
0x28: {  	[dreg:$0x4] =	wrdreg $0x9  }
0x29: {  	_ =	task.clear_ibuf [dreg:s7], $0x5FFFF;
	_ =	strace $0x90000046  }
0x2a: {  	s29 =	simm.s32 $0x9;
	_ =	strace $0x80000048  }
0x2b: {  	_ =	swait.ge [sflag:s29], $0x1  }
0x2c: {  	[sflag:s29] =	ssyncadd.s32 $0xFFFFFFFF  }
0x2d: {  	_ =	strace $0x90000048  }
0x2e: {  	_ =	sfence  }
0x2f: {  	s30 =	sld [smem:$0x0];
	_ =	sdelay $0x2  }
0x30: {  	s31 =	sshll.u32 s1, $0xD;
	s1 =	sshrl.u32 s1, $0x2  }
0x31: {  	s3 =	sand.u32 $0x4000, s31;
	s1 =	sadd.s32 s1, s30  }
0x32: {  	s0 =	sor.u32 s3, s0;
	s1 =	sshll.u32 s1, $0x11  }
0x33: {  	s0 =	sor.u32 s1, s0  }
0x34: {  	s0 =	sadd.s32 $0x8F2B, s0  }
0x35: {  	[sflag:s0] =	ssyncadd.remote.s32 $0x1  }
0x36: {  	_ =	sfence.sel $0xFFFF  }
0x37: {  	[dreg:$0x0] =	wrdreg $0xFFFFFFFF;
	(pc) =	sbr.abs _section_cstart, $3  }
0x38: {  	[dreg:$0x1] =	wrdreg $0xFFFFFFFF  }
0x39: {  	_ =	task.clear_ibuf [dreg:s7], $0x2FFFF;
	_ =	strace $0x9FFFFFFF  }
0x3a: {  	(tm) =	ssettm $0x7FFFFFFF  }
0x3b: {  	_ =	shalt  }
tec
execute0_lowered:
.L_overlay_start_1:
0x0: {  	(tag) =	ssettag $0x1  }
0x1: {  	s0 =	srdreg.scid;
	s2 =	rddreg [dreg:$0x0]  }
0x2: {  	s5 =	rddreg [dreg:$0x1];
	s1 =	stileid.u32  }
0x3: {  	s4 =	simm.s32 $0x1;
	s6 =	simm.s32 $0x2;
	s15 =	simm.s32 $0x0  }
0x4: {  	p0 =	por $0x0, $0x0;
	s8 =	simm.s32 $0x80;
	s0 =	sshll.u32 s0, $0x4  }
0x5: {  	s14 =	simm.s32 $0x0;
	s9 =	simm.s32 $0x0;
	s3 =	sand.u32 $0x10, s0  }
.Ltmp0:
0x6: {  	s10 =	simm.s32 $0x0;
	s3 =	sor.u32 s1, s3;
	(pc) =	sbr.rel .LBB1_1-.Ltmp0, $4  }
0x7: {  	s0 =	rddreg [dreg:$0x2];
	_ =	strace $0x80000047;
	s3 =	sshll.u32 s3, $0x7  }
0x8: {  	s12 =	simm.s32 $0x0;
	[sflag:s4] =	ssyncpa.u1 $0x0;
	s7 =	ssub.s32 $0xF4200, s3  }
0x9: {  	s13 =	simm.s32 $0x0;
	[sflag:s6] =	ssyncpa.u1 $0x0;
	s6 =	sshrl.u32 s7, $0xC  }
0xa: {  	s5 =	sadd.s32 $0xA00, s5;
	s11 =	smov.u32 s3;
	s7 =	sadd.s32 $0x2, s6  }
.LBB1_5:
0xb: {  	p1 =	slt.u32 s13, $0x2  }
0xc: {  	s17 =	smov.u32 s15;
	p2 =	sgt.s32 @!p1 s15, $0xF41C0;
	s16 =	sshra.s32 @!p1 s15, $0x1F  }
0xd: {  	p3 =	sgt.s32 @!p1 s14, $0x40;
	s18 =	sshra.s32 @!p1 s14, $0x1F;
	p2 =	por !p2, p1  }
0xe: {  	s15 =	sand.u32 @!p1 s16, s15;
	p3 =	por !p3, p1;
	s16 =	smov.u32 s14  }
0xf: {  	s14 =	sand.u32 @!p1 s18, s14;
	s17 =	simm.s32 @p2 $0xF41C0;
	s16 =	simm.s32 @p3 $0x40  }
0x10: {  	s15 =	ssub.s32 @!p1 s17, s15;
	s14 =	ssub.s32 @!p1 s16, s14  }
0x11: {  	s18 =	smov.u32 s12;
	s16 =	sadd.s32 @!p1 $0xFFF0BE40, s15;
	s17 =	sadd.s32 @!p1 $0xFFFFFFC0, s14  }
0x12: {  	s15 =	ssub.s32 @!p1 $0xF4240, s15;
	p2 =	sgt.s32 @!p1 s16, $0x7F;
	p3 =	sgt.s32 @!p1 s17, $0x3F  }
0x13: {  	s14 =	ssub.s32 @!p1 $0x80, s14;
	p2 =	por !p2, p1;
	p3 =	por !p3, p1  }
0x14: {  	s16 =	sadd.s32 $0x1000, s11;
	s15 =	simm.s32 @!p2 $0x0;
	s14 =	simm.s32 @!p3 $0x0  }
0x15: {  	p2 =	sgt.s32 s16, $0xF423F;
	s14 =	smul.u32 @!p1 s14, s15;
	s15 =	sadd.s32 $0x40, s12  }
0x16: {  	s18 =	smov.u32 @p2 s15  }
0x17: {  	s16 =	smov.u32 @p2 s3;
	p2 =	sgt.s32 s18, $0x3F  }
0x18: {  	s18 =	simm.s32 @p2 $0x0;
	p2 =	sne.s32 s13, s7  }
.Ltmp1:
0x19: {  	p0 =	por !p0, !p0;
	s17 =	simm.s32 @!p1 $0x2;
	(pc) =	sbr.rel @!p2 .LBB1_6-.Ltmp1, $4  }
0x1a: {  	s15 =	smov.u32 s9;
	s9 =	smov.u32 s11;
	s14 =	sand.u32 @!p1 $0x3FFFFFFF, s14  }
0x1b: {  	s11 =	smov.u32 s16;
	_ =	swait.ge @!p1 [sflag:s17], s14;
	s19 =	ssub.s32 @!p1 $0x0, s14  }
0x1c: {  	s14 =	smov.u32 s10;
	s13 =	sadd.s32 $0x1, s13;
	[sflag:s17] =	ssyncset.done @!p1 $0x0  }
0x1d: {  	s10 =	smov.u32 s12;
	s12 =	smov.u32 s18;
	[sflag:s17] =	ssyncadd.s32 @!p1 s19  }
.LBB1_1:
0x1e: {  	p1 =	sgt.u32 s13, s6  }
0x1f: {  	s16 =	sshrl.u32 @!p1 s12, $0x3  }
0x20: {  	s17 =	sshll.u32 @!p1 s11, $0x3;
	s16 =	smul.u32 @!p1 $0x7A1400, s16  }
0x21: {  	s18 =	sshll.u32 @!p1 s12, $0x7;
	s17 =	sand.u32 @!p1 $0xFFFFFC00, s17  }
0x22: {  	s16 =	sadd.s32 @!p1 s16, s17;
	s17 =	sand.u32 @!p1 $0x380, s18  }
0x23: {  	s18 =	sand.u32 @!p1 $0x7F, s11;
	s16 =	sor.u32 @!p1 s17, s16  }
0x24: {  	s17 =	sor.u32 @!p1 s18, s16  }
0x25: {  	s18 =	smulhi.u32 @!p1 $0x218D6287, s17;
	_ =	sdelay $0x1  }
0x26: {  	s16 =	smulhi.u32 @!p1 $0x218D6287, s16;
	s18 =	sshrl.u32 @!p1 s18, $0x11  }
0x27: {  	s18 =	smul.u32 @!p1 $0xF4280, s18  }
0x28: {  	s19 =	sxor.u32 @!p1 $0xFFFFFFFF, s13;
	s16 =	sshrl.u32 @!p1 s16, $0x11  }
0x29: {  	s19 =	sshll.u32 @!p1 s19, $0xD;
	s16 =	sand.u32 @!p1 $0x3F, s16;
	s17 =	ssub.s32 @!p1 s17, s18  }
0x2a: {  	s16 =	smul.u32 @!p1 $0x1E850, s16;
	s18 =	sshrl.u32 @!p1 s17, $0x3;
	s17 =	sand.u32 @!p1 $0x7, s17  }
0x2b: {  	s19 =	sand.u32 @!p1 $0x2000, s19;
	s18 =	sadd.s32 @!p1 s2, s18;
	s17 =	sshll.u32 @!p1 s17, $0x12  }
0x2c: {  	s16 =	sadd.s32 @!p1 s16, s18;
	s17 =	sor.u32 @!p1 $0x400, s17;
	s18 =	simm.s32 @!p1 $0x7A1400  }
0x2d: {  	[tilespmem:s19], [sflag:$0x1] =	stream.strided.gather @!p1 [hbm4b:s16+s17], $0x2000, s18, s17, $0x38;
	[tilespmem:$0x8100] =	vst v63  }
0x2e: {  	p1 =	seq.s32 s13, $0x0  }
0x2f: {  	p2 =	sge.u32 @!p1 s13, s7  }
0x30: {  	p1 =	por p1, p2  }
.Ltmp2:
0x31: {  	_ = 	snop;
	(pc) =	sbr.rel @p1 .LBB1_5-.Ltmp2, $1  }
0x32: {  	_ =	sdelay $0x3  }
0x33: {  	s16 =	simm.s32 $0x1  }
0x34: {  	_ =	swait.ge [sflag:s4], $0x2000;
	s16 =	simm.s32 @!p0 $0x0  }
0x35: {  	[sflag:s4] =	ssyncset.done $0x0;
	s17 =	sshll.u32 s16, $0xD  }
0x36: {  	[sflag:s4] =	ssyncadd.s32 $0xFFFFE000;
	s17 =	sor.u32 $0x40, s17  }
0x37: {  	s16 =	smul.u32 $0x8200, s16;
	v0 =	vld [tilespmem:s17+$0x30]  }
0x38: {  	v1 =	vld [tilespmem:s17+$0xFFFFFFD0]  }
0x39: {  	s16 =	sshrl.u32 s16, $0x2;
	v5 =	vld [tilespmem:s17+$0xFFFFFFE0]  }
0x3a: {  	v6 =	vld [tilespmem:s17+$0xFFFFFFF0];
	s19 =	sor.u32 $0x4000, s16  }
0x3b: {  	s31 =	sand.u32 $0x1, s13;
	v4 =	vld [tilespmem:s17+$0x0];
	s18 =	sadd.s32 $0x0, s19  }
0x3c: {  	v3 =	vld [tilespmem:s17+$0x10];
	s16 =	smul.u32 $0x8200, s31;
	[tilespmem:s18+$0x1C70 ss:$0x41] =	vst.msk $0xffff, v0  }
0x3d: {  	v2 =	vld [tilespmem:s17+$0x20];
	[tilespmem:s18+$0x410 ss:$0x41] =	vst.msk $0xffff, v1  }
0x3e: {  	s16 =	sshrl.u32 s16, $0x2;
	v1 =	vld [tilespmem:s17+$0xFFFFFFC0];
	[tilespmem:s18+$0x820 ss:$0x41] =	vst.msk $0xffff, v5;
	s17 =	sadd.s32 $0x80, s17  }
0x3f: {  	s20 =	simm.s32 $0x4;
	s21 =	simm.s32 $0x8;
	s16 =	sor.u32 $0x4000, s16;
	[tilespmem:s18+$0xC30 ss:$0x41] =	vst.msk $0xffff, v6;
	v0 =	vld [tilespmem:s17+$0x30]  }
.LBB1_3:
0x40: {  	p1 =	sne.s32 s21, $0xFC;
	v5 =	vld [tilespmem:s17+$0xFFFFFFD0];
	[tilespmem:s18+$0x1040 ss:$0x41] =	vst.msk $0xffff, v4  }
0x41: {  	v6 =	vld [tilespmem:s17+$0xFFFFFFE0];
	[tilespmem:s18+$0x1450 ss:$0x41] =	vst.msk $0xffff, v3  }
0x42: {  	s22 =	sshra.s32 s20, $0x2;
	s20 =	smov.u32 s21;
	v7 =	vld [tilespmem:s17+$0xFFFFFFF0];
	[tilespmem:s18+$0x1860 ss:$0x41] =	vst.msk $0xffff, v2  }
.Ltmp3:
0x43: {  	v4 =	vld [tilespmem:s17+$0x0];
	[tilespmem:s18+$0x0 ss:$0x41] =	vst.msk $0xffff, v1;
	s18 =	sadd.s32 s22, s19;
	(pc) =	sbr.rel @p1 .LBB1_3-.Ltmp3, $4  }
0x44: {  	v3 =	vld [tilespmem:s17+$0x10];
	[tilespmem:s18+$0x1C70 ss:$0x41] =	vst.msk $0xffff, v0  }
0x45: {  	[tilespmem:s18+$0x410 ss:$0x41] =	vst.msk $0xffff, v5;
	v2 =	vld [tilespmem:s17+$0x20]  }
0x46: {  	v1 =	vld [tilespmem:s17+$0xFFFFFFC0];
	[tilespmem:s18+$0x820 ss:$0x41] =	vst.msk $0xffff, v6;
	s17 =	sadd.s32 $0x80, s17  }
0x47: {  	s21 =	sadd.s32 $0x4, s21;
	v0 =	vld [tilespmem:s17+$0x30];
	[tilespmem:s18+$0xC30 ss:$0x41] =	vst.msk $0xffff, v7  }
0x48: {  	s21 =	sshll.u32 s9, $0x7;
	s22 =	sshll.u32 s10, $0x3;
	s20 =	sshra.s32 s20, $0x2  }
0x49: {  	p1 =	sgt.s32 s9, $0xF41C0;
	s30 =	sshra.s32 s9, $0x1F;
	s25 =	sshra.s32 s10, $0x1F  }
0x4a: {  	v5 =	vld [tilespmem:s17+$0xFFFFFFD0];
	s28 =	sshrl.u32 s10, $0x3;
	s23 =	sand.u32 $0xFFFFFC00, s21;
	s22 =	sand.u32 $0xFFFFFC00, s22  }
0x4b: {  	[tilespmem:s18+$0x1040 ss:$0x41] =	vst.msk $0xffff, v4;
	v58 =	vld [tilespmem:s17+$0xFFFFFFE0];
	s21 =	sand.u32 $0x380, s21;
	s19 =	sadd.s32 s20, s19;
	s22 =	sadd.s32 s22, s23  }
0x4c: {  	v59 =	vld [tilespmem:s17+$0xFFFFFFF0];
	[tilespmem:s18+$0x1450 ss:$0x41] =	vst.msk $0xffff, v3;
	s29 =	sor.u32 s21, s22;
	s21 =	smov.u32 s9;
	s22 =	sand.u32 s30, s9  }
0x4d: {  	v60 =	vld [tilespmem:s17+$0x0];
	[tilespmem:s18+$0x1860 ss:$0x41] =	vst.msk $0xffff, v2;
	s30 =	sand.u32 $0x7, s10;
	s20 =	sshrl.u32 s29, $0x7;
	s21 =	simm.s32 @!p1 $0xF41C0  }
0x4e: {  	v61 =	vld [tilespmem:s17+$0x10];
	[tilespmem:s18+$0x0 ss:$0x41] =	vst.msk $0xffff, v1;
	p1 =	sgt.s32 s10, $0x40;
	s24 =	ssub.s32 s21, s22;
	s21 =	smov.u32 s10  }
0x4f: {  	v62 =	vld [tilespmem:s17+$0x20];
	[tilespmem:s19+$0x1C70 ss:$0x41] =	vst.msk $0xffff, v0;
	s31 =	smulhi.u32 $0x218DEF5, s20;
	s22 =	sand.u32 s25, s10;
	s21 =	simm.s32 @!p1 $0x40  }
0x50: {  	v63 =	vld [tilespmem:s17+$0xFFFFFFC0];
	[tilespmem:s19+$0x410 ss:$0x41] =	vst.msk $0xffff, v5;
	s26 =	sadd.s32 $0xFFF0BE40, s24;
	s17 =	ssub.s32 $0xF4240, s24;
	s21 =	ssub.s32 s21, s22  }
0x51: {  	[tilespmem:s19+$0x820 ss:$0x41] =	vst.msk $0xffff, v58;
	s23 =	sshrl.u32 s31, $0xD;
	p1 =	sgt.s32 s26, $0x7F;
	s27 =	sadd.s32 $0xFFFFFFC0, s21  }
0x52: {  	[tilespmem:s19+$0xC30 ss:$0x41] =	vst.msk $0xffff, v59;
	s23 =	smul.u32 $0xF4240, s23;
	s18 =	ssub.s32 $0x80, s21;
	p2 =	sgt.s32 s27, $0x3F  }
.Ltmp4:
0x53: {  	[tilespmem:s19+$0x1040 ss:$0x41] =	vst.msk $0xffff, v60;
	s17 =	simm.s32 @p1 $0x0;
	s18 =	simm.s32 @p2 $0x0;
	(pc) =	sbr.rel .LBB1_5-.Ltmp4, $4  }
0x54: {  	s29 =	sand.u32 $0xF, s28;
	[tilespmem:s19+$0x1450 ss:$0x41] =	vst.msk $0xffff, v61;
	s20 =	ssub.s32 s20, s23;
	s17 =	smul.u32 s18, s17  }
0x55: {  	[tilespmem:s19+$0x1860 ss:$0x41] =	vst.msk $0xffff, v62;
	s21 =	sshll.u32 s30, $0x12;
	s20 =	sshll.u32 s20, $0x4;
	s18 =	sadd.s32 s5, s29  }
0x56: {  	[tilespmem:s19+$0x0 ss:$0x41] =	vst.msk $0xffff, v63;
	s31 =	sor.u32 $0x40, s21;
	s18 =	sadd.s32 s20, s18;
	s17 =	sand.u32 $0x3FFFFFFF, s17  }
0x57: {  	[hbm4b:s18+s31] =	stream.strided.scatter [tilespmem:s16], [sflag:$0x2], s17, s8, s31, $0x18;
	[tilespmem:$0x8100] =	vst v63  }
.LBB1_6:
0x58: {  	_ =	sfence.sel $0x180000  }
0x59: {  	s2 =	simm.s32 $0x1;
	[bflag:$0x0] =	sbarrier.arrive $0xFFFF  }
0x5a: {  	s31 =	simm.s32 $0x2;
	[sflag:s2] =	ssyncpa.u1 $0x1  }
0x5b: {  	[sflag:s31] =	ssyncpa.u1 $0x1  }
0x5c: {  	p0 =	sne.s32 s1, $0x0;
	_ =	strace $0x90000047  }
0x5d: {  	s0 =	sadd.s32 @!p0 $0x100000, s0;
	[bflag:$0x2] =	sbarrier.arrive $0xFFFF  }
0x5e: {  	[sflag:s0] =	ssyncadd.tile.s32 @!p0 $0x1;
	_ =	shalt  }
.Lfunc_end1:
_tile_overlayer_lowered:
.L_overlay_start_2:
0x5f: {  	(tag) =	ssettag $0x2  }
0x60: {  	s0 =	rddreg [dreg:$0x0];
	s2 =	stileid.u32  }
0x61: {  	s1 =	rddreg [dreg:$0x1];
	p0 =	sne.s32 s2, $0x0  }
0x62: {  	s3 =	rddreg [dreg:$0x2];
	[bflag:$0x3] =	sbarrier.arrive $0xFFFF;
	s2 =	simm.s32 @!p0 $0x1C01  }
0x63: {  	[timem:s3], [sflag:s2] =	dma.local @!p0 [hbm:s0], s1  }
0x64: {  	s0 =	simm.s32 @!p0 $0x1  }
0x65: {  	_ =	swait.ge @!p0 [sflag:s0], s1  }
0x66: {  	s1 =	ssub.s32 @!p0 $0x0, s1;
	[sflag:s0] =	ssyncset.done @!p0 $0x0  }
0x67: {  	[sflag:s0] =	ssyncadd.s32 @!p0 s1  }
0x68: {  	[bflag:$0x3] =	sbarrier.arrive $0xFFFF  }
0x69: {  	_ =	shalt  }

</sc_bundles>
